<compile_context>
chip_gen: v7x
topology: tpu7x:2x2x1
jax: 0.10.2.dev20260603
libtpu: 0.0.44.dev20260713+nightly
codegen_flags: <defaults>
</compile_context>

<pallas_src>
import functools

import jax
import jax.numpy as jnp
from jax import lax
from jax.experimental import pallas as pl
from jax.experimental.pallas import tpu as pltpu
from jax.experimental.pallas import tpu_sc as plsc

SEG = 1024
NC = 2
NS = 16
NW = NC * NS


def _score_body(x_ref, w1_ref, b1_ref, w2_ref, w2r_ref, b2_ref,
                wx_ref, e_ref):
    x = x_ref[...]
    h = jnp.tanh(
        jax.lax.dot_general(x, w1_ref[...], (((1,), (0,)), ((), ())),
                            preferred_element_type=jnp.float32)
        + b1_ref[...])
    s = jax.lax.dot_general(h, w2_ref[...], (((1,), (0,)), ((), ())),
                            preferred_element_type=jnp.float32) + b2_ref[...]
    wx_ref[...] = x * jnp.exp(s)
    s_row = jax.lax.dot_general(w2r_ref[...], h, (((1,), (1,)), ((), ())),
                                preferred_element_type=jnp.float32)
    e_ref[...] = jnp.exp(s_row + b2_ref[...])[None]


def _scores_premul(x, w1, b1, w2, b2, block_rows, row_start=0,
                   row_count=None, interpret=False):
    n, d = x.shape
    nh = n if row_count is None else row_count
    grid = nh // block_rows
    blk0 = row_start // block_rows
    wx, e = pl.pallas_call(
        _score_body,
        grid=(grid,),
        in_specs=[
            pl.BlockSpec((block_rows, d), lambda i: (i + blk0, 0)),
            pl.BlockSpec((d, w1.shape[1]), lambda i: (0, 0)),
            pl.BlockSpec((1, w1.shape[1]), lambda i: (0, 0)),
            pl.BlockSpec((w1.shape[1], 1), lambda i: (0, 0)),
            pl.BlockSpec((1, w1.shape[1]), lambda i: (0, 0)),
            pl.BlockSpec((1, 1), lambda i: (0, 0)),
        ],
        out_specs=[
            pl.BlockSpec((block_rows, d), lambda i: (i, 0)),
            pl.BlockSpec((1, 1, block_rows), lambda i: (i, 0, 0)),
        ],
        out_shape=[
            jax.ShapeDtypeStruct((nh, d), jnp.float32),
            jax.ShapeDtypeStruct((grid, 1, block_rows), jnp.float32),
        ],
        interpret=interpret,
    )(x, w1, b1.reshape(1, -1), w2, w2.reshape(1, -1), b2.reshape(1, 1))
    return wx, e.reshape(nh)


def _sc_scatter_call(wx, e, batch, chunk):
    n, d = wx.shape
    rows_per_w = n // NW
    n_chunks = rows_per_w // chunk
    mesh = plsc.VectorSubcoreMesh(core_axis_name="c", subcore_axis_name="s")
    seg_per_sub = SEG // NS
    n_pairs = (n_chunks - 1) // 2

    @functools.partial(
        pl.kernel,
        out_type=[
            jax.ShapeDtypeStruct((NC, SEG, d), jnp.float32),
            jax.ShapeDtypeStruct((NC, SEG), jnp.float32),
        ],
        mesh=mesh,
        scratch_types=[
            pltpu.VMEM((chunk, d), jnp.float32),
            pltpu.VMEM((chunk, d), jnp.float32),
            pltpu.VMEM((chunk,), jnp.float32),
            pltpu.VMEM((chunk,), jnp.float32),
            pltpu.VMEM((chunk,), jnp.int32),
            pltpu.VMEM((chunk,), jnp.int32),
            pltpu.VMEM_SHARED((SEG, d), jnp.float32),
            pltpu.VMEM_SHARED((SEG,), jnp.float32),
            pltpu.SemaphoreType.DMA,
            pltpu.SemaphoreType.DMA,
            pltpu.SemaphoreType.DMA,
            pltpu.SemaphoreType.DMA,
        ],
    )
    def sc_kernel(wx_hbm, e_hbm, batch_hbm, acc_hbm, den_hbm,
                  rows0, rows1, e0, e1, idx0, idx1, acc_sh, den_sh,
                  semA, semB, semDA, semDB):
        cid = lax.axis_index("c")
        sid = lax.axis_index("s")
        base = (cid * NS + sid) * rows_per_w

        zeros16 = jnp.zeros((16,), jnp.float32)

        def zrow(r, _):
            for t in range(d // 16):
                rows0[r, pl.ds(t * 16, 16)] = zeros16
            return 0

        lax.fori_loop(0, chunk, zrow, 0)
        for t in range(chunk // 16):
            e0[pl.ds(t * 16, 16)] = zeros16
        pltpu.sync_copy(rows0.at[pl.ds(0, seg_per_sub)],
                        acc_sh.at[pl.ds(sid * seg_per_sub, seg_per_sub)])
        pltpu.sync_copy(e0.at[pl.ds(0, seg_per_sub)],
                        den_sh.at[pl.ds(sid * seg_per_sub, seg_per_sub)])
        plsc.subcore_barrier()

        def gather(c, rows, ev, idxv, sem):
            off = base + c * chunk
            pltpu.async_copy(wx_hbm.at[pl.ds(off, chunk)], rows, sem)
            pltpu.async_copy(e_hbm.at[pl.ds(off, chunk)], ev, sem)
            pltpu.async_copy(batch_hbm.at[pl.ds(off, chunk)], idxv, sem)

        def drain(rows, ev, idxv, sem):
            pltpu.make_async_copy(wx_hbm.at[pl.ds(0, chunk)], rows, sem).wait()
            pltpu.make_async_copy(e_hbm.at[pl.ds(0, chunk)], ev, sem).wait()
            pltpu.make_async_copy(batch_hbm.at[pl.ds(0, chunk)], idxv,
                                  sem).wait()

        def scatter(rows, ev, idxv, dsem):
            pltpu.async_copy(ev, den_sh.at[idxv], dsem, add=True)
            pltpu.sync_copy(rows, acc_sh.at[idxv], add=True)
            pltpu.make_async_copy(ev, den_sh.at[idxv], dsem).wait()

        gather(0, rows0, e0, idx0, semA)

        def body(kk, _):
            gather(2 * kk + 1, rows1, e1, idx1, semB)
            drain(rows0, e0, idx0, semA)
            scatter(rows0, e0, idx0, semDA)
            gather(2 * kk + 2, rows0, e0, idx0, semA)
            drain(rows1, e1, idx1, semB)
            scatter(rows1, e1, idx1, semDB)
            return 0

        lax.fori_loop(0, n_pairs, body, 0)
        if n_chunks % 2 == 0:
            gather(n_chunks - 1, rows1, e1, idx1, semB)
        drain(rows0, e0, idx0, semA)
        scatter(rows0, e0, idx0, semDA)
        if n_chunks % 2 == 0:
            drain(rows1, e1, idx1, semB)
            scatter(rows1, e1, idx1, semDB)
        plsc.subcore_barrier()

        pltpu.sync_copy(
            acc_sh.at[pl.ds(sid * seg_per_sub, seg_per_sub)],
            acc_hbm.at[cid, pl.ds(sid * seg_per_sub, seg_per_sub)])
        pltpu.sync_copy(den_sh.at[pl.ds(sid * seg_per_sub, seg_per_sub)],
                        e0.at[pl.ds(0, seg_per_sub)])
        pltpu.sync_copy(e0.at[pl.ds(0, seg_per_sub)],
                        den_hbm.at[cid, pl.ds(sid * seg_per_sub, seg_per_sub)])

    return sc_kernel(wx, e, batch)


def _norm_body(*refs):
    o_ref = refs[-1]
    nparts = (len(refs) - 1) // 2
    acc_refs = refs[:nparts]
    den_refs = refs[nparts:-1]
    a = sum(r[0] + r[1] for r in acc_refs)
    dsum = sum(r[0] + r[1] for r in den_refs)
    o_ref[...] = a / jnp.where(dsum > 0, dsum, 1.0)[:, None]


def _normalize(accs, dens, interpret=False):
    _, seg, d = accs[0].shape
    return pl.pallas_call(
        _norm_body,
        out_shape=jax.ShapeDtypeStruct((seg, d), jnp.float32),
        interpret=interpret,
    )(*accs, *dens)


def kernel(node_features, batch, W1, b1, W2, b2):
    n = node_features.shape[0]
    bounds = [0, 102400, 204800, n]
    chunks = [128, 128, 80]
    parts = []
    for lo, hi, ck in zip(bounds[:-1], bounds[1:], chunks):
        wx_p, e_p = _scores_premul(node_features, W1, b1, W2, b2,
                                   block_rows=12800, row_start=lo,
                                   row_count=hi - lo)
        parts.append(_sc_scatter_call(
            wx_p, e_p, lax.slice(batch, (lo,), (hi,)), chunk=ck))
    accs = [p[0] for p in parts]
    dens = [p[1] for p in parts]
    return _normalize(accs, dens)

# --- scband reference (transcript-rebuilt; emitter-appended) ---
"""Pipeline reference for scband-attention-aggregator-48601849921795 (READ-ONLY COPY).

The authoritative reference and input builder live on the scoring server;
editing this copy changes nothing except your own understanding.
"""

import jax, jax.numpy as jnp
import numpy as np

N = 320000
D = 128
H = 128
S = 1024


def setup_inputs(seed: int = 0) -> dict:
    key = jax.random.key(seed)
    k1, k2, k3, k4 = jax.random.split(key, 4)
    node_features = jax.random.normal(k1, (N, D), dtype=jnp.float32)
    batch = jnp.sort(jax.random.randint(k2, (N,), 0, S, dtype=jnp.int32))
    # attention MLP params: Linear(D->H), Tanh, Linear(H->1)
    W1 = jax.random.normal(k3, (D, H), dtype=jnp.float32) * (1.0 / np.sqrt(D))
    b1 = jnp.zeros((H,), dtype=jnp.float32)
    W2 = jax.random.normal(k4, (H, 1), dtype=jnp.float32) * (1.0 / np.sqrt(H))
    b2 = jnp.zeros((1,), dtype=jnp.float32)
    return {"node_features": node_features, "batch": batch, "W1": W1, "b1": b1, "W2": W2, "b2": b2}


def reference(node_features, batch, W1, b1, W2, b2):
    # attn_scores = Linear(tanh(Linear(x)))  -> [N, 1]
    scores = jnp.tanh(node_features @ W1 + b1) @ W2 + b2
    scores = scores[:, 0]  # [N]
    num_segments = S
    # per-segment softmax (numerically stable, same math as F.softmax per group)
    seg_max = jax.ops.segment_max(scores, batch, num_segments=num_segments)
    seg_max = jnp.where(jnp.isfinite(seg_max), seg_max, 0.0)  # empty segments
    ex = jnp.exp(scores - seg_max[batch])
    denom = jax.ops.segment_sum(ex, batch, num_segments=num_segments)
    safe_denom = jnp.where(denom > 0, denom, 1.0)
    weights = ex / safe_denom[batch]  # [N]
    # weighted sum per segment; empty segments naturally yield zeros
    aggregated = jax.ops.segment_sum(node_features * weights[:, None], batch, num_segments=num_segments)
    return aggregated

if __name__ == "__main__":
    import jax
    _d = setup_inputs()
    print(jax.jit(kernel)(*tuple(_d.values())))

</pallas_src>

<mosaic_0001>
#map = affine_map<(d0, d1) -> (0, 0)>
#map1 = affine_map<(d0, d1) -> (0)>
#map2 = affine_map<(d0, d1) -> (0, 0, 0)>
module attributes {stable_mosaic.version = 14 : i64} {
  func.func @sc_kernel(%arg0: i32, %arg1: i32, %arg2: memref<102400x128xf32, #tpu.memory_space<hbm>>, %arg3: memref<102400xf32, #tpu.memory_space<hbm>>, %arg4: memref<102400xi32, #tpu.memory_space<hbm>>, %arg5: memref<2x1024x128xf32, #tpu.memory_space<hbm>>, %arg6: memref<2x1024xf32, #tpu.memory_space<hbm>>, %arg7: memref<128x128xf32, #tpu.memory_space<vmem>>, %arg8: memref<128x128xf32, #tpu.memory_space<vmem>>, %arg9: memref<128xf32, #tpu.memory_space<vmem>>, %arg10: memref<128xf32, #tpu.memory_space<vmem>>, %arg11: memref<128xi32, #tpu.memory_space<vmem>>, %arg12: memref<128xi32, #tpu.memory_space<vmem>>, %arg13: memref<1024x128xf32, #tpu.memory_space<vmem_shared>>, %arg14: memref<1024xf32, #tpu.memory_space<vmem_shared>>, %arg15: memref<!tpu.dma_semaphore, #tpu.memory_space<semaphore_mem>>, %arg16: memref<!tpu.dma_semaphore, #tpu.memory_space<semaphore_mem>>, %arg17: memref<!tpu.dma_semaphore, #tpu.memory_space<semaphore_mem>>, %arg18: memref<!tpu.dma_semaphore, #tpu.memory_space<semaphore_mem>>) attributes {dimension_semantics = [#tpu.dimension_semantics<core_parallel>, #tpu.dimension_semantics<subcore_parallel>], iteration_bounds = array<i64: 2, 16>, scalar_prefetch = 0 : i64, scratch_operands = 12 : i64, tpu.core_type = #tpu.core_type<sc_vector_subcore>, window_params = [{transform_indices = #map}, {transform_indices = #map1}, {transform_indices = #map1}, {transform_indices = #map2}, {transform_indices = #map}]} {
    %mul3A = arith.constant 16 : i32
    %mul3A_0 = arith.muli %arg0, %mul3A : i32
    %add3A = arith.addi %mul3A_0, %arg1 : i32
    %mul3A_1 = arith.constant 3200 : i32
    %mul3A_2 = arith.muli %add3A, %mul3A_1 : i32
    %broadcast_in_dim3A = arith.constant 0.000000e+00 : f32
    %broadcast_in_dim3A_3 = vector.broadcast %broadcast_in_dim3A : f32 to vector<16xf32>
    %scan3A = arith.constant 0 : i32
    %scan3A_4 = arith.constant 0 : i32
    %scan3A_5 = arith.constant 128 : i32
    %scan3A_6 = arith.addi %scan3A_4, %scan3A_5 : i32
    %scan3A_7 = arith.constant 1 : i32
    %scan3A_8 = scf.for %scan3A_87 = %scan3A_4 to %scan3A_6 step %scan3A_7 iter_args(%scan3A_88 = %scan3A) -> (i32)  : i32 {
      %swap3A_89 = arith.index_cast %scan3A_87 : i32 to index
      %swap3A_90 = arith.constant 0 : index
      %swap3A_91 = tpu.vector_load %arg7[%swap3A_89, %swap3A_90] {strides = array<i32>} : memref<128x128xf32, #tpu.memory_space<vmem>>, vector<1x16xf32>,
      %swap3A_92 = vector.shape_cast %swap3A_91 : vector<1x16xf32> to vector<16xf32>
      %swap3A_93 = vector.shape_cast %broadcast_in_dim3A_3 : vector<16xf32> to vector<1x16xf32>
      tpu.vector_store %arg7[%swap3A_89, %swap3A_90], %swap3A_93 {strides = array<i32>} : memref<128x128xf32, #tpu.memory_space<vmem>>, vector<1x16xf32>,
      %swap3A_94 = arith.index_cast %scan3A_87 : i32 to index
      %swap3A_95 = arith.constant 16 : index
      %swap3A_96 = tpu.vector_load %arg7[%swap3A_94, %swap3A_95] {strides = array<i32>} : memref<128x128xf32, #tpu.memory_space<vmem>>, vector<1x16xf32>,
      %swap3A_97 = vector.shape_cast %swap3A_96 : vector<1x16xf32> to vector<16xf32>
      %swap3A_98 = vector.shape_cast %broadcast_in_dim3A_3 : vector<16xf32> to vector<1x16xf32>
      tpu.vector_store %arg7[%swap3A_94, %swap3A_95], %swap3A_98 {strides = array<i32>} : memref<128x128xf32, #tpu.memory_space<vmem>>, vector<1x16xf32>,
      %swap3A_99 = arith.index_cast %scan3A_87 : i32 to index
      %swap3A_100 = arith.constant 32 : index
      %swap3A_101 = tpu.vector_load %arg7[%swap3A_99, %swap3A_100] {strides = array<i32>} : memref<128x128xf32, #tpu.memory_space<vmem>>, vector<1x16xf32>,
      %swap3A_102 = vector.shape_cast %swap3A_101 : vector<1x16xf32> to vector<16xf32>
      %swap3A_103 = vector.shape_cast %broadcast_in_dim3A_3 : vector<16xf32> to vector<1x16xf32>
      tpu.vector_store %arg7[%swap3A_99, %swap3A_100], %swap3A_103 {strides = array<i32>} : memref<128x128xf32, #tpu.memory_space<vmem>>, vector<1x16xf32>,
      %swap3A_104 = arith.index_cast %scan3A_87 : i32 to index
      %swap3A_105 = arith.constant 48 : index
      %swap3A_106 = tpu.vector_load %arg7[%swap3A_104, %swap3A_105] {strides = array<i32>} : memref<128x128xf32, #tpu.memory_space<vmem>>, vector<1x16xf32>,
      %swap3A_107 = vector.shape_cast %swap3A_106 : vector<1x16xf32> to vector<16xf32>
      %swap3A_108 = vector.shape_cast %broadcast_in_dim3A_3 : vector<16xf32> to vector<1x16xf32>
      tpu.vector_store %arg7[%swap3A_104, %swap3A_105], %swap3A_108 {strides = array<i32>} : memref<128x128xf32, #tpu.memory_space<vmem>>, vector<1x16xf32>,
      %swap3A_109 = arith.index_cast %scan3A_87 : i32 to index
      %swap3A_110 = arith.constant 64 : index
      %swap3A_111 = tpu.vector_load %arg7[%swap3A_109, %swap3A_110] {strides = array<i32>} : memref<128x128xf32, #tpu.memory_space<vmem>>, vector<1x16xf32>,
      %swap3A_112 = vector.shape_cast %swap3A_111 : vector<1x16xf32> to vector<16xf32>
      %swap3A_113 = vector.shape_cast %broadcast_in_dim3A_3 : vector<16xf32> to vector<1x16xf32>
      tpu.vector_store %arg7[%swap3A_109, %swap3A_110], %swap3A_113 {strides = array<i32>} : memref<128x128xf32, #tpu.memory_space<vmem>>, vector<1x16xf32>,
      %swap3A_114 = arith.index_cast %scan3A_87 : i32 to index
      %swap3A_115 = arith.constant 80 : index
      %swap3A_116 = tpu.vector_load %arg7[%swap3A_114, %swap3A_115] {strides = array<i32>} : memref<128x128xf32, #tpu.memory_space<vmem>>, vector<1x16xf32>,
      %swap3A_117 = vector.shape_cast %swap3A_116 : vector<1x16xf32> to vector<16xf32>
      %swap3A_118 = vector.shape_cast %broadcast_in_dim3A_3 : vector<16xf32> to vector<1x16xf32>
      tpu.vector_store %arg7[%swap3A_114, %swap3A_115], %swap3A_118 {strides = array<i32>} : memref<128x128xf32, #tpu.memory_space<vmem>>, vector<1x16xf32>,
      %swap3A_119 = arith.index_cast %scan3A_87 : i32 to index
      %swap3A_120 = arith.constant 96 : index
      %swap3A_121 = tpu.vector_load %arg7[%swap3A_119, %swap3A_120] {strides = array<i32>} : memref<128x128xf32, #tpu.memory_space<vmem>>, vector<1x16xf32>,
      %swap3A_122 = vector.shape_cast %swap3A_121 : vector<1x16xf32> to vector<16xf32>
      %swap3A_123 = vector.shape_cast %broadcast_in_dim3A_3 : vector<16xf32> to vector<1x16xf32>
      tpu.vector_store %arg7[%swap3A_119, %swap3A_120], %swap3A_123 {strides = array<i32>} : memref<128x128xf32, #tpu.memory_space<vmem>>, vector<1x16xf32>,
      %swap3A_124 = arith.index_cast %scan3A_87 : i32 to index
      %swap3A_125 = arith.constant 112 : index
      %swap3A_126 = tpu.vector_load %arg7[%swap3A_124, %swap3A_125] {strides = array<i32>} : memref<128x128xf32, #tpu.memory_space<vmem>>, vector<1x16xf32>,
      %swap3A_127 = vector.shape_cast %swap3A_126 : vector<1x16xf32> to vector<16xf32>
      %swap3A_128 = vector.shape_cast %broadcast_in_dim3A_3 : vector<16xf32> to vector<1x16xf32>
      tpu.vector_store %arg7[%swap3A_124, %swap3A_125], %swap3A_128 {strides = array<i32>} : memref<128x128xf32, #tpu.memory_space<vmem>>, vector<1x16xf32>,
      %scan3A_129 = arith.constant 0 : i32
      scf.yield %scan3A_129 : i32
    }
    %scan3A_9 = arith.constant 128 : i32
    %swap3A = arith.constant 0 : index
    %swap3A_10 = tpu.vector_load %arg9[%swap3A] {strides = array<i32>} : memref<128xf32, #tpu.memory_space<vmem>>, vector<16xf32>,
    %swap3A_11 = vector.shape_cast %swap3A_10 : vector<16xf32> to vector<16xf32>
    %swap3A_12 = vector.shape_cast %broadcast_in_dim3A_3 : vector<16xf32> to vector<16xf32>
    tpu.vector_store %arg9[%swap3A], %swap3A_12 {strides = array<i32>} : memref<128xf32, #tpu.memory_space<vmem>>, vector<16xf32>,
    %swap3A_13 = arith.constant 16 : index
    %swap3A_14 = tpu.vector_load %arg9[%swap3A_13] {strides = array<i32>} : memref<128xf32, #tpu.memory_space<vmem>>, vector<16xf32>,
    %swap3A_15 = vector.shape_cast %swap3A_14 : vector<16xf32> to vector<16xf32>
    %swap3A_16 = vector.shape_cast %broadcast_in_dim3A_3 : vector<16xf32> to vector<16xf32>
    tpu.vector_store %arg9[%swap3A_13], %swap3A_16 {strides = array<i32>} : memref<128xf32, #tpu.memory_space<vmem>>, vector<16xf32>,
    %swap3A_17 = arith.constant 32 : index
    %swap3A_18 = tpu.vector_load %arg9[%swap3A_17] {strides = array<i32>} : memref<128xf32, #tpu.memory_space<vmem>>, vector<16xf32>,
    %swap3A_19 = vector.shape_cast %swap3A_18 : vector<16xf32> to vector<16xf32>
    %swap3A_20 = vector.shape_cast %broadcast_in_dim3A_3 : vector<16xf32> to vector<16xf32>
    tpu.vector_store %arg9[%swap3A_17], %swap3A_20 {strides = array<i32>} : memref<128xf32, #tpu.memory_space<vmem>>, vector<16xf32>,
    %swap3A_21 = arith.constant 48 : index
    %swap3A_22 = tpu.vector_load %arg9[%swap3A_21] {strides = array<i32>} : memref<128xf32, #tpu.memory_space<vmem>>, vector<16xf32>,
    %swap3A_23 = vector.shape_cast %swap3A_22 : vector<16xf32> to vector<16xf32>
    %swap3A_24 = vector.shape_cast %broadcast_in_dim3A_3 : vector<16xf32> to vector<16xf32>
    tpu.vector_store %arg9[%swap3A_21], %swap3A_24 {strides = array<i32>} : memref<128xf32, #tpu.memory_space<vmem>>, vector<16xf32>,
    %swap3A_25 = arith.constant 64 : index
    %swap3A_26 = tpu.vector_load %arg9[%swap3A_25] {strides = array<i32>} : memref<128xf32, #tpu.memory_space<vmem>>, vector<16xf32>,
    %swap3A_27 = vector.shape_cast %swap3A_26 : vector<16xf32> to vector<16xf32>
    %swap3A_28 = vector.shape_cast %broadcast_in_dim3A_3 : vector<16xf32> to vector<16xf32>
    tpu.vector_store %arg9[%swap3A_25], %swap3A_28 {strides = array<i32>} : memref<128xf32, #tpu.memory_space<vmem>>, vector<16xf32>,
    %swap3A_29 = arith.constant 80 : index
    %swap3A_30 = tpu.vector_load %arg9[%swap3A_29] {strides = array<i32>} : memref<128xf32, #tpu.memory_space<vmem>>, vector<16xf32>,
    %swap3A_31 = vector.shape_cast %swap3A_30 : vector<16xf32> to vector<16xf32>
    %swap3A_32 = vector.shape_cast %broadcast_in_dim3A_3 : vector<16xf32> to vector<16xf32>
    tpu.vector_store %arg9[%swap3A_29], %swap3A_32 {strides = array<i32>} : memref<128xf32, #tpu.memory_space<vmem>>, vector<16xf32>,
    %swap3A_33 = arith.constant 96 : index
    %swap3A_34 = tpu.vector_load %arg9[%swap3A_33] {strides = array<i32>} : memref<128xf32, #tpu.memory_space<vmem>>, vector<16xf32>,
    %swap3A_35 = vector.shape_cast %swap3A_34 : vector<16xf32> to vector<16xf32>
    %swap3A_36 = vector.shape_cast %broadcast_in_dim3A_3 : vector<16xf32> to vector<16xf32>
    tpu.vector_store %arg9[%swap3A_33], %swap3A_36 {strides = array<i32>} : memref<128xf32, #tpu.memory_space<vmem>>, vector<16xf32>,
    %swap3A_37 = arith.constant 112 : index
    %swap3A_38 = tpu.vector_load %arg9[%swap3A_37] {strides = array<i32>} : memref<128xf32, #tpu.memory_space<vmem>>, vector<16xf32>,
    %swap3A_39 = vector.shape_cast %swap3A_38 : vector<16xf32> to vector<16xf32>
    %swap3A_40 = vector.shape_cast %broadcast_in_dim3A_3 : vector<16xf32> to vector<16xf32>
    tpu.vector_store %arg9[%swap3A_37], %swap3A_40 {strides = array<i32>} : memref<128xf32, #tpu.memory_space<vmem>>, vector<16xf32>,
    %mul3A_41 = arith.constant 64 : i32
    %mul3A_42 = arith.muli %arg1, %mul3A_41 : i32
    "tpu.region"() ({
      %run_scoped3A = tpu.sem_alloc : memref<!tpu.dma_semaphore, #tpu.memory_space<semaphore_mem>>
      %dma_start3A_87 = arith.constant 0 : i32
      %dma_start3A_88 = arith.constant 0 : i32
      %dma_start3A_89 = tpu.memref_slice %arg7[%dma_start3A_87, %dma_start3A_88] : memref<128x128xf32, #tpu.memory_space<vmem>> -> memref<64x128xf32, #tpu.memory_space<vmem>>
      %dma_start3A_90 = arith.constant 0 : i32
      %dma_start3A_91 = tpu.memref_slice %arg13[%mul3A_42, %dma_start3A_90] : memref<1024x128xf32, #tpu.memory_space<vmem_shared>> -> memref<64x128xf32, #tpu.memory_space<vmem_shared>>
      %dma_start3A_92 = arith.constant 0 : i32
      %dma_start3A_93 = tpu.memref_slice %arg13[%mul3A_42, %dma_start3A_92] : memref<1024x128xf32, #tpu.memory_space<vmem_shared>> -> memref<64x128xf32, #tpu.memory_space<vmem_shared>>
      %dma_start3A_94 = arith.constant 0 : i32
      %dma_start3A_95 = arith.constant 0 : i32
      %dma_start3A_96 = tpu.memref_slice %arg7[%dma_start3A_94, %dma_start3A_95] : memref<128x128xf32, #tpu.memory_space<vmem>> -> memref<64x128xf32, #tpu.memory_space<vmem>>
      tpu.enqueue_dma source(%dma_start3A_96 : memref<64x128xf32, #tpu.memory_space<vmem>>) target(%dma_start3A_93 : memref<64x128xf32, #tpu.memory_space<vmem_shared>>) target_semaphore(%run_scoped3A : memref<!tpu.dma_semaphore, #tpu.memory_space<semaphore_mem>>)
      %dma_wait3A_97 = arith.constant 0 : i32
      %dma_wait3A_98 = arith.constant 0 : i32
      %dma_wait3A_99 = tpu.memref_slice %arg7[%dma_wait3A_97, %dma_wait3A_98] : memref<128x128xf32, #tpu.memory_space<vmem>> -> memref<64x128xf32, #tpu.memory_space<vmem>>
      %dma_wait3A_100 = arith.constant 0 : i32
      %dma_wait3A_101 = tpu.memref_slice %arg13[%mul3A_42, %dma_wait3A_100] : memref<1024x128xf32, #tpu.memory_space<vmem_shared>> -> memref<64x128xf32, #tpu.memory_space<vmem_shared>>
      %dma_wait3A_102 = arith.constant 0 : i32
      %dma_wait3A_103 = tpu.memref_slice %arg13[%mul3A_42, %dma_wait3A_102] : memref<1024x128xf32, #tpu.memory_space<vmem_shared>> -> memref<64x128xf32, #tpu.memory_space<vmem_shared>>
      %dma_wait3A_104 = arith.constant 0 : i32
      %dma_wait3A_105 = arith.constant 0 : i32
      %dma_wait3A_106 = tpu.memref_slice %arg7[%dma_wait3A_104, %dma_wait3A_105] : memref<128x128xf32, #tpu.memory_space<vmem>> -> memref<64x128xf32, #tpu.memory_space<vmem>>
      tpu.wait_dma2 semaphore(%run_scoped3A : memref<!tpu.dma_semaphore, #tpu.memory_space<semaphore_mem>>) src(%dma_wait3A_106 : memref<64x128xf32, #tpu.memory_space<vmem>>) dst(%dma_wait3A_103 : memref<64x128xf32, #tpu.memory_space<vmem_shared>>)
      tpu.yield
    }) : () -> ()
    %mul3A_43 = arith.constant 64 : i32
    %mul3A_44 = arith.muli %arg1, %mul3A_43 : i32
    "tpu.region"() ({
      %run_scoped3A = tpu.sem_alloc : memref<!tpu.dma_semaphore, #tpu.memory_space<semaphore_mem>>
      %dma_start3A_87 = arith.constant 0 : i32
      %dma_start3A_88 = tpu.memref_slice %arg9[%dma_start3A_87] : memref<128xf32, #tpu.memory_space<vmem>> -> memref<64xf32, #tpu.memory_space<vmem>>
      %dma_start3A_89 = tpu.memref_slice %arg14[%mul3A_44] : memref<1024xf32, #tpu.memory_space<vmem_shared>> -> memref<64xf32, #tpu.memory_space<vmem_shared>>
      %dma_start3A_90 = tpu.memref_slice %arg14[%mul3A_44] : memref<1024xf32, #tpu.memory_space<vmem_shared>> -> memref<64xf32, #tpu.memory_space<vmem_shared>>
      %dma_start3A_91 = arith.constant 0 : i32
      %dma_start3A_92 = tpu.memref_slice %arg9[%dma_start3A_91] : memref<128xf32, #tpu.memory_space<vmem>> -> memref<64xf32, #tpu.memory_space<vmem>>
      tpu.enqueue_dma source(%dma_start3A_92 : memref<64xf32, #tpu.memory_space<vmem>>) target(%dma_start3A_90 : memref<64xf32, #tpu.memory_space<vmem_shared>>) target_semaphore(%run_scoped3A : memref<!tpu.dma_semaphore, #tpu.memory_space<semaphore_mem>>)
      %dma_wait3A_93 = arith.constant 0 : i32
      %dma_wait3A_94 = tpu.memref_slice %arg9[%dma_wait3A_93] : memref<128xf32, #tpu.memory_space<vmem>> -> memref<64xf32, #tpu.memory_space<vmem>>
      %dma_wait3A_95 = tpu.memref_slice %arg14[%mul3A_44] : memref<1024xf32, #tpu.memory_space<vmem_shared>> -> memref<64xf32, #tpu.memory_space<vmem_shared>>
      %dma_wait3A_96 = tpu.memref_slice %arg14[%mul3A_44] : memref<1024xf32, #tpu.memory_space<vmem_shared>> -> memref<64xf32, #tpu.memory_space<vmem_shared>>
      %dma_wait3A_97 = arith.constant 0 : i32
      %dma_wait3A_98 = tpu.memref_slice %arg9[%dma_wait3A_97] : memref<128xf32, #tpu.memory_space<vmem>> -> memref<64xf32, #tpu.memory_space<vmem>>
      tpu.wait_dma2 semaphore(%run_scoped3A : memref<!tpu.dma_semaphore, #tpu.memory_space<semaphore_mem>>) src(%dma_wait3A_98 : memref<64xf32, #tpu.memory_space<vmem>>) dst(%dma_wait3A_96 : memref<64xf32, #tpu.memory_space<vmem_shared>>)
      tpu.yield
    }) : () -> ()
    %barrier3A = arith.constant 0 : index
    tpu.barrier barrier_id(%barrier3A)
    %add3A_45 = arith.constant 0 : i32
    %add3A_46 = arith.addi %mul3A_2, %add3A_45 : i32
    %dma_start3A = arith.constant 0 : i32
    %dma_start3A_47 = tpu.memref_slice %arg2[%add3A_46, %dma_start3A] : memref<102400x128xf32, #tpu.memory_space<hbm>> -> memref<128x128xf32, #tpu.memory_space<hbm>>
    %dma_start3A_48 = arith.constant 0 : i32
    %dma_start3A_49 = tpu.memref_slice %arg2[%add3A_46, %dma_start3A_48] : memref<102400x128xf32, #tpu.memory_space<hbm>> -> memref<128x128xf32, #tpu.memory_space<hbm>>
    tpu.enqueue_dma source(%dma_start3A_49 : memref<128x128xf32, #tpu.memory_space<hbm>>) target(%arg7 : memref<128x128xf32, #tpu.memory_space<vmem>>) target_semaphore(%arg15 : memref<!tpu.dma_semaphore, #tpu.memory_space<semaphore_mem>>)
    %dma_start3A_50 = tpu.memref_slice %arg3[%add3A_46] : memref<102400xf32, #tpu.memory_space<hbm>> -> memref<128xf32, #tpu.memory_space<hbm>>
    %dma_start3A_51 = tpu.memref_slice %arg3[%add3A_46] : memref<102400xf32, #tpu.memory_space<hbm>> -> memref<128xf32, #tpu.memory_space<hbm>>
    tpu.enqueue_dma source(%dma_start3A_51 : memref<128xf32, #tpu.memory_space<hbm>>) target(%arg9 : memref<128xf32, #tpu.memory_space<vmem>>) target_semaphore(%arg15 : memref<!tpu.dma_semaphore, #tpu.memory_space<semaphore_mem>>)
    %dma_start3A_52 = tpu.memref_slice %arg4[%add3A_46] : memref<102400xi32, #tpu.memory_space<hbm>> -> memref<128xi32, #tpu.memory_space<hbm>>
    %dma_start3A_53 = tpu.memref_slice %arg4[%add3A_46] : memref<102400xi32, #tpu.memory_space<hbm>> -> memref<128xi32, #tpu.memory_space<hbm>>
    tpu.enqueue_dma source(%dma_start3A_53 : memref<128xi32, #tpu.memory_space<hbm>>) target(%arg11 : memref<128xi32, #tpu.memory_space<vmem>>) target_semaphore(%arg15 : memref<!tpu.dma_semaphore, #tpu.memory_space<semaphore_mem>>)
    %scan3A_54 = arith.constant 0 : i32
    %scan3A_55 = arith.constant 0 : i32
    %scan3A_56 = arith.constant 12 : i32
    %scan3A_57 = arith.addi %scan3A_55, %scan3A_56 : i32
    %scan3A_58 = arith.constant 1 : i32
    %scan3A_59 = scf.for %scan3A_87 = %scan3A_55 to %scan3A_57 step %scan3A_58 iter_args(%scan3A_88 = %scan3A_54) -> (i32)  : i32 {
      %mul3A_89 = arith.constant 2 : i32
      %mul3A_90 = arith.muli %mul3A_89, %scan3A_87 : i32
      %add3A_91 = arith.constant 1 : i32
      %add3A_92 = arith.addi %mul3A_90, %add3A_91 : i32
      %mul3A_93 = arith.constant 128 : i32
      %mul3A_94 = arith.muli %add3A_92, %mul3A_93 : i32
      %add3A_95 = arith.addi %mul3A_2, %mul3A_94 : i32
      %dma_start3A_96 = arith.constant 0 : i32
      %dma_start3A_97 = tpu.memref_slice %arg2[%add3A_95, %dma_start3A_96] : memref<102400x128xf32, #tpu.memory_space<hbm>> -> memref<128x128xf32, #tpu.memory_space<hbm>>
      %dma_start3A_98 = arith.constant 0 : i32
      %dma_start3A_99 = tpu.memref_slice %arg2[%add3A_95, %dma_start3A_98] : memref<102400x128xf32, #tpu.memory_space<hbm>> -> memref<128x128xf32, #tpu.memory_space<hbm>>
      tpu.enqueue_dma source(%dma_start3A_99 : memref<128x128xf32, #tpu.memory_space<hbm>>) target(%arg8 : memref<128x128xf32, #tpu.memory_space<vmem>>) target_semaphore(%arg16 : memref<!tpu.dma_semaphore, #tpu.memory_space<semaphore_mem>>)
      %dma_start3A_100 = tpu.memref_slice %arg3[%add3A_95] : memref<102400xf32, #tpu.memory_space<hbm>> -> memref<128xf32, #tpu.memory_space<hbm>>
      %dma_start3A_101 = tpu.memref_slice %arg3[%add3A_95] : memref<102400xf32, #tpu.memory_space<hbm>> -> memref<128xf32, #tpu.memory_space<hbm>>
      tpu.enqueue_dma source(%dma_start3A_101 : memref<128xf32, #tpu.memory_space<hbm>>) target(%arg10 : memref<128xf32, #tpu.memory_space<vmem>>) target_semaphore(%arg16 : memref<!tpu.dma_semaphore, #tpu.memory_space<semaphore_mem>>)
      %dma_start3A_102 = tpu.memref_slice %arg4[%add3A_95] : memref<102400xi32, #tpu.memory_space<hbm>> -> memref<128xi32, #tpu.memory_space<hbm>>
      %dma_start3A_103 = tpu.memref_slice %arg4[%add3A_95] : memref<102400xi32, #tpu.memory_space<hbm>> -> memref<128xi32, #tpu.memory_space<hbm>>
      tpu.enqueue_dma source(%dma_start3A_103 : memref<128xi32, #tpu.memory_space<hbm>>) target(%arg12 : memref<128xi32, #tpu.memory_space<vmem>>) target_semaphore(%arg16 : memref<!tpu.dma_semaphore, #tpu.memory_space<semaphore_mem>>)
      %dma_wait3A_104 = arith.constant 0 : i32
      %dma_wait3A_105 = arith.constant 0 : i32
      %dma_wait3A_106 = tpu.memref_slice %arg2[%dma_wait3A_104, %dma_wait3A_105] : memref<102400x128xf32, #tpu.memory_space<hbm>> -> memref<128x128xf32, #tpu.memory_space<hbm>>
      %dma_wait3A_107 = arith.constant 0 : i32
      %dma_wait3A_108 = arith.constant 0 : i32
      %dma_wait3A_109 = tpu.memref_slice %arg2[%dma_wait3A_107, %dma_wait3A_108] : memref<102400x128xf32, #tpu.memory_space<hbm>> -> memref<128x128xf32, #tpu.memory_space<hbm>>
      tpu.wait_dma2 semaphore(%arg15 : memref<!tpu.dma_semaphore, #tpu.memory_space<semaphore_mem>>) src(%dma_wait3A_109 : memref<128x128xf32, #tpu.memory_space<hbm>>) dst(%arg7 : memref<128x128xf32, #tpu.memory_space<vmem>>)
      %dma_wait3A_110 = arith.constant 0 : i32
      %dma_wait3A_111 = tpu.memref_slice %arg3[%dma_wait3A_110] : memref<102400xf32, #tpu.memory_space<hbm>> -> memref<128xf32, #tpu.memory_space<hbm>>
      %dma_wait3A_112 = arith.constant 0 : i32
      %dma_wait3A_113 = tpu.memref_slice %arg3[%dma_wait3A_112] : memref<102400xf32, #tpu.memory_space<hbm>> -> memref<128xf32, #tpu.memory_space<hbm>>
      tpu.wait_dma2 semaphore(%arg15 : memref<!tpu.dma_semaphore, #tpu.memory_space<semaphore_mem>>) src(%dma_wait3A_113 : memref<128xf32, #tpu.memory_space<hbm>>) dst(%arg9 : memref<128xf32, #tpu.memory_space<vmem>>)
      %dma_wait3A_114 = arith.constant 0 : i32
      %dma_wait3A_115 = tpu.memref_slice %arg4[%dma_wait3A_114] : memref<102400xi32, #tpu.memory_space<hbm>> -> memref<128xi32, #tpu.memory_space<hbm>>
      %dma_wait3A_116 = arith.constant 0 : i32
      %dma_wait3A_117 = tpu.memref_slice %arg4[%dma_wait3A_116] : memref<102400xi32, #tpu.memory_space<hbm>> -> memref<128xi32, #tpu.memory_space<hbm>>
      tpu.wait_dma2 semaphore(%arg15 : memref<!tpu.dma_semaphore, #tpu.memory_space<semaphore_mem>>) src(%dma_wait3A_117 : memref<128xi32, #tpu.memory_space<hbm>>) dst(%arg11 : memref<128xi32, #tpu.memory_space<vmem>>)
      %dma_start3A_118 = arith.constant 0 : i32
      %dma_start3A_119 = tpu.memref_slice %arg14[%dma_start3A_118] : memref<1024xf32, #tpu.memory_space<vmem_shared>> -> memref<1024xf32, #tpu.memory_space<vmem_shared>>
      tpu.enqueue_indirect_dma source(%arg9 : memref<128xf32, #tpu.memory_space<vmem>>) target(%dma_start3A_119 : memref<1024xf32, #tpu.memory_space<vmem_shared>>) offsets(%arg11 : memref<128xi32, #tpu.memory_space<vmem>>) semaphore(%arg17 : memref<!tpu.dma_semaphore, #tpu.memory_space<semaphore_mem>>) {add = true}
      "tpu.region"() ({
        %run_scoped3A = tpu.sem_alloc : memref<!tpu.dma_semaphore, #tpu.memory_space<semaphore_mem>>
        %dma_start3A_156 = arith.constant 0 : i32
        %dma_start3A_157 = arith.constant 0 : i32
        %dma_start3A_158 = tpu.memref_slice %arg13[%dma_start3A_156, %dma_start3A_157] : memref<1024x128xf32, #tpu.memory_space<vmem_shared>> -> memref<1024x128xf32, #tpu.memory_space<vmem_shared>>
        tpu.enqueue_indirect_dma source(%arg7 : memref<128x128xf32, #tpu.memory_space<vmem>>) target(%dma_start3A_158 : memref<1024x128xf32, #tpu.memory_space<vmem_shared>>) offsets(%arg11 : memref<128xi32, #tpu.memory_space<vmem>>) semaphore(%run_scoped3A : memref<!tpu.dma_semaphore, #tpu.memory_space<semaphore_mem>>) {add = true}
        %dma_wait3A_159 = arith.constant 0 : i32
        %dma_wait3A_160 = arith.constant 0 : i32
        %dma_wait3A_161 = tpu.memref_slice %arg13[%dma_wait3A_159, %dma_wait3A_160] : memref<1024x128xf32, #tpu.memory_space<vmem_shared>> -> memref<1024x128xf32, #tpu.memory_space<vmem_shared>>
        tpu.wait_indirect_dma semaphore(%run_scoped3A : memref<!tpu.dma_semaphore, #tpu.memory_space<semaphore_mem>>) src(%arg7 : memref<128x128xf32, #tpu.memory_space<vmem>>) dst(%dma_wait3A_161 : memref<1024x128xf32, #tpu.memory_space<vmem_shared>>)
        tpu.yield
      }) : () -> ()
      %dma_wait3A_120 = arith.constant 0 : i32
      %dma_wait3A_121 = tpu.memref_slice %arg14[%dma_wait3A_120] : memref<1024xf32, #tpu.memory_space<vmem_shared>> -> memref<1024xf32, #tpu.memory_space<vmem_shared>>
      tpu.wait_indirect_dma semaphore(%arg17 : memref<!tpu.dma_semaphore, #tpu.memory_space<semaphore_mem>>) src(%arg9 : memref<128xf32, #tpu.memory_space<vmem>>) dst(%dma_wait3A_121 : memref<1024xf32, #tpu.memory_space<vmem_shared>>)
      %mul3A_122 = arith.constant 2 : i32
      %mul3A_123 = arith.muli %mul3A_122, %scan3A_87 : i32
      %add3A_124 = arith.constant 2 : i32
      %add3A_125 = arith.addi %mul3A_123, %add3A_124 : i32
      %mul3A_126 = arith.constant 128 : i32
      %mul3A_127 = arith.muli %add3A_125, %mul3A_126 : i32
      %add3A_128 = arith.addi %mul3A_2, %mul3A_127 : i32
      %dma_start3A_129 = arith.constant 0 : i32
      %dma_start3A_130 = tpu.memref_slice %arg2[%add3A_128, %dma_start3A_129] : memref<102400x128xf32, #tpu.memory_space<hbm>> -> memref<128x128xf32, #tpu.memory_space<hbm>>
      %dma_start3A_131 = arith.constant 0 : i32
      %dma_start3A_132 = tpu.memref_slice %arg2[%add3A_128, %dma_start3A_131] : memref<102400x128xf32, #tpu.memory_space<hbm>> -> memref<128x128xf32, #tpu.memory_space<hbm>>
      tpu.enqueue_dma source(%dma_start3A_132 : memref<128x128xf32, #tpu.memory_space<hbm>>) target(%arg7 : memref<128x128xf32, #tpu.memory_space<vmem>>) target_semaphore(%arg15 : memref<!tpu.dma_semaphore, #tpu.memory_space<semaphore_mem>>)
      %dma_start3A_133 = tpu.memref_slice %arg3[%add3A_128] : memref<102400xf32, #tpu.memory_space<hbm>> -> memref<128xf32, #tpu.memory_space<hbm>>
      %dma_start3A_134 = tpu.memref_slice %arg3[%add3A_128] : memref<102400xf32, #tpu.memory_space<hbm>> -> memref<128xf32, #tpu.memory_space<hbm>>
      tpu.enqueue_dma source(%dma_start3A_134 : memref<128xf32, #tpu.memory_space<hbm>>) target(%arg9 : memref<128xf32, #tpu.memory_space<vmem>>) target_semaphore(%arg15 : memref<!tpu.dma_semaphore, #tpu.memory_space<semaphore_mem>>)
      %dma_start3A_135 = tpu.memref_slice %arg4[%add3A_128] : memref<102400xi32, #tpu.memory_space<hbm>> -> memref<128xi32, #tpu.memory_space<hbm>>
      %dma_start3A_136 = tpu.memref_slice %arg4[%add3A_128] : memref<102400xi32, #tpu.memory_space<hbm>> -> memref<128xi32, #tpu.memory_space<hbm>>
      tpu.enqueue_dma source(%dma_start3A_136 : memref<128xi32, #tpu.memory_space<hbm>>) target(%arg11 : memref<128xi32, #tpu.memory_space<vmem>>) target_semaphore(%arg15 : memref<!tpu.dma_semaphore, #tpu.memory_space<semaphore_mem>>)
      %dma_wait3A_137 = arith.constant 0 : i32
      %dma_wait3A_138 = arith.constant 0 : i32
      %dma_wait3A_139 = tpu.memref_slice %arg2[%dma_wait3A_137, %dma_wait3A_138] : memref<102400x128xf32, #tpu.memory_space<hbm>> -> memref<128x128xf32, #tpu.memory_space<hbm>>
      %dma_wait3A_140 = arith.constant 0 : i32
      %dma_wait3A_141 = arith.constant 0 : i32
      %dma_wait3A_142 = tpu.memref_slice %arg2[%dma_wait3A_140, %dma_wait3A_141] : memref<102400x128xf32, #tpu.memory_space<hbm>> -> memref<128x128xf32, #tpu.memory_space<hbm>>
      tpu.wait_dma2 semaphore(%arg16 : memref<!tpu.dma_semaphore, #tpu.memory_space<semaphore_mem>>) src(%dma_wait3A_142 : memref<128x128xf32, #tpu.memory_space<hbm>>) dst(%arg8 : memref<128x128xf32, #tpu.memory_space<vmem>>)
      %dma_wait3A_143 = arith.constant 0 : i32
      %dma_wait3A_144 = tpu.memref_slice %arg3[%dma_wait3A_143] : memref<102400xf32, #tpu.memory_space<hbm>> -> memref<128xf32, #tpu.memory_space<hbm>>
      %dma_wait3A_145 = arith.constant 0 : i32
      %dma_wait3A_146 = tpu.memref_slice %arg3[%dma_wait3A_145] : memref<102400xf32, #tpu.memory_space<hbm>> -> memref<128xf32, #tpu.memory_space<hbm>>
      tpu.wait_dma2 semaphore(%arg16 : memref<!tpu.dma_semaphore, #tpu.memory_space<semaphore_mem>>) src(%dma_wait3A_146 : memref<128xf32, #tpu.memory_space<hbm>>) dst(%arg10 : memref<128xf32, #tpu.memory_space<vmem>>)
      %dma_wait3A_147 = arith.constant 0 : i32
      %dma_wait3A_148 = tpu.memref_slice %arg4[%dma_wait3A_147] : memref<102400xi32, #tpu.memory_space<hbm>> -> memref<128xi32, #tpu.memory_space<hbm>>
      %dma_wait3A_149 = arith.constant 0 : i32
      %dma_wait3A_150 = tpu.memref_slice %arg4[%dma_wait3A_149] : memref<102400xi32, #tpu.memory_space<hbm>> -> memref<128xi32, #tpu.memory_space<hbm>>
      tpu.wait_dma2 semaphore(%arg16 : memref<!tpu.dma_semaphore, #tpu.memory_space<semaphore_mem>>) src(%dma_wait3A_150 : memref<128xi32, #tpu.memory_space<hbm>>) dst(%arg12 : memref<128xi32, #tpu.memory_space<vmem>>)
      %dma_start3A_151 = arith.constant 0 : i32
      %dma_start3A_152 = tpu.memref_slice %arg14[%dma_start3A_151] : memref<1024xf32, #tpu.memory_space<vmem_shared>> -> memref<1024xf32, #tpu.memory_space<vmem_shared>>
      tpu.enqueue_indirect_dma source(%arg10 : memref<128xf32, #tpu.memory_space<vmem>>) target(%dma_start3A_152 : memref<1024xf32, #tpu.memory_space<vmem_shared>>) offsets(%arg12 : memref<128xi32, #tpu.memory_space<vmem>>) semaphore(%arg18 : memref<!tpu.dma_semaphore, #tpu.memory_space<semaphore_mem>>) {add = true}
      "tpu.region"() ({
        %run_scoped3A = tpu.sem_alloc : memref<!tpu.dma_semaphore, #tpu.memory_space<semaphore_mem>>
        %dma_start3A_156 = arith.constant 0 : i32
        %dma_start3A_157 = arith.constant 0 : i32
        %dma_start3A_158 = tpu.memref_slice %arg13[%dma_start3A_156, %dma_start3A_157] : memref<1024x128xf32, #tpu.memory_space<vmem_shared>> -> memref<1024x128xf32, #tpu.memory_space<vmem_shared>>
        tpu.enqueue_indirect_dma source(%arg8 : memref<128x128xf32, #tpu.memory_space<vmem>>) target(%dma_start3A_158 : memref<1024x128xf32, #tpu.memory_space<vmem_shared>>) offsets(%arg12 : memref<128xi32, #tpu.memory_space<vmem>>) semaphore(%run_scoped3A : memref<!tpu.dma_semaphore, #tpu.memory_space<semaphore_mem>>) {add = true}
        %dma_wait3A_159 = arith.constant 0 : i32
        %dma_wait3A_160 = arith.constant 0 : i32
        %dma_wait3A_161 = tpu.memref_slice %arg13[%dma_wait3A_159, %dma_wait3A_160] : memref<1024x128xf32, #tpu.memory_space<vmem_shared>> -> memref<1024x128xf32, #tpu.memory_space<vmem_shared>>
        tpu.wait_indirect_dma semaphore(%run_scoped3A : memref<!tpu.dma_semaphore, #tpu.memory_space<semaphore_mem>>) src(%arg8 : memref<128x128xf32, #tpu.memory_space<vmem>>) dst(%dma_wait3A_161 : memref<1024x128xf32, #tpu.memory_space<vmem_shared>>)
        tpu.yield
      }) : () -> ()
      %dma_wait3A_153 = arith.constant 0 : i32
      %dma_wait3A_154 = tpu.memref_slice %arg14[%dma_wait3A_153] : memref<1024xf32, #tpu.memory_space<vmem_shared>> -> memref<1024xf32, #tpu.memory_space<vmem_shared>>
      tpu.wait_indirect_dma semaphore(%arg18 : memref<!tpu.dma_semaphore, #tpu.memory_space<semaphore_mem>>) src(%arg10 : memref<128xf32, #tpu.memory_space<vmem>>) dst(%dma_wait3A_154 : memref<1024xf32, #tpu.memory_space<vmem_shared>>)
      %scan3A_155 = arith.constant 0 : i32
      scf.yield %scan3A_155 : i32
    }
    %scan3A_60 = arith.constant 12 : i32
    %dma_wait3A = arith.constant 0 : i32
    %dma_wait3A_61 = arith.constant 0 : i32
    %dma_wait3A_62 = tpu.memref_slice %arg2[%dma_wait3A, %dma_wait3A_61] : memref<102400x128xf32, #tpu.memory_space<hbm>> -> memref<128x128xf32, #tpu.memory_space<hbm>>
    %dma_wait3A_63 = arith.constant 0 : i32
    %dma_wait3A_64 = arith.constant 0 : i32
    %dma_wait3A_65 = tpu.memref_slice %arg2[%dma_wait3A_63, %dma_wait3A_64] : memref<102400x128xf32, #tpu.memory_space<hbm>> -> memref<128x128xf32, #tpu.memory_space<hbm>>
    tpu.wait_dma2 semaphore(%arg15 : memref<!tpu.dma_semaphore, #tpu.memory_space<semaphore_mem>>) src(%dma_wait3A_65 : memref<128x128xf32, #tpu.memory_space<hbm>>) dst(%arg7 : memref<128x128xf32, #tpu.memory_space<vmem>>)
    %dma_wait3A_66 = arith.constant 0 : i32
    %dma_wait3A_67 = tpu.memref_slice %arg3[%dma_wait3A_66] : memref<102400xf32, #tpu.memory_space<hbm>> -> memref<128xf32, #tpu.memory_space<hbm>>
    %dma_wait3A_68 = arith.constant 0 : i32
    %dma_wait3A_69 = tpu.memref_slice %arg3[%dma_wait3A_68] : memref<102400xf32, #tpu.memory_space<hbm>> -> memref<128xf32, #tpu.memory_space<hbm>>
    tpu.wait_dma2 semaphore(%arg15 : memref<!tpu.dma_semaphore, #tpu.memory_space<semaphore_mem>>) src(%dma_wait3A_69 : memref<128xf32, #tpu.memory_space<hbm>>) dst(%arg9 : memref<128xf32, #tpu.memory_space<vmem>>)
    %dma_wait3A_70 = arith.constant 0 : i32
    %dma_wait3A_71 = tpu.memref_slice %arg4[%dma_wait3A_70] : memref<102400xi32, #tpu.memory_space<hbm>> -> memref<128xi32, #tpu.memory_space<hbm>>
    %dma_wait3A_72 = arith.constant 0 : i32
    %dma_wait3A_73 = tpu.memref_slice %arg4[%dma_wait3A_72] : memref<102400xi32, #tpu.memory_space<hbm>> -> memref<128xi32, #tpu.memory_space<hbm>>
    tpu.wait_dma2 semaphore(%arg15 : memref<!tpu.dma_semaphore, #tpu.memory_space<semaphore_mem>>) src(%dma_wait3A_73 : memref<128xi32, #tpu.memory_space<hbm>>) dst(%arg11 : memref<128xi32, #tpu.memory_space<vmem>>)
    %dma_start3A_74 = arith.constant 0 : i32
    %dma_start3A_75 = tpu.memref_slice %arg14[%dma_start3A_74] : memref<1024xf32, #tpu.memory_space<vmem_shared>> -> memref<1024xf32, #tpu.memory_space<vmem_shared>>
    tpu.enqueue_indirect_dma source(%arg9 : memref<128xf32, #tpu.memory_space<vmem>>) target(%dma_start3A_75 : memref<1024xf32, #tpu.memory_space<vmem_shared>>) offsets(%arg11 : memref<128xi32, #tpu.memory_space<vmem>>) semaphore(%arg17 : memref<!tpu.dma_semaphore, #tpu.memory_space<semaphore_mem>>) {add = true}
    "tpu.region"() ({
      %run_scoped3A = tpu.sem_alloc : memref<!tpu.dma_semaphore, #tpu.memory_space<semaphore_mem>>
      %dma_start3A_87 = arith.constant 0 : i32
      %dma_start3A_88 = arith.constant 0 : i32
      %dma_start3A_89 = tpu.memref_slice %arg13[%dma_start3A_87, %dma_start3A_88] : memref<1024x128xf32, #tpu.memory_space<vmem_shared>> -> memref<1024x128xf32, #tpu.memory_space<vmem_shared>>
      tpu.enqueue_indirect_dma source(%arg7 : memref<128x128xf32, #tpu.memory_space<vmem>>) target(%dma_start3A_89 : memref<1024x128xf32, #tpu.memory_space<vmem_shared>>) offsets(%arg11 : memref<128xi32, #tpu.memory_space<vmem>>) semaphore(%run_scoped3A : memref<!tpu.dma_semaphore, #tpu.memory_space<semaphore_mem>>) {add = true}
      %dma_wait3A_90 = arith.constant 0 : i32
      %dma_wait3A_91 = arith.constant 0 : i32
      %dma_wait3A_92 = tpu.memref_slice %arg13[%dma_wait3A_90, %dma_wait3A_91] : memref<1024x128xf32, #tpu.memory_space<vmem_shared>> -> memref<1024x128xf32, #tpu.memory_space<vmem_shared>>
      tpu.wait_indirect_dma semaphore(%run_scoped3A : memref<!tpu.dma_semaphore, #tpu.memory_space<semaphore_mem>>) src(%arg7 : memref<128x128xf32, #tpu.memory_space<vmem>>) dst(%dma_wait3A_92 : memref<1024x128xf32, #tpu.memory_space<vmem_shared>>)
      tpu.yield
    }) : () -> ()
    %dma_wait3A_76 = arith.constant 0 : i32
    %dma_wait3A_77 = tpu.memref_slice %arg14[%dma_wait3A_76] : memref<1024xf32, #tpu.memory_space<vmem_shared>> -> memref<1024xf32, #tpu.memory_space<vmem_shared>>
    tpu.wait_indirect_dma semaphore(%arg17 : memref<!tpu.dma_semaphore, #tpu.memory_space<semaphore_mem>>) src(%arg9 : memref<128xf32, #tpu.memory_space<vmem>>) dst(%dma_wait3A_77 : memref<1024xf32, #tpu.memory_space<vmem_shared>>)
    %barrier3A_78 = arith.constant 0 : index
    tpu.barrier barrier_id(%barrier3A_78)
    %mul3A_79 = arith.constant 64 : i32
    %mul3A_80 = arith.muli %arg1, %mul3A_79 : i32
    %mul3A_81 = arith.constant 64 : i32
    %mul3A_82 = arith.muli %arg1, %mul3A_81 : i32
    "tpu.region"() ({
      %run_scoped3A = tpu.sem_alloc : memref<!tpu.dma_semaphore, #tpu.memory_space<semaphore_mem>>
      %dma_start3A_87 = arith.constant 0 : i32
      %dma_start3A_88 = tpu.memref_slice %arg5[%arg0, %mul3A_82, %dma_start3A_87] : memref<2x1024x128xf32, #tpu.memory_space<hbm>> -> memref<1x64x128xf32, #tpu.memory_space<hbm>>
      %dma_start3A_89 = tpu.memref_squeeze %dma_start3A_88 : memref<1x64x128xf32, #tpu.memory_space<hbm>> -> memref<64x128xf32, #tpu.memory_space<hbm>>
      %dma_start3A_90 = arith.constant 0 : i32
      %dma_start3A_91 = tpu.memref_slice %arg13[%mul3A_80, %dma_start3A_90] : memref<1024x128xf32, #tpu.memory_space<vmem_shared>> -> memref<64x128xf32, #tpu.memory_space<vmem_shared>>
      tpu.enqueue_dma source(%dma_start3A_91 : memref<64x128xf32, #tpu.memory_space<vmem_shared>>) target(%dma_start3A_89 : memref<64x128xf32, #tpu.memory_space<hbm>>) target_semaphore(%run_scoped3A : memref<!tpu.dma_semaphore, #tpu.memory_space<semaphore_mem>>)
      %dma_wait3A_92 = arith.constant 0 : i32
      %dma_wait3A_93 = tpu.memref_slice %arg5[%arg0, %mul3A_82, %dma_wait3A_92] : memref<2x1024x128xf32, #tpu.memory_space<hbm>> -> memref<1x64x128xf32, #tpu.memory_space<hbm>>
      %dma_wait3A_94 = tpu.memref_squeeze %dma_wait3A_93 : memref<1x64x128xf32, #tpu.memory_space<hbm>> -> memref<64x128xf32, #tpu.memory_space<hbm>>
      %dma_wait3A_95 = arith.constant 0 : i32
      %dma_wait3A_96 = tpu.memref_slice %arg13[%mul3A_80, %dma_wait3A_95] : memref<1024x128xf32, #tpu.memory_space<vmem_shared>> -> memref<64x128xf32, #tpu.memory_space<vmem_shared>>
      tpu.wait_dma2 semaphore(%run_scoped3A : memref<!tpu.dma_semaphore, #tpu.memory_space<semaphore_mem>>) src(%dma_wait3A_96 : memref<64x128xf32, #tpu.memory_space<vmem_shared>>) dst(%dma_wait3A_94 : memref<64x128xf32, #tpu.memory_space<hbm>>)
      tpu.yield
    }) : () -> ()
    %mul3A_83 = arith.constant 64 : i32
    %mul3A_84 = arith.muli %arg1, %mul3A_83 : i32
    "tpu.region"() ({
      %run_scoped3A = tpu.sem_alloc : memref<!tpu.dma_semaphore, #tpu.memory_space<semaphore_mem>>
      %dma_start3A_87 = arith.constant 0 : i32
      %dma_start3A_88 = tpu.memref_slice %arg9[%dma_start3A_87] : memref<128xf32, #tpu.memory_space<vmem>> -> memref<64xf32, #tpu.memory_space<vmem>>
      %dma_start3A_89 = tpu.memref_slice %arg14[%mul3A_84] : memref<1024xf32, #tpu.memory_space<vmem_shared>> -> memref<64xf32, #tpu.memory_space<vmem_shared>>
      %dma_start3A_90 = arith.constant 0 : i32
      %dma_start3A_91 = tpu.memref_slice %arg9[%dma_start3A_90] : memref<128xf32, #tpu.memory_space<vmem>> -> memref<64xf32, #tpu.memory_space<vmem>>
      %dma_start3A_92 = tpu.memref_slice %arg14[%mul3A_84] : memref<1024xf32, #tpu.memory_space<vmem_shared>> -> memref<64xf32, #tpu.memory_space<vmem_shared>>
      tpu.enqueue_dma source(%dma_start3A_92 : memref<64xf32, #tpu.memory_space<vmem_shared>>) target(%dma_start3A_91 : memref<64xf32, #tpu.memory_space<vmem>>) target_semaphore(%run_scoped3A : memref<!tpu.dma_semaphore, #tpu.memory_space<semaphore_mem>>)
      %dma_wait3A_93 = arith.constant 0 : i32
      %dma_wait3A_94 = tpu.memref_slice %arg9[%dma_wait3A_93] : memref<128xf32, #tpu.memory_space<vmem>> -> memref<64xf32, #tpu.memory_space<vmem>>
      %dma_wait3A_95 = tpu.memref_slice %arg14[%mul3A_84] : memref<1024xf32, #tpu.memory_space<vmem_shared>> -> memref<64xf32, #tpu.memory_space<vmem_shared>>
      %dma_wait3A_96 = arith.constant 0 : i32
      %dma_wait3A_97 = tpu.memref_slice %arg9[%dma_wait3A_96] : memref<128xf32, #tpu.memory_space<vmem>> -> memref<64xf32, #tpu.memory_space<vmem>>
      %dma_wait3A_98 = tpu.memref_slice %arg14[%mul3A_84] : memref<1024xf32, #tpu.memory_space<vmem_shared>> -> memref<64xf32, #tpu.memory_space<vmem_shared>>
      tpu.wait_dma2 semaphore(%run_scoped3A : memref<!tpu.dma_semaphore, #tpu.memory_space<semaphore_mem>>) src(%dma_wait3A_98 : memref<64xf32, #tpu.memory_space<vmem_shared>>) dst(%dma_wait3A_97 : memref<64xf32, #tpu.memory_space<vmem>>)
      tpu.yield
    }) : () -> ()
    %mul3A_85 = arith.constant 64 : i32
    %mul3A_86 = arith.muli %arg1, %mul3A_85 : i32
    "tpu.region"() ({
      %run_scoped3A = tpu.sem_alloc : memref<!tpu.dma_semaphore, #tpu.memory_space<semaphore_mem>>
      %dma_start3A_87 = arith.constant 0 : i32
      %dma_start3A_88 = tpu.memref_slice %arg9[%dma_start3A_87] : memref<128xf32, #tpu.memory_space<vmem>> -> memref<64xf32, #tpu.memory_space<vmem>>
      %dma_start3A_89 = tpu.memref_slice %arg6[%arg0, %mul3A_86] : memref<2x1024xf32, #tpu.memory_space<hbm>> -> memref<1x64xf32, #tpu.memory_space<hbm>>
      %dma_start3A_90 = tpu.memref_squeeze %dma_start3A_89 : memref<1x64xf32, #tpu.memory_space<hbm>> -> memref<64xf32, #tpu.memory_space<hbm>>
      %dma_start3A_91 = tpu.memref_slice %arg6[%arg0, %mul3A_86] : memref<2x1024xf32, #tpu.memory_space<hbm>> -> memref<1x64xf32, #tpu.memory_space<hbm>>
      %dma_start3A_92 = tpu.memref_squeeze %dma_start3A_91 : memref<1x64xf32, #tpu.memory_space<hbm>> -> memref<64xf32, #tpu.memory_space<hbm>>
      %dma_start3A_93 = arith.constant 0 : i32
      %dma_start3A_94 = tpu.memref_slice %arg9[%dma_start3A_93] : memref<128xf32, #tpu.memory_space<vmem>> -> memref<64xf32, #tpu.memory_space<vmem>>
      tpu.enqueue_dma source(%dma_start3A_94 : memref<64xf32, #tpu.memory_space<vmem>>) target(%dma_start3A_92 : memref<64xf32, #tpu.memory_space<hbm>>) target_semaphore(%run_scoped3A : memref<!tpu.dma_semaphore, #tpu.memory_space<semaphore_mem>>)
      %dma_wait3A_95 = arith.constant 0 : i32
      %dma_wait3A_96 = tpu.memref_slice %arg9[%dma_wait3A_95] : memref<128xf32, #tpu.memory_space<vmem>> -> memref<64xf32, #tpu.memory_space<vmem>>
      %dma_wait3A_97 = tpu.memref_slice %arg6[%arg0, %mul3A_86] : memref<2x1024xf32, #tpu.memory_space<hbm>> -> memref<1x64xf32, #tpu.memory_space<hbm>>
      %dma_wait3A_98 = tpu.memref_squeeze %dma_wait3A_97 : memref<1x64xf32, #tpu.memory_space<hbm>> -> memref<64xf32, #tpu.memory_space<hbm>>
      %dma_wait3A_99 = tpu.memref_slice %arg6[%arg0, %mul3A_86] : memref<2x1024xf32, #tpu.memory_space<hbm>> -> memref<1x64xf32, #tpu.memory_space<hbm>>
      %dma_wait3A_100 = tpu.memref_squeeze %dma_wait3A_99 : memref<1x64xf32, #tpu.memory_space<hbm>> -> memref<64xf32, #tpu.memory_space<hbm>>
      %dma_wait3A_101 = arith.constant 0 : i32
      %dma_wait3A_102 = tpu.memref_slice %arg9[%dma_wait3A_101] : memref<128xf32, #tpu.memory_space<vmem>> -> memref<64xf32, #tpu.memory_space<vmem>>
      tpu.wait_dma2 semaphore(%run_scoped3A : memref<!tpu.dma_semaphore, #tpu.memory_space<semaphore_mem>>) src(%dma_wait3A_102 : memref<64xf32, #tpu.memory_space<vmem>>) dst(%dma_wait3A_100 : memref<64xf32, #tpu.memory_space<hbm>>)
      tpu.yield
    }) : () -> ()
    return
  }
}

#map = affine_map<(d0, d1) -> (0, 0)>
#map1 = affine_map<(d0, d1) -> (0)>
#map2 = affine_map<(d0, d1) -> (0, 0, 0)>
module attributes {stable_mosaic.version = 14 : i64} {
  func.func @sc_kernel(%arg0: i32, %arg1: i32, %arg2: memref<102400x128xf32, #tpu.memory_space<hbm>>, %arg3: memref<102400xf32, #tpu.memory_space<hbm>>, %arg4: memref<102400xi32, #tpu.memory_space<hbm>>, %arg5: memref<2x1024x128xf32, #tpu.memory_space<hbm>>, %arg6: memref<2x1024xf32, #tpu.memory_space<hbm>>, %arg7: memref<128x128xf32, #tpu.memory_space<vmem>>, %arg8: memref<128x128xf32, #tpu.memory_space<vmem>>, %arg9: memref<128xf32, #tpu.memory_space<vmem>>, %arg10: memref<128xf32, #tpu.memory_space<vmem>>, %arg11: memref<128xi32, #tpu.memory_space<vmem>>, %arg12: memref<128xi32, #tpu.memory_space<vmem>>, %arg13: memref<1024x128xf32, #tpu.memory_space<vmem_shared>>, %arg14: memref<1024xf32, #tpu.memory_space<vmem_shared>>, %arg15: memref<!tpu.dma_semaphore, #tpu.memory_space<semaphore_mem>>, %arg16: memref<!tpu.dma_semaphore, #tpu.memory_space<semaphore_mem>>, %arg17: memref<!tpu.dma_semaphore, #tpu.memory_space<semaphore_mem>>, %arg18: memref<!tpu.dma_semaphore, #tpu.memory_space<semaphore_mem>>) attributes {dimension_semantics = [#tpu.dimension_semantics<core_parallel>, #tpu.dimension_semantics<subcore_parallel>], iteration_bounds = array<i64: 2, 16>, scalar_prefetch = 0 : i64, scratch_operands = 12 : i64, tpu.core_type = #tpu.core_type<sc_vector_subcore>, window_params = [{transform_indices = #map}, {transform_indices = #map1}, {transform_indices = #map1}, {transform_indices = #map2}, {transform_indices = #map}]} {
    %mul3A = arith.constant 16 : i32
    %mul3A_0 = arith.muli %arg0, %mul3A : i32
    %add3A = arith.addi %mul3A_0, %arg1 : i32
    %mul3A_1 = arith.constant 3200 : i32
    %mul3A_2 = arith.muli %add3A, %mul3A_1 : i32
    %broadcast_in_dim3A = arith.constant 0.000000e+00 : f32
    %broadcast_in_dim3A_3 = vector.broadcast %broadcast_in_dim3A : f32 to vector<16xf32>
    %scan3A = arith.constant 0 : i32
    %scan3A_4 = arith.constant 0 : i32
    %scan3A_5 = arith.constant 128 : i32
    %scan3A_6 = arith.addi %scan3A_4, %scan3A_5 : i32
    %scan3A_7 = arith.constant 1 : i32
    %scan3A_8 = scf.for %scan3A_87 = %scan3A_4 to %scan3A_6 step %scan3A_7 iter_args(%scan3A_88 = %scan3A) -> (i32)  : i32 {
      %swap3A_89 = arith.index_cast %scan3A_87 : i32 to index
      %swap3A_90 = arith.constant 0 : index
      %swap3A_91 = tpu.vector_load %arg7[%swap3A_89, %swap3A_90] {strides = array<i32>} : memref<128x128xf32, #tpu.memory_space<vmem>>, vector<1x16xf32>,
      %swap3A_92 = vector.shape_cast %swap3A_91 : vector<1x16xf32> to vector<16xf32>
      %swap3A_93 = vector.shape_cast %broadcast_in_dim3A_3 : vector<16xf32> to vector<1x16xf32>
      tpu.vector_store %arg7[%swap3A_89, %swap3A_90], %swap3A_93 {strides = array<i32>} : memref<128x128xf32, #tpu.memory_space<vmem>>, vector<1x16xf32>,
      %swap3A_94 = arith.index_cast %scan3A_87 : i32 to index
      %swap3A_95 = arith.constant 16 : index
      %swap3A_96 = tpu.vector_load %arg7[%swap3A_94, %swap3A_95] {strides = array<i32>} : memref<128x128xf32, #tpu.memory_space<vmem>>, vector<1x16xf32>,
      %swap3A_97 = vector.shape_cast %swap3A_96 : vector<1x16xf32> to vector<16xf32>
      %swap3A_98 = vector.shape_cast %broadcast_in_dim3A_3 : vector<16xf32> to vector<1x16xf32>
      tpu.vector_store %arg7[%swap3A_94, %swap3A_95], %swap3A_98 {strides = array<i32>} : memref<128x128xf32, #tpu.memory_space<vmem>>, vector<1x16xf32>,
      %swap3A_99 = arith.index_cast %scan3A_87 : i32 to index
      %swap3A_100 = arith.constant 32 : index
      %swap3A_101 = tpu.vector_load %arg7[%swap3A_99, %swap3A_100] {strides = array<i32>} : memref<128x128xf32, #tpu.memory_space<vmem>>, vector<1x16xf32>,
      %swap3A_102 = vector.shape_cast %swap3A_101 : vector<1x16xf32> to vector<16xf32>
      %swap3A_103 = vector.shape_cast %broadcast_in_dim3A_3 : vector<16xf32> to vector<1x16xf32>
      tpu.vector_store %arg7[%swap3A_99, %swap3A_100], %swap3A_103 {strides = array<i32>} : memref<128x128xf32, #tpu.memory_space<vmem>>, vector<1x16xf32>,
      %swap3A_104 = arith.index_cast %scan3A_87 : i32 to index
      %swap3A_105 = arith.constant 48 : index
      %swap3A_106 = tpu.vector_load %arg7[%swap3A_104, %swap3A_105] {strides = array<i32>} : memref<128x128xf32, #tpu.memory_space<vmem>>, vector<1x16xf32>,
      %swap3A_107 = vector.shape_cast %swap3A_106 : vector<1x16xf32> to vector<16xf32>
      %swap3A_108 = vector.shape_cast %broadcast_in_dim3A_3 : vector<16xf32> to vector<1x16xf32>
      tpu.vector_store %arg7[%swap3A_104, %swap3A_105], %swap3A_108 {strides = array<i32>} : memref<128x128xf32, #tpu.memory_space<vmem>>, vector<1x16xf32>,
      %swap3A_109 = arith.index_cast %scan3A_87 : i32 to index
      %swap3A_110 = arith.constant 64 : index
      %swap3A_111 = tpu.vector_load %arg7[%swap3A_109, %swap3A_110] {strides = array<i32>} : memref<128x128xf32, #tpu.memory_space<vmem>>, vector<1x16xf32>,
      %swap3A_112 = vector.shape_cast %swap3A_111 : vector<1x16xf32> to vector<16xf32>
      %swap3A_113 = vector.shape_cast %broadcast_in_dim3A_3 : vector<16xf32> to vector<1x16xf32>
      tpu.vector_store %arg7[%swap3A_109, %swap3A_110], %swap3A_113 {strides = array<i32>} : memref<128x128xf32, #tpu.memory_space<vmem>>, vector<1x16xf32>,
      %swap3A_114 = arith.index_cast %scan3A_87 : i32 to index
      %swap3A_115 = arith.constant 80 : index
      %swap3A_116 = tpu.vector_load %arg7[%swap3A_114, %swap3A_115] {strides = array<i32>} : memref<128x128xf32, #tpu.memory_space<vmem>>, vector<1x16xf32>,
      %swap3A_117 = vector.shape_cast %swap3A_116 : vector<1x16xf32> to vector<16xf32>
      %swap3A_118 = vector.shape_cast %broadcast_in_dim3A_3 : vector<16xf32> to vector<1x16xf32>
      tpu.vector_store %arg7[%swap3A_114, %swap3A_115], %swap3A_118 {strides = array<i32>} : memref<128x128xf32, #tpu.memory_space<vmem>>, vector<1x16xf32>,
      %swap3A_119 = arith.index_cast %scan3A_87 : i32 to index
      %swap3A_120 = arith.constant 96 : index
      %swap3A_121 = tpu.vector_load %arg7[%swap3A_119, %swap3A_120] {strides = array<i32>} : memref<128x128xf32, #tpu.memory_space<vmem>>, vector<1x16xf32>,
      %swap3A_122 = vector.shape_cast %swap3A_121 : vector<1x16xf32> to vector<16xf32>
      %swap3A_123 = vector.shape_cast %broadcast_in_dim3A_3 : vector<16xf32> to vector<1x16xf32>
      tpu.vector_store %arg7[%swap3A_119, %swap3A_120], %swap3A_123 {strides = array<i32>} : memref<128x128xf32, #tpu.memory_space<vmem>>, vector<1x16xf32>,
      %swap3A_124 = arith.index_cast %scan3A_87 : i32 to index
      %swap3A_125 = arith.constant 112 : index
      %swap3A_126 = tpu.vector_load %arg7[%swap3A_124, %swap3A_125] {strides = array<i32>} : memref<128x128xf32, #tpu.memory_space<vmem>>, vector<1x16xf32>,
      %swap3A_127 = vector.shape_cast %swap3A_126 : vector<1x16xf32> to vector<16xf32>
      %swap3A_128 = vector.shape_cast %broadcast_in_dim3A_3 : vector<16xf32> to vector<1x16xf32>
      tpu.vector_store %arg7[%swap3A_124, %swap3A_125], %swap3A_128 {strides = array<i32>} : memref<128x128xf32, #tpu.memory_space<vmem>>, vector<1x16xf32>,
      %scan3A_129 = arith.constant 0 : i32
      scf.yield %scan3A_129 : i32
    }
    %scan3A_9 = arith.constant 128 : i32
    %swap3A = arith.constant 0 : index
    %swap3A_10 = tpu.vector_load %arg9[%swap3A] {strides = array<i32>} : memref<128xf32, #tpu.memory_space<vmem>>, vector<16xf32>,
    %swap3A_11 = vector.shape_cast %swap3A_10 : vector<16xf32> to vector<16xf32>
    %swap3A_12 = vector.shape_cast %broadcast_in_dim3A_3 : vector<16xf32> to vector<16xf32>
    tpu.vector_store %arg9[%swap3A], %swap3A_12 {strides = array<i32>} : memref<128xf32, #tpu.memory_space<vmem>>, vector<16xf32>,
    %swap3A_13 = arith.constant 16 : index
    %swap3A_14 = tpu.vector_load %arg9[%swap3A_13] {strides = array<i32>} : memref<128xf32, #tpu.memory_space<vmem>>, vector<16xf32>,
    %swap3A_15 = vector.shape_cast %swap3A_14 : vector<16xf32> to vector<16xf32>
    %swap3A_16 = vector.shape_cast %broadcast_in_dim3A_3 : vector<16xf32> to vector<16xf32>
    tpu.vector_store %arg9[%swap3A_13], %swap3A_16 {strides = array<i32>} : memref<128xf32, #tpu.memory_space<vmem>>, vector<16xf32>,
    %swap3A_17 = arith.constant 32 : index
    %swap3A_18 = tpu.vector_load %arg9[%swap3A_17] {strides = array<i32>} : memref<128xf32, #tpu.memory_space<vmem>>, vector<16xf32>,
    %swap3A_19 = vector.shape_cast %swap3A_18 : vector<16xf32> to vector<16xf32>
    %swap3A_20 = vector.shape_cast %broadcast_in_dim3A_3 : vector<16xf32> to vector<16xf32>
    tpu.vector_store %arg9[%swap3A_17], %swap3A_20 {strides = array<i32>} : memref<128xf32, #tpu.memory_space<vmem>>, vector<16xf32>,
    %swap3A_21 = arith.constant 48 : index
    %swap3A_22 = tpu.vector_load %arg9[%swap3A_21] {strides = array<i32>} : memref<128xf32, #tpu.memory_space<vmem>>, vector<16xf32>,
    %swap3A_23 = vector.shape_cast %swap3A_22 : vector<16xf32> to vector<16xf32>
    %swap3A_24 = vector.shape_cast %broadcast_in_dim3A_3 : vector<16xf32> to vector<16xf32>
    tpu.vector_store %arg9[%swap3A_21], %swap3A_24 {strides = array<i32>} : memref<128xf32, #tpu.memory_space<vmem>>, vector<16xf32>,
    %swap3A_25 = arith.constant 64 : index
    %swap3A_26 = tpu.vector_load %arg9[%swap3A_25] {strides = array<i32>} : memref<128xf32, #tpu.memory_space<vmem>>, vector<16xf32>,
    %swap3A_27 = vector.shape_cast %swap3A_26 : vector<16xf32> to vector<16xf32>
    %swap3A_28 = vector.shape_cast %broadcast_in_dim3A_3 : vector<16xf32> to vector<16xf32>
    tpu.vector_store %arg9[%swap3A_25], %swap3A_28 {strides = array<i32>} : memref<128xf32, #tpu.memory_space<vmem>>, vector<16xf32>,
    %swap3A_29 = arith.constant 80 : index
    %swap3A_30 = tpu.vector_load %arg9[%swap3A_29] {strides = array<i32>} : memref<128xf32, #tpu.memory_space<vmem>>, vector<16xf32>,
    %swap3A_31 = vector.shape_cast %swap3A_30 : vector<16xf32> to vector<16xf32>
    %swap3A_32 = vector.shape_cast %broadcast_in_dim3A_3 : vector<16xf32> to vector<16xf32>
    tpu.vector_store %arg9[%swap3A_29], %swap3A_32 {strides = array<i32>} : memref<128xf32, #tpu.memory_space<vmem>>, vector<16xf32>,
    %swap3A_33 = arith.constant 96 : index
    %swap3A_34 = tpu.vector_load %arg9[%swap3A_33] {strides = array<i32>} : memref<128xf32, #tpu.memory_space<vmem>>, vector<16xf32>,
    %swap3A_35 = vector.shape_cast %swap3A_34 : vector<16xf32> to vector<16xf32>
    %swap3A_36 = vector.shape_cast %broadcast_in_dim3A_3 : vector<16xf32> to vector<16xf32>
    tpu.vector_store %arg9[%swap3A_33], %swap3A_36 {strides = array<i32>} : memref<128xf32, #tpu.memory_space<vmem>>, vector<16xf32>,
    %swap3A_37 = arith.constant 112 : index
    %swap3A_38 = tpu.vector_load %arg9[%swap3A_37] {strides = array<i32>} : memref<128xf32, #tpu.memory_space<vmem>>, vector<16xf32>,
    %swap3A_39 = vector.shape_cast %swap3A_38 : vector<16xf32> to vector<16xf32>
    %swap3A_40 = vector.shape_cast %broadcast_in_dim3A_3 : vector<16xf32> to vector<16xf32>
    tpu.vector_store %arg9[%swap3A_37], %swap3A_40 {strides = array<i32>} : memref<128xf32, #tpu.memory_space<vmem>>, vector<16xf32>,
    %mul3A_41 = arith.constant 64 : i32
    %mul3A_42 = arith.muli %arg1, %mul3A_41 : i32
    "tpu.region"() ({
      %run_scoped3A = tpu.sem_alloc : memref<!tpu.dma_semaphore, #tpu.memory_space<semaphore_mem>>
      %dma_start3A_87 = arith.constant 0 : i32
      %dma_start3A_88 = arith.constant 0 : i32
      %dma_start3A_89 = tpu.memref_slice %arg7[%dma_start3A_87, %dma_start3A_88] : memref<128x128xf32, #tpu.memory_space<vmem>> -> memref<64x128xf32, #tpu.memory_space<vmem>>
      %dma_start3A_90 = arith.constant 0 : i32
      %dma_start3A_91 = tpu.memref_slice %arg13[%mul3A_42, %dma_start3A_90] : memref<1024x128xf32, #tpu.memory_space<vmem_shared>> -> memref<64x128xf32, #tpu.memory_space<vmem_shared>>
      %dma_start3A_92 = arith.constant 0 : i32
      %dma_start3A_93 = tpu.memref_slice %arg13[%mul3A_42, %dma_start3A_92] : memref<1024x128xf32, #tpu.memory_space<vmem_shared>> -> memref<64x128xf32, #tpu.memory_space<vmem_shared>>
      %dma_start3A_94 = arith.constant 0 : i32
      %dma_start3A_95 = arith.constant 0 : i32
      %dma_start3A_96 = tpu.memref_slice %arg7[%dma_start3A_94, %dma_start3A_95] : memref<128x128xf32, #tpu.memory_space<vmem>> -> memref<64x128xf32, #tpu.memory_space<vmem>>
      tpu.enqueue_dma source(%dma_start3A_96 : memref<64x128xf32, #tpu.memory_space<vmem>>) target(%dma_start3A_93 : memref<64x128xf32, #tpu.memory_space<vmem_shared>>) target_semaphore(%run_scoped3A : memref<!tpu.dma_semaphore, #tpu.memory_space<semaphore_mem>>)
      %dma_wait3A_97 = arith.constant 0 : i32
      %dma_wait3A_98 = arith.constant 0 : i32
      %dma_wait3A_99 = tpu.memref_slice %arg7[%dma_wait3A_97, %dma_wait3A_98] : memref<128x128xf32, #tpu.memory_space<vmem>> -> memref<64x128xf32, #tpu.memory_space<vmem>>
      %dma_wait3A_100 = arith.constant 0 : i32
      %dma_wait3A_101 = tpu.memref_slice %arg13[%mul3A_42, %dma_wait3A_100] : memref<1024x128xf32, #tpu.memory_space<vmem_shared>> -> memref<64x128xf32, #tpu.memory_space<vmem_shared>>
      %dma_wait3A_102 = arith.constant 0 : i32
      %dma_wait3A_103 = tpu.memref_slice %arg13[%mul3A_42, %dma_wait3A_102] : memref<1024x128xf32, #tpu.memory_space<vmem_shared>> -> memref<64x128xf32, #tpu.memory_space<vmem_shared>>
      %dma_wait3A_104 = arith.constant 0 : i32
      %dma_wait3A_105 = arith.constant 0 : i32
      %dma_wait3A_106 = tpu.memref_slice %arg7[%dma_wait3A_104, %dma_wait3A_105] : memref<128x128xf32, #tpu.memory_space<vmem>> -> memref<64x128xf32, #tpu.memory_space<vmem>>
      tpu.wait_dma2 semaphore(%run_scoped3A : memref<!tpu.dma_semaphore, #tpu.memory_space<semaphore_mem>>) src(%dma_wait3A_106 : memref<64x128xf32, #tpu.memory_space<vmem>>) dst(%dma_wait3A_103 : memref<64x128xf32, #tpu.memory_space<vmem_shared>>)
      tpu.yield
    }) : () -> ()
    %mul3A_43 = arith.constant 64 : i32
    %mul3A_44 = arith.muli %arg1, %mul3A_43 : i32
    "tpu.region"() ({
      %run_scoped3A = tpu.sem_alloc : memref<!tpu.dma_semaphore, #tpu.memory_space<semaphore_mem>>
      %dma_start3A_87 = arith.constant 0 : i32
      %dma_start3A_88 = tpu.memref_slice %arg9[%dma_start3A_87] : memref<128xf32, #tpu.memory_space<vmem>> -> memref<64xf32, #tpu.memory_space<vmem>>
      %dma_start3A_89 = tpu.memref_slice %arg14[%mul3A_44] : memref<1024xf32, #tpu.memory_space<vmem_shared>> -> memref<64xf32, #tpu.memory_space<vmem_shared>>
      %dma_start3A_90 = tpu.memref_slice %arg14[%mul3A_44] : memref<1024xf32, #tpu.memory_space<vmem_shared>> -> memref<64xf32, #tpu.memory_space<vmem_shared>>
      %dma_start3A_91 = arith.constant 0 : i32
      %dma_start3A_92 = tpu.memref_slice %arg9[%dma_start3A_91] : memref<128xf32, #tpu.memory_space<vmem>> -> memref<64xf32, #tpu.memory_space<vmem>>
      tpu.enqueue_dma source(%dma_start3A_92 : memref<64xf32, #tpu.memory_space<vmem>>) target(%dma_start3A_90 : memref<64xf32, #tpu.memory_space<vmem_shared>>) target_semaphore(%run_scoped3A : memref<!tpu.dma_semaphore, #tpu.memory_space<semaphore_mem>>)
      %dma_wait3A_93 = arith.constant 0 : i32
      %dma_wait3A_94 = tpu.memref_slice %arg9[%dma_wait3A_93] : memref<128xf32, #tpu.memory_space<vmem>> -> memref<64xf32, #tpu.memory_space<vmem>>
      %dma_wait3A_95 = tpu.memref_slice %arg14[%mul3A_44] : memref<1024xf32, #tpu.memory_space<vmem_shared>> -> memref<64xf32, #tpu.memory_space<vmem_shared>>
      %dma_wait3A_96 = tpu.memref_slice %arg14[%mul3A_44] : memref<1024xf32, #tpu.memory_space<vmem_shared>> -> memref<64xf32, #tpu.memory_space<vmem_shared>>
      %dma_wait3A_97 = arith.constant 0 : i32
      %dma_wait3A_98 = tpu.memref_slice %arg9[%dma_wait3A_97] : memref<128xf32, #tpu.memory_space<vmem>> -> memref<64xf32, #tpu.memory_space<vmem>>
      tpu.wait_dma2 semaphore(%run_scoped3A : memref<!tpu.dma_semaphore, #tpu.memory_space<semaphore_mem>>) src(%dma_wait3A_98 : memref<64xf32, #tpu.memory_space<vmem>>) dst(%dma_wait3A_96 : memref<64xf32, #tpu.memory_space<vmem_shared>>)
      tpu.yield
    }) : () -> ()
    %barrier3A = arith.constant 0 : index
    tpu.barrier barrier_id(%barrier3A)
    %add3A_45 = arith.constant 0 : i32
    %add3A_46 = arith.addi %mul3A_2, %add3A_45 : i32
    %dma_start3A = arith.constant 0 : i32
    %dma_start3A_47 = tpu.memref_slice %arg2[%add3A_46, %dma_start3A] : memref<102400x128xf32, #tpu.memory_space<hbm>> -> memref<128x128xf32, #tpu.memory_space<hbm>>
    %dma_start3A_48 = arith.constant 0 : i32
    %dma_start3A_49 = tpu.memref_slice %arg2[%add3A_46, %dma_start3A_48] : memref<102400x128xf32, #tpu.memory_space<hbm>> -> memref<128x128xf32, #tpu.memory_space<hbm>>
    tpu.enqueue_dma source(%dma_start3A_49 : memref<128x128xf32, #tpu.memory_space<hbm>>) target(%arg7 : memref<128x128xf32, #tpu.memory_space<vmem>>) target_semaphore(%arg15 : memref<!tpu.dma_semaphore, #tpu.memory_space<semaphore_mem>>)
    %dma_start3A_50 = tpu.memref_slice %arg3[%add3A_46] : memref<102400xf32, #tpu.memory_space<hbm>> -> memref<128xf32, #tpu.memory_space<hbm>>
    %dma_start3A_51 = tpu.memref_slice %arg3[%add3A_46] : memref<102400xf32, #tpu.memory_space<hbm>> -> memref<128xf32, #tpu.memory_space<hbm>>
    tpu.enqueue_dma source(%dma_start3A_51 : memref<128xf32, #tpu.memory_space<hbm>>) target(%arg9 : memref<128xf32, #tpu.memory_space<vmem>>) target_semaphore(%arg15 : memref<!tpu.dma_semaphore, #tpu.memory_space<semaphore_mem>>)
    %dma_start3A_52 = tpu.memref_slice %arg4[%add3A_46] : memref<102400xi32, #tpu.memory_space<hbm>> -> memref<128xi32, #tpu.memory_space<hbm>>
    %dma_start3A_53 = tpu.memref_slice %arg4[%add3A_46] : memref<102400xi32, #tpu.memory_space<hbm>> -> memref<128xi32, #tpu.memory_space<hbm>>
    tpu.enqueue_dma source(%dma_start3A_53 : memref<128xi32, #tpu.memory_space<hbm>>) target(%arg11 : memref<128xi32, #tpu.memory_space<vmem>>) target_semaphore(%arg15 : memref<!tpu.dma_semaphore, #tpu.memory_space<semaphore_mem>>)
    %scan3A_54 = arith.constant 0 : i32
    %scan3A_55 = arith.constant 0 : i32
    %scan3A_56 = arith.constant 12 : i32
    %scan3A_57 = arith.addi %scan3A_55, %scan3A_56 : i32
    %scan3A_58 = arith.constant 1 : i32
    %scan3A_59 = scf.for %scan3A_87 = %scan3A_55 to %scan3A_57 step %scan3A_58 iter_args(%scan3A_88 = %scan3A_54) -> (i32)  : i32 {
      %mul3A_89 = arith.constant 2 : i32
      %mul3A_90 = arith.muli %mul3A_89, %scan3A_87 : i32
      %add3A_91 = arith.constant 1 : i32
      %add3A_92 = arith.addi %mul3A_90, %add3A_91 : i32
      %mul3A_93 = arith.constant 128 : i32
      %mul3A_94 = arith.muli %add3A_92, %mul3A_93 : i32
      %add3A_95 = arith.addi %mul3A_2, %mul3A_94 : i32
      %dma_start3A_96 = arith.constant 0 : i32
      %dma_start3A_97 = tpu.memref_slice %arg2[%add3A_95, %dma_start3A_96] : memref<102400x128xf32, #tpu.memory_space<hbm>> -> memref<128x128xf32, #tpu.memory_space<hbm>>
      %dma_start3A_98 = arith.constant 0 : i32
      %dma_start3A_99 = tpu.memref_slice %arg2[%add3A_95, %dma_start3A_98] : memref<102400x128xf32, #tpu.memory_space<hbm>> -> memref<128x128xf32, #tpu.memory_space<hbm>>
      tpu.enqueue_dma source(%dma_start3A_99 : memref<128x128xf32, #tpu.memory_space<hbm>>) target(%arg8 : memref<128x128xf32, #tpu.memory_space<vmem>>) target_semaphore(%arg16 : memref<!tpu.dma_semaphore, #tpu.memory_space<semaphore_mem>>)
      %dma_start3A_100 = tpu.memref_slice %arg3[%add3A_95] : memref<102400xf32, #tpu.memory_space<hbm>> -> memref<128xf32, #tpu.memory_space<hbm>>
      %dma_start3A_101 = tpu.memref_slice %arg3[%add3A_95] : memref<102400xf32, #tpu.memory_space<hbm>> -> memref<128xf32, #tpu.memory_space<hbm>>
      tpu.enqueue_dma source(%dma_start3A_101 : memref<128xf32, #tpu.memory_space<hbm>>) target(%arg10 : memref<128xf32, #tpu.memory_space<vmem>>) target_semaphore(%arg16 : memref<!tpu.dma_semaphore, #tpu.memory_space<semaphore_mem>>)
      %dma_start3A_102 = tpu.memref_slice %arg4[%add3A_95] : memref<102400xi32, #tpu.memory_space<hbm>> -> memref<128xi32, #tpu.memory_space<hbm>>
      %dma_start3A_103 = tpu.memref_slice %arg4[%add3A_95] : memref<102400xi32, #tpu.memory_space<hbm>> -> memref<128xi32, #tpu.memory_space<hbm>>
      tpu.enqueue_dma source(%dma_start3A_103 : memref<128xi32, #tpu.memory_space<hbm>>) target(%arg12 : memref<128xi32, #tpu.memory_space<vmem>>) target_semaphore(%arg16 : memref<!tpu.dma_semaphore, #tpu.memory_space<semaphore_mem>>)
      %dma_wait3A_104 = arith.constant 0 : i32
      %dma_wait3A_105 = arith.constant 0 : i32
      %dma_wait3A_106 = tpu.memref_slice %arg2[%dma_wait3A_104, %dma_wait3A_105] : memref<102400x128xf32, #tpu.memory_space<hbm>> -> memref<128x128xf32, #tpu.memory_space<hbm>>
      %dma_wait3A_107 = arith.constant 0 : i32
      %dma_wait3A_108 = arith.constant 0 : i32
      %dma_wait3A_109 = tpu.memref_slice %arg2[%dma_wait3A_107, %dma_wait3A_108] : memref<102400x128xf32, #tpu.memory_space<hbm>> -> memref<128x128xf32, #tpu.memory_space<hbm>>
      tpu.wait_dma2 semaphore(%arg15 : memref<!tpu.dma_semaphore, #tpu.memory_space<semaphore_mem>>) src(%dma_wait3A_109 : memref<128x128xf32, #tpu.memory_space<hbm>>) dst(%arg7 : memref<128x128xf32, #tpu.memory_space<vmem>>)
      %dma_wait3A_110 = arith.constant 0 : i32
      %dma_wait3A_111 = tpu.memref_slice %arg3[%dma_wait3A_110] : memref<102400xf32, #tpu.memory_space<hbm>> -> memref<128xf32, #tpu.memory_space<hbm>>
      %dma_wait3A_112 = arith.constant 0 : i32
      %dma_wait3A_113 = tpu.memref_slice %arg3[%dma_wait3A_112] : memref<102400xf32, #tpu.memory_space<hbm>> -> memref<128xf32, #tpu.memory_space<hbm>>
      tpu.wait_dma2 semaphore(%arg15 : memref<!tpu.dma_semaphore, #tpu.memory_space<semaphore_mem>>) src(%dma_wait3A_113 : memref<128xf32, #tpu.memory_space<hbm>>) dst(%arg9 : memref<128xf32, #tpu.memory_space<vmem>>)
      %dma_wait3A_114 = arith.constant 0 : i32
      %dma_wait3A_115 = tpu.memref_slice %arg4[%dma_wait3A_114] : memref<102400xi32, #tpu.memory_space<hbm>> -> memref<128xi32, #tpu.memory_space<hbm>>
      %dma_wait3A_116 = arith.constant 0 : i32
      %dma_wait3A_117 = tpu.memref_slice %arg4[%dma_wait3A_116] : memref<102400xi32, #tpu.memory_space<hbm>> -> memref<128xi32, #tpu.memory_space<hbm>>
      tpu.wait_dma2 semaphore(%arg15 : memref<!tpu.dma_semaphore, #tpu.memory_space<semaphore_mem>>) src(%dma_wait3A_117 : memref<128xi32, #tpu.memory_space<hbm>>) dst(%arg11 : memref<128xi32, #tpu.memory_space<vmem>>)
      %dma_start3A_118 = arith.constant 0 : i32
      %dma_start3A_119 = tpu.memref_slice %arg14[%dma_start3A_118] : memref<1024xf32, #tpu.memory_space<vmem_shared>> -> memref<1024xf32, #tpu.memory_space<vmem_shared>>
      tpu.enqueue_indirect_dma source(%arg9 : memref<128xf32, #tpu.memory_space<vmem>>) target(%dma_start3A_119 : memref<1024xf32, #tpu.memory_space<vmem_shared>>) offsets(%arg11 : memref<128xi32, #tpu.memory_space<vmem>>) semaphore(%arg17 : memref<!tpu.dma_semaphore, #tpu.memory_space<semaphore_mem>>) {add = true}
      "tpu.region"() ({
        %run_scoped3A = tpu.sem_alloc : memref<!tpu.dma_semaphore, #tpu.memory_space<semaphore_mem>>
        %dma_start3A_156 = arith.constant 0 : i32
        %dma_start3A_157 = arith.constant 0 : i32
        %dma_start3A_158 = tpu.memref_slice %arg13[%dma_start3A_156, %dma_start3A_157] : memref<1024x128xf32, #tpu.memory_space<vmem_shared>> -> memref<1024x128xf32, #tpu.memory_space<vmem_shared>>
        tpu.enqueue_indirect_dma source(%arg7 : memref<128x128xf32, #tpu.memory_space<vmem>>) target(%dma_start3A_158 : memref<1024x128xf32, #tpu.memory_space<vmem_shared>>) offsets(%arg11 : memref<128xi32, #tpu.memory_space<vmem>>) semaphore(%run_scoped3A : memref<!tpu.dma_semaphore, #tpu.memory_space<semaphore_mem>>) {add = true}
        %dma_wait3A_159 = arith.constant 0 : i32
        %dma_wait3A_160 = arith.constant 0 : i32
        %dma_wait3A_161 = tpu.memref_slice %arg13[%dma_wait3A_159, %dma_wait3A_160] : memref<1024x128xf32, #tpu.memory_space<vmem_shared>> -> memref<1024x128xf32, #tpu.memory_space<vmem_shared>>
        tpu.wait_indirect_dma semaphore(%run_scoped3A : memref<!tpu.dma_semaphore, #tpu.memory_space<semaphore_mem>>) src(%arg7 : memref<128x128xf32, #tpu.memory_space<vmem>>) dst(%dma_wait3A_161 : memref<1024x128xf32, #tpu.memory_space<vmem_shared>>)
        tpu.yield
      }) : () -> ()
      %dma_wait3A_120 = arith.constant 0 : i32
      %dma_wait3A_121 = tpu.memref_slice %arg14[%dma_wait3A_120] : memref<1024xf32, #tpu.memory_space<vmem_shared>> -> memref<1024xf32, #tpu.memory_space<vmem_shared>>
      tpu.wait_indirect_dma semaphore(%arg17 : memref<!tpu.dma_semaphore, #tpu.memory_space<semaphore_mem>>) src(%arg9 : memref<128xf32, #tpu.memory_space<vmem>>) dst(%dma_wait3A_121 : memref<1024xf32, #tpu.memory_space<vmem_shared>>)
      %mul3A_122 = arith.constant 2 : i32
      %mul3A_123 = arith.muli %mul3A_122, %scan3A_87 : i32
      %add3A_124 = arith.constant 2 : i32
      %add3A_125 = arith.addi %mul3A_123, %add3A_124 : i32
      %mul3A_126 = arith.constant 128 : i32
      %mul3A_127 = arith.muli %add3A_125, %mul3A_126 : i32
      %add3A_128 = arith.addi %mul3A_2, %mul3A_127 : i32
      %dma_start3A_129 = arith.constant 0 : i32
      %dma_start3A_130 = tpu.memref_slice %arg2[%add3A_128, %dma_start3A_129] : memref<102400x128xf32, #tpu.memory_space<hbm>> -> memref<128x128xf32, #tpu.memory_space<hbm>>
      %dma_start3A_131 = arith.constant 0 : i32
      %dma_start3A_132 = tpu.memref_slice %arg2[%add3A_128, %dma_start3A_131] : memref<102400x128xf32, #tpu.memory_space<hbm>> -> memref<128x128xf32, #tpu.memory_space<hbm>>
      tpu.enqueue_dma source(%dma_start3A_132 : memref<128x128xf32, #tpu.memory_space<hbm>>) target(%arg7 : memref<128x128xf32, #tpu.memory_space<vmem>>) target_semaphore(%arg15 : memref<!tpu.dma_semaphore, #tpu.memory_space<semaphore_mem>>)
      %dma_start3A_133 = tpu.memref_slice %arg3[%add3A_128] : memref<102400xf32, #tpu.memory_space<hbm>> -> memref<128xf32, #tpu.memory_space<hbm>>
      %dma_start3A_134 = tpu.memref_slice %arg3[%add3A_128] : memref<102400xf32, #tpu.memory_space<hbm>> -> memref<128xf32, #tpu.memory_space<hbm>>
      tpu.enqueue_dma source(%dma_start3A_134 : memref<128xf32, #tpu.memory_space<hbm>>) target(%arg9 : memref<128xf32, #tpu.memory_space<vmem>>) target_semaphore(%arg15 : memref<!tpu.dma_semaphore, #tpu.memory_space<semaphore_mem>>)
      %dma_start3A_135 = tpu.memref_slice %arg4[%add3A_128] : memref<102400xi32, #tpu.memory_space<hbm>> -> memref<128xi32, #tpu.memory_space<hbm>>
      %dma_start3A_136 = tpu.memref_slice %arg4[%add3A_128] : memref<102400xi32, #tpu.memory_space<hbm>> -> memref<128xi32, #tpu.memory_space<hbm>>
      tpu.enqueue_dma source(%dma_start3A_136 : memref<128xi32, #tpu.memory_space<hbm>>) target(%arg11 : memref<128xi32, #tpu.memory_space<vmem>>) target_semaphore(%arg15 : memref<!tpu.dma_semaphore, #tpu.memory_space<semaphore_mem>>)
      %dma_wait3A_137 = arith.constant 0 : i32
      %dma_wait3A_138 = arith.constant 0 : i32
      %dma_wait3A_139 = tpu.memref_slice %arg2[%dma_wait3A_137, %dma_wait3A_138] : memref<102400x128xf32, #tpu.memory_space<hbm>> -> memref<128x128xf32, #tpu.memory_space<hbm>>
      %dma_wait3A_140 = arith.constant 0 : i32
      %dma_wait3A_141 = arith.constant 0 : i32
      %dma_wait3A_142 = tpu.memref_slice %arg2[%dma_wait3A_140, %dma_wait3A_141] : memref<102400x128xf32, #tpu.memory_space<hbm>> -> memref<128x128xf32, #tpu.memory_space<hbm>>
      tpu.wait_dma2 semaphore(%arg16 : memref<!tpu.dma_semaphore, #tpu.memory_space<semaphore_mem>>) src(%dma_wait3A_142 : memref<128x128xf32, #tpu.memory_space<hbm>>) dst(%arg8 : memref<128x128xf32, #tpu.memory_space<vmem>>)
      %dma_wait3A_143 = arith.constant 0 : i32
      %dma_wait3A_144 = tpu.memref_slice %arg3[%dma_wait3A_143] : memref<102400xf32, #tpu.memory_space<hbm>> -> memref<128xf32, #tpu.memory_space<hbm>>
      %dma_wait3A_145 = arith.constant 0 : i32
      %dma_wait3A_146 = tpu.memref_slice %arg3[%dma_wait3A_145] : memref<102400xf32, #tpu.memory_space<hbm>> -> memref<128xf32, #tpu.memory_space<hbm>>
      tpu.wait_dma2 semaphore(%arg16 : memref<!tpu.dma_semaphore, #tpu.memory_space<semaphore_mem>>) src(%dma_wait3A_146 : memref<128xf32, #tpu.memory_space<hbm>>) dst(%arg10 : memref<128xf32, #tpu.memory_space<vmem>>)
      %dma_wait3A_147 = arith.constant 0 : i32
      %dma_wait3A_148 = tpu.memref_slice %arg4[%dma_wait3A_147] : memref<102400xi32, #tpu.memory_space<hbm>> -> memref<128xi32, #tpu.memory_space<hbm>>
      %dma_wait3A_149 = arith.constant 0 : i32
      %dma_wait3A_150 = tpu.memref_slice %arg4[%dma_wait3A_149] : memref<102400xi32, #tpu.memory_space<hbm>> -> memref<128xi32, #tpu.memory_space<hbm>>
      tpu.wait_dma2 semaphore(%arg16 : memref<!tpu.dma_semaphore, #tpu.memory_space<semaphore_mem>>) src(%dma_wait3A_150 : memref<128xi32, #tpu.memory_space<hbm>>) dst(%arg12 : memref<128xi32, #tpu.memory_space<vmem>>)
      %dma_start3A_151 = arith.constant 0 : i32
      %dma_start3A_152 = tpu.memref_slice %arg14[%dma_start3A_151] : memref<1024xf32, #tpu.memory_space<vmem_shared>> -> memref<1024xf32, #tpu.memory_space<vmem_shared>>
      tpu.enqueue_indirect_dma source(%arg10 : memref<128xf32, #tpu.memory_space<vmem>>) target(%dma_start3A_152 : memref<1024xf32, #tpu.memory_space<vmem_shared>>) offsets(%arg12 : memref<128xi32, #tpu.memory_space<vmem>>) semaphore(%arg18 : memref<!tpu.dma_semaphore, #tpu.memory_space<semaphore_mem>>) {add = true}
      "tpu.region"() ({
        %run_scoped3A = tpu.sem_alloc : memref<!tpu.dma_semaphore, #tpu.memory_space<semaphore_mem>>
        %dma_start3A_156 = arith.constant 0 : i32
        %dma_start3A_157 = arith.constant 0 : i32
        %dma_start3A_158 = tpu.memref_slice %arg13[%dma_start3A_156, %dma_start3A_157] : memref<1024x128xf32, #tpu.memory_space<vmem_shared>> -> memref<1024x128xf32, #tpu.memory_space<vmem_shared>>
        tpu.enqueue_indirect_dma source(%arg8 : memref<128x128xf32, #tpu.memory_space<vmem>>) target(%dma_start3A_158 : memref<1024x128xf32, #tpu.memory_space<vmem_shared>>) offsets(%arg12 : memref<128xi32, #tpu.memory_space<vmem>>) semaphore(%run_scoped3A : memref<!tpu.dma_semaphore, #tpu.memory_space<semaphore_mem>>) {add = true}
        %dma_wait3A_159 = arith.constant 0 : i32
        %dma_wait3A_160 = arith.constant 0 : i32
        %dma_wait3A_161 = tpu.memref_slice %arg13[%dma_wait3A_159, %dma_wait3A_160] : memref<1024x128xf32, #tpu.memory_space<vmem_shared>> -> memref<1024x128xf32, #tpu.memory_space<vmem_shared>>
        tpu.wait_indirect_dma semaphore(%run_scoped3A : memref<!tpu.dma_semaphore, #tpu.memory_space<semaphore_mem>>) src(%arg8 : memref<128x128xf32, #tpu.memory_space<vmem>>) dst(%dma_wait3A_161 : memref<1024x128xf32, #tpu.memory_space<vmem_shared>>)
        tpu.yield
      }) : () -> ()
      %dma_wait3A_153 = arith.constant 0 : i32
      %dma_wait3A_154 = tpu.memref_slice %arg14[%dma_wait3A_153] : memref<1024xf32, #tpu.memory_space<vmem_shared>> -> memref<1024xf32, #tpu.memory_space<vmem_shared>>
      tpu.wait_indirect_dma semaphore(%arg18 : memref<!tpu.dma_semaphore, #tpu.memory_space<semaphore_mem>>) src(%arg10 : memref<128xf32, #tpu.memory_space<vmem>>) dst(%dma_wait3A_154 : memref<1024xf32, #tpu.memory_space<vmem_shared>>)
      %scan3A_155 = arith.constant 0 : i32
      scf.yield %scan3A_155 : i32
    }
    %scan3A_60 = arith.constant 12 : i32
    %dma_wait3A = arith.constant 0 : i32
    %dma_wait3A_61 = arith.constant 0 : i32
    %dma_wait3A_62 = tpu.memref_slice %arg2[%dma_wait3A, %dma_wait3A_61] : memref<102400x128xf32, #tpu.memory_space<hbm>> -> memref<128x128xf32, #tpu.memory_space<hbm>>
    %dma_wait3A_63 = arith.constant 0 : i32
    %dma_wait3A_64 = arith.constant 0 : i32
    %dma_wait3A_65 = tpu.memref_slice %arg2[%dma_wait3A_63, %dma_wait3A_64] : memref<102400x128xf32, #tpu.memory_space<hbm>> -> memref<128x128xf32, #tpu.memory_space<hbm>>
    tpu.wait_dma2 semaphore(%arg15 : memref<!tpu.dma_semaphore, #tpu.memory_space<semaphore_mem>>) src(%dma_wait3A_65 : memref<128x128xf32, #tpu.memory_space<hbm>>) dst(%arg7 : memref<128x128xf32, #tpu.memory_space<vmem>>)
    %dma_wait3A_66 = arith.constant 0 : i32
    %dma_wait3A_67 = tpu.memref_slice %arg3[%dma_wait3A_66] : memref<102400xf32, #tpu.memory_space<hbm>> -> memref<128xf32, #tpu.memory_space<hbm>>
    %dma_wait3A_68 = arith.constant 0 : i32
    %dma_wait3A_69 = tpu.memref_slice %arg3[%dma_wait3A_68] : memref<102400xf32, #tpu.memory_space<hbm>> -> memref<128xf32, #tpu.memory_space<hbm>>
    tpu.wait_dma2 semaphore(%arg15 : memref<!tpu.dma_semaphore, #tpu.memory_space<semaphore_mem>>) src(%dma_wait3A_69 : memref<128xf32, #tpu.memory_space<hbm>>) dst(%arg9 : memref<128xf32, #tpu.memory_space<vmem>>)
    %dma_wait3A_70 = arith.constant 0 : i32
    %dma_wait3A_71 = tpu.memref_slice %arg4[%dma_wait3A_70] : memref<102400xi32, #tpu.memory_space<hbm>> -> memref<128xi32, #tpu.memory_space<hbm>>
    %dma_wait3A_72 = arith.constant 0 : i32
    %dma_wait3A_73 = tpu.memref_slice %arg4[%dma_wait3A_72] : memref<102400xi32, #tpu.memory_space<hbm>> -> memref<128xi32, #tpu.memory_space<hbm>>
    tpu.wait_dma2 semaphore(%arg15 : memref<!tpu.dma_semaphore, #tpu.memory_space<semaphore_mem>>) src(%dma_wait3A_73 : memref<128xi32, #tpu.memory_space<hbm>>) dst(%arg11 : memref<128xi32, #tpu.memory_space<vmem>>)
    %dma_start3A_74 = arith.constant 0 : i32
    %dma_start3A_75 = tpu.memref_slice %arg14[%dma_start3A_74] : memref<1024xf32, #tpu.memory_space<vmem_shared>> -> memref<1024xf32, #tpu.memory_space<vmem_shared>>
    tpu.enqueue_indirect_dma source(%arg9 : memref<128xf32, #tpu.memory_space<vmem>>) target(%dma_start3A_75 : memref<1024xf32, #tpu.memory_space<vmem_shared>>) offsets(%arg11 : memref<128xi32, #tpu.memory_space<vmem>>) semaphore(%arg17 : memref<!tpu.dma_semaphore, #tpu.memory_space<semaphore_mem>>) {add = true}
    "tpu.region"() ({
      %run_scoped3A = tpu.sem_alloc : memref<!tpu.dma_semaphore, #tpu.memory_space<semaphore_mem>>
      %dma_start3A_87 = arith.constant 0 : i32
      %dma_start3A_88 = arith.constant 0 : i32
      %dma_start3A_89 = tpu.memref_slice %arg13[%dma_start3A_87, %dma_start3A_88] : memref<1024x128xf32, #tpu.memory_space<vmem_shared>> -> memref<1024x128xf32, #tpu.memory_space<vmem_shared>>
      tpu.enqueue_indirect_dma source(%arg7 : memref<128x128xf32, #tpu.memory_space<vmem>>) target(%dma_start3A_89 : memref<1024x128xf32, #tpu.memory_space<vmem_shared>>) offsets(%arg11 : memref<128xi32, #tpu.memory_space<vmem>>) semaphore(%run_scoped3A : memref<!tpu.dma_semaphore, #tpu.memory_space<semaphore_mem>>) {add = true}
      %dma_wait3A_90 = arith.constant 0 : i32
      %dma_wait3A_91 = arith.constant 0 : i32
      %dma_wait3A_92 = tpu.memref_slice %arg13[%dma_wait3A_90, %dma_wait3A_91] : memref<1024x128xf32, #tpu.memory_space<vmem_shared>> -> memref<1024x128xf32, #tpu.memory_space<vmem_shared>>
      tpu.wait_indirect_dma semaphore(%run_scoped3A : memref<!tpu.dma_semaphore, #tpu.memory_space<semaphore_mem>>) src(%arg7 : memref<128x128xf32, #tpu.memory_space<vmem>>) dst(%dma_wait3A_92 : memref<1024x128xf32, #tpu.memory_space<vmem_shared>>)
      tpu.yield
    }) : () -> ()
    %dma_wait3A_76 = arith.constant 0 : i32
    %dma_wait3A_77 = tpu.memref_slice %arg14[%dma_wait3A_76] : memref<1024xf32, #tpu.memory_space<vmem_shared>> -> memref<1024xf32, #tpu.memory_space<vmem_shared>>
    tpu.wait_indirect_dma semaphore(%arg17 : memref<!tpu.dma_semaphore, #tpu.memory_space<semaphore_mem>>) src(%arg9 : memref<128xf32, #tpu.memory_space<vmem>>) dst(%dma_wait3A_77 : memref<1024xf32, #tpu.memory_space<vmem_shared>>)
    %barrier3A_78 = arith.constant 0 : index
    tpu.barrier barrier_id(%barrier3A_78)
    %mul3A_79 = arith.constant 64 : i32
    %mul3A_80 = arith.muli %arg1, %mul3A_79 : i32
    %mul3A_81 = arith.constant 64 : i32
    %mul3A_82 = arith.muli %arg1, %mul3A_81 : i32
    "tpu.region"() ({
      %run_scoped3A = tpu.sem_alloc : memref<!tpu.dma_semaphore, #tpu.memory_space<semaphore_mem>>
      %dma_start3A_87 = arith.constant 0 : i32
      %dma_start3A_88 = tpu.memref_slice %arg5[%arg0, %mul3A_82, %dma_start3A_87] : memref<2x1024x128xf32, #tpu.memory_space<hbm>> -> memref<1x64x128xf32, #tpu.memory_space<hbm>>
      %dma_start3A_89 = tpu.memref_squeeze %dma_start3A_88 : memref<1x64x128xf32, #tpu.memory_space<hbm>> -> memref<64x128xf32, #tpu.memory_space<hbm>>
      %dma_start3A_90 = arith.constant 0 : i32
      %dma_start3A_91 = tpu.memref_slice %arg13[%mul3A_80, %dma_start3A_90] : memref<1024x128xf32, #tpu.memory_space<vmem_shared>> -> memref<64x128xf32, #tpu.memory_space<vmem_shared>>
      tpu.enqueue_dma source(%dma_start3A_91 : memref<64x128xf32, #tpu.memory_space<vmem_shared>>) target(%dma_start3A_89 : memref<64x128xf32, #tpu.memory_space<hbm>>) target_semaphore(%run_scoped3A : memref<!tpu.dma_semaphore, #tpu.memory_space<semaphore_mem>>)
      %dma_wait3A_92 = arith.constant 0 : i32
      %dma_wait3A_93 = tpu.memref_slice %arg5[%arg0, %mul3A_82, %dma_wait3A_92] : memref<2x1024x128xf32, #tpu.memory_space<hbm>> -> memref<1x64x128xf32, #tpu.memory_space<hbm>>
      %dma_wait3A_94 = tpu.memref_squeeze %dma_wait3A_93 : memref<1x64x128xf32, #tpu.memory_space<hbm>> -> memref<64x128xf32, #tpu.memory_space<hbm>>
      %dma_wait3A_95 = arith.constant 0 : i32
      %dma_wait3A_96 = tpu.memref_slice %arg13[%mul3A_80, %dma_wait3A_95] : memref<1024x128xf32, #tpu.memory_space<vmem_shared>> -> memref<64x128xf32, #tpu.memory_space<vmem_shared>>
      tpu.wait_dma2 semaphore(%run_scoped3A : memref<!tpu.dma_semaphore, #tpu.memory_space<semaphore_mem>>) src(%dma_wait3A_96 : memref<64x128xf32, #tpu.memory_space<vmem_shared>>) dst(%dma_wait3A_94 : memref<64x128xf32, #tpu.memory_space<hbm>>)
      tpu.yield
    }) : () -> ()
    %mul3A_83 = arith.constant 64 : i32
    %mul3A_84 = arith.muli %arg1, %mul3A_83 : i32
    "tpu.region"() ({
      %run_scoped3A = tpu.sem_alloc : memref<!tpu.dma_semaphore, #tpu.memory_space<semaphore_mem>>
      %dma_start3A_87 = arith.constant 0 : i32
      %dma_start3A_88 = tpu.memref_slice %arg9[%dma_start3A_87] : memref<128xf32, #tpu.memory_space<vmem>> -> memref<64xf32, #tpu.memory_space<vmem>>
      %dma_start3A_89 = tpu.memref_slice %arg14[%mul3A_84] : memref<1024xf32, #tpu.memory_space<vmem_shared>> -> memref<64xf32, #tpu.memory_space<vmem_shared>>
      %dma_start3A_90 = arith.constant 0 : i32
      %dma_start3A_91 = tpu.memref_slice %arg9[%dma_start3A_90] : memref<128xf32, #tpu.memory_space<vmem>> -> memref<64xf32, #tpu.memory_space<vmem>>
      %dma_start3A_92 = tpu.memref_slice %arg14[%mul3A_84] : memref<1024xf32, #tpu.memory_space<vmem_shared>> -> memref<64xf32, #tpu.memory_space<vmem_shared>>
      tpu.enqueue_dma source(%dma_start3A_92 : memref<64xf32, #tpu.memory_space<vmem_shared>>) target(%dma_start3A_91 : memref<64xf32, #tpu.memory_space<vmem>>) target_semaphore(%run_scoped3A : memref<!tpu.dma_semaphore, #tpu.memory_space<semaphore_mem>>)
      %dma_wait3A_93 = arith.constant 0 : i32
      %dma_wait3A_94 = tpu.memref_slice %arg9[%dma_wait3A_93] : memref<128xf32, #tpu.memory_space<vmem>> -> memref<64xf32, #tpu.memory_space<vmem>>
      %dma_wait3A_95 = tpu.memref_slice %arg14[%mul3A_84] : memref<1024xf32, #tpu.memory_space<vmem_shared>> -> memref<64xf32, #tpu.memory_space<vmem_shared>>
      %dma_wait3A_96 = arith.constant 0 : i32
      %dma_wait3A_97 = tpu.memref_slice %arg9[%dma_wait3A_96] : memref<128xf32, #tpu.memory_space<vmem>> -> memref<64xf32, #tpu.memory_space<vmem>>
      %dma_wait3A_98 = tpu.memref_slice %arg14[%mul3A_84] : memref<1024xf32, #tpu.memory_space<vmem_shared>> -> memref<64xf32, #tpu.memory_space<vmem_shared>>
      tpu.wait_dma2 semaphore(%run_scoped3A : memref<!tpu.dma_semaphore, #tpu.memory_space<semaphore_mem>>) src(%dma_wait3A_98 : memref<64xf32, #tpu.memory_space<vmem_shared>>) dst(%dma_wait3A_97 : memref<64xf32, #tpu.memory_space<vmem>>)
      tpu.yield
    }) : () -> ()
    %mul3A_85 = arith.constant 64 : i32
    %mul3A_86 = arith.muli %arg1, %mul3A_85 : i32
    "tpu.region"() ({
      %run_scoped3A = tpu.sem_alloc : memref<!tpu.dma_semaphore, #tpu.memory_space<semaphore_mem>>
      %dma_start3A_87 = arith.constant 0 : i32
      %dma_start3A_88 = tpu.memref_slice %arg9[%dma_start3A_87] : memref<128xf32, #tpu.memory_space<vmem>> -> memref<64xf32, #tpu.memory_space<vmem>>
      %dma_start3A_89 = tpu.memref_slice %arg6[%arg0, %mul3A_86] : memref<2x1024xf32, #tpu.memory_space<hbm>> -> memref<1x64xf32, #tpu.memory_space<hbm>>
      %dma_start3A_90 = tpu.memref_squeeze %dma_start3A_89 : memref<1x64xf32, #tpu.memory_space<hbm>> -> memref<64xf32, #tpu.memory_space<hbm>>
      %dma_start3A_91 = tpu.memref_slice %arg6[%arg0, %mul3A_86] : memref<2x1024xf32, #tpu.memory_space<hbm>> -> memref<1x64xf32, #tpu.memory_space<hbm>>
      %dma_start3A_92 = tpu.memref_squeeze %dma_start3A_91 : memref<1x64xf32, #tpu.memory_space<hbm>> -> memref<64xf32, #tpu.memory_space<hbm>>
      %dma_start3A_93 = arith.constant 0 : i32
      %dma_start3A_94 = tpu.memref_slice %arg9[%dma_start3A_93] : memref<128xf32, #tpu.memory_space<vmem>> -> memref<64xf32, #tpu.memory_space<vmem>>
      tpu.enqueue_dma source(%dma_start3A_94 : memref<64xf32, #tpu.memory_space<vmem>>) target(%dma_start3A_92 : memref<64xf32, #tpu.memory_space<hbm>>) target_semaphore(%run_scoped3A : memref<!tpu.dma_semaphore, #tpu.memory_space<semaphore_mem>>)
      %dma_wait3A_95 = arith.constant 0 : i32
      %dma_wait3A_96 = tpu.memref_slice %arg9[%dma_wait3A_95] : memref<128xf32, #tpu.memory_space<vmem>> -> memref<64xf32, #tpu.memory_space<vmem>>
      %dma_wait3A_97 = tpu.memref_slice %arg6[%arg0, %mul3A_86] : memref<2x1024xf32, #tpu.memory_space<hbm>> -> memref<1x64xf32, #tpu.memory_space<hbm>>
      %dma_wait3A_98 = tpu.memref_squeeze %dma_wait3A_97 : memref<1x64xf32, #tpu.memory_space<hbm>> -> memref<64xf32, #tpu.memory_space<hbm>>
      %dma_wait3A_99 = tpu.memref_slice %arg6[%arg0, %mul3A_86] : memref<2x1024xf32, #tpu.memory_space<hbm>> -> memref<1x64xf32, #tpu.memory_space<hbm>>
      %dma_wait3A_100 = tpu.memref_squeeze %dma_wait3A_99 : memref<1x64xf32, #tpu.memory_space<hbm>> -> memref<64xf32, #tpu.memory_space<hbm>>
      %dma_wait3A_101 = arith.constant 0 : i32
      %dma_wait3A_102 = tpu.memref_slice %arg9[%dma_wait3A_101] : memref<128xf32, #tpu.memory_space<vmem>> -> memref<64xf32, #tpu.memory_space<vmem>>
      tpu.wait_dma2 semaphore(%run_scoped3A : memref<!tpu.dma_semaphore, #tpu.memory_space<semaphore_mem>>) src(%dma_wait3A_102 : memref<64xf32, #tpu.memory_space<vmem>>) dst(%dma_wait3A_100 : memref<64xf32, #tpu.memory_space<hbm>>)
      tpu.yield
    }) : () -> ()
    return
  }
}

#map = affine_map<(d0, d1) -> (0, 0)>
#map1 = affine_map<(d0, d1) -> (0)>
#map2 = affine_map<(d0, d1) -> (0, 0, 0)>
module attributes {stable_mosaic.version = 14 : i64} {
  func.func @sc_kernel(%arg0: i32, %arg1: i32, %arg2: memref<115200x128xf32, #tpu.memory_space<hbm>>, %arg3: memref<115200xf32, #tpu.memory_space<hbm>>, %arg4: memref<115200xi32, #tpu.memory_space<hbm>>, %arg5: memref<2x1024x128xf32, #tpu.memory_space<hbm>>, %arg6: memref<2x1024xf32, #tpu.memory_space<hbm>>, %arg7: memref<80x128xf32, #tpu.memory_space<vmem>>, %arg8: memref<80x128xf32, #tpu.memory_space<vmem>>, %arg9: memref<80xf32, #tpu.memory_space<vmem>>, %arg10: memref<80xf32, #tpu.memory_space<vmem>>, %arg11: memref<80xi32, #tpu.memory_space<vmem>>, %arg12: memref<80xi32, #tpu.memory_space<vmem>>, %arg13: memref<1024x128xf32, #tpu.memory_space<vmem_shared>>, %arg14: memref<1024xf32, #tpu.memory_space<vmem_shared>>, %arg15: memref<!tpu.dma_semaphore, #tpu.memory_space<semaphore_mem>>, %arg16: memref<!tpu.dma_semaphore, #tpu.memory_space<semaphore_mem>>, %arg17: memref<!tpu.dma_semaphore, #tpu.memory_space<semaphore_mem>>, %arg18: memref<!tpu.dma_semaphore, #tpu.memory_space<semaphore_mem>>) attributes {dimension_semantics = [#tpu.dimension_semantics<core_parallel>, #tpu.dimension_semantics<subcore_parallel>], iteration_bounds = array<i64: 2, 16>, scalar_prefetch = 0 : i64, scratch_operands = 12 : i64, tpu.core_type = #tpu.core_type<sc_vector_subcore>, window_params = [{transform_indices = #map}, {transform_indices = #map1}, {transform_indices = #map1}, {transform_indices = #map2}, {transform_indices = #map}]} {
    %mul3A = arith.constant 16 : i32
    %mul3A_0 = arith.muli %arg0, %mul3A : i32
    %add3A = arith.addi %mul3A_0, %arg1 : i32
    %mul3A_1 = arith.constant 3600 : i32
    %mul3A_2 = arith.muli %add3A, %mul3A_1 : i32
    %broadcast_in_dim3A = arith.constant 0.000000e+00 : f32
    %broadcast_in_dim3A_3 = vector.broadcast %broadcast_in_dim3A : f32 to vector<16xf32>
    %scan3A = arith.constant 0 : i32
    %scan3A_4 = arith.constant 0 : i32
    %scan3A_5 = arith.constant 80 : i32
    %scan3A_6 = arith.addi %scan3A_4, %scan3A_5 : i32
    %scan3A_7 = arith.constant 1 : i32
    %scan3A_8 = scf.for %scan3A_75 = %scan3A_4 to %scan3A_6 step %scan3A_7 iter_args(%scan3A_76 = %scan3A) -> (i32)  : i32 {
      %swap3A_77 = arith.index_cast %scan3A_75 : i32 to index
      %swap3A_78 = arith.constant 0 : index
      %swap3A_79 = tpu.vector_load %arg7[%swap3A_77, %swap3A_78] {strides = array<i32>} : memref<80x128xf32, #tpu.memory_space<vmem>>, vector<1x16xf32>,
      %swap3A_80 = vector.shape_cast %swap3A_79 : vector<1x16xf32> to vector<16xf32>
      %swap3A_81 = vector.shape_cast %broadcast_in_dim3A_3 : vector<16xf32> to vector<1x16xf32>
      tpu.vector_store %arg7[%swap3A_77, %swap3A_78], %swap3A_81 {strides = array<i32>} : memref<80x128xf32, #tpu.memory_space<vmem>>, vector<1x16xf32>,
      %swap3A_82 = arith.index_cast %scan3A_75 : i32 to index
      %swap3A_83 = arith.constant 16 : index
      %swap3A_84 = tpu.vector_load %arg7[%swap3A_82, %swap3A_83] {strides = array<i32>} : memref<80x128xf32, #tpu.memory_space<vmem>>, vector<1x16xf32>,
      %swap3A_85 = vector.shape_cast %swap3A_84 : vector<1x16xf32> to vector<16xf32>
      %swap3A_86 = vector.shape_cast %broadcast_in_dim3A_3 : vector<16xf32> to vector<1x16xf32>
      tpu.vector_store %arg7[%swap3A_82, %swap3A_83], %swap3A_86 {strides = array<i32>} : memref<80x128xf32, #tpu.memory_space<vmem>>, vector<1x16xf32>,
      %swap3A_87 = arith.index_cast %scan3A_75 : i32 to index
      %swap3A_88 = arith.constant 32 : index
      %swap3A_89 = tpu.vector_load %arg7[%swap3A_87, %swap3A_88] {strides = array<i32>} : memref<80x128xf32, #tpu.memory_space<vmem>>, vector<1x16xf32>,
      %swap3A_90 = vector.shape_cast %swap3A_89 : vector<1x16xf32> to vector<16xf32>
      %swap3A_91 = vector.shape_cast %broadcast_in_dim3A_3 : vector<16xf32> to vector<1x16xf32>
      tpu.vector_store %arg7[%swap3A_87, %swap3A_88], %swap3A_91 {strides = array<i32>} : memref<80x128xf32, #tpu.memory_space<vmem>>, vector<1x16xf32>,
      %swap3A_92 = arith.index_cast %scan3A_75 : i32 to index
      %swap3A_93 = arith.constant 48 : index
      %swap3A_94 = tpu.vector_load %arg7[%swap3A_92, %swap3A_93] {strides = array<i32>} : memref<80x128xf32, #tpu.memory_space<vmem>>, vector<1x16xf32>,
      %swap3A_95 = vector.shape_cast %swap3A_94 : vector<1x16xf32> to vector<16xf32>
      %swap3A_96 = vector.shape_cast %broadcast_in_dim3A_3 : vector<16xf32> to vector<1x16xf32>
      tpu.vector_store %arg7[%swap3A_92, %swap3A_93], %swap3A_96 {strides = array<i32>} : memref<80x128xf32, #tpu.memory_space<vmem>>, vector<1x16xf32>,
      %swap3A_97 = arith.index_cast %scan3A_75 : i32 to index
      %swap3A_98 = arith.constant 64 : index
      %swap3A_99 = tpu.vector_load %arg7[%swap3A_97, %swap3A_98] {strides = array<i32>} : memref<80x128xf32, #tpu.memory_space<vmem>>, vector<1x16xf32>,
      %swap3A_100 = vector.shape_cast %swap3A_99 : vector<1x16xf32> to vector<16xf32>
      %swap3A_101 = vector.shape_cast %broadcast_in_dim3A_3 : vector<16xf32> to vector<1x16xf32>
      tpu.vector_store %arg7[%swap3A_97, %swap3A_98], %swap3A_101 {strides = array<i32>} : memref<80x128xf32, #tpu.memory_space<vmem>>, vector<1x16xf32>,
      %swap3A_102 = arith.index_cast %scan3A_75 : i32 to index
      %swap3A_103 = arith.constant 80 : index
      %swap3A_104 = tpu.vector_load %arg7[%swap3A_102, %swap3A_103] {strides = array<i32>} : memref<80x128xf32, #tpu.memory_space<vmem>>, vector<1x16xf32>,
      %swap3A_105 = vector.shape_cast %swap3A_104 : vector<1x16xf32> to vector<16xf32>
      %swap3A_106 = vector.shape_cast %broadcast_in_dim3A_3 : vector<16xf32> to vector<1x16xf32>
      tpu.vector_store %arg7[%swap3A_102, %swap3A_103], %swap3A_106 {strides = array<i32>} : memref<80x128xf32, #tpu.memory_space<vmem>>, vector<1x16xf32>,
      %swap3A_107 = arith.index_cast %scan3A_75 : i32 to index
      %swap3A_108 = arith.constant 96 : index
      %swap3A_109 = tpu.vector_load %arg7[%swap3A_107, %swap3A_108] {strides = array<i32>} : memref<80x128xf32, #tpu.memory_space<vmem>>, vector<1x16xf32>,
      %swap3A_110 = vector.shape_cast %swap3A_109 : vector<1x16xf32> to vector<16xf32>
      %swap3A_111 = vector.shape_cast %broadcast_in_dim3A_3 : vector<16xf32> to vector<1x16xf32>
      tpu.vector_store %arg7[%swap3A_107, %swap3A_108], %swap3A_111 {strides = array<i32>} : memref<80x128xf32, #tpu.memory_space<vmem>>, vector<1x16xf32>,
      %swap3A_112 = arith.index_cast %scan3A_75 : i32 to index
      %swap3A_113 = arith.constant 112 : index
      %swap3A_114 = tpu.vector_load %arg7[%swap3A_112, %swap3A_113] {strides = array<i32>} : memref<80x128xf32, #tpu.memory_space<vmem>>, vector<1x16xf32>,
      %swap3A_115 = vector.shape_cast %swap3A_114 : vector<1x16xf32> to vector<16xf32>
      %swap3A_116 = vector.shape_cast %broadcast_in_dim3A_3 : vector<16xf32> to vector<1x16xf32>
      tpu.vector_store %arg7[%swap3A_112, %swap3A_113], %swap3A_116 {strides = array<i32>} : memref<80x128xf32, #tpu.memory_space<vmem>>, vector<1x16xf32>,
      %scan3A_117 = arith.constant 0 : i32
      scf.yield %scan3A_117 : i32
    }
    %scan3A_9 = arith.constant 80 : i32
    %swap3A = arith.constant 0 : index
    %swap3A_10 = tpu.vector_load %arg9[%swap3A] {strides = array<i32>} : memref<80xf32, #tpu.memory_space<vmem>>, vector<16xf32>,
    %swap3A_11 = vector.shape_cast %swap3A_10 : vector<16xf32> to vector<16xf32>
    %swap3A_12 = vector.shape_cast %broadcast_in_dim3A_3 : vector<16xf32> to vector<16xf32>
    tpu.vector_store %arg9[%swap3A], %swap3A_12 {strides = array<i32>} : memref<80xf32, #tpu.memory_space<vmem>>, vector<16xf32>,
    %swap3A_13 = arith.constant 16 : index
    %swap3A_14 = tpu.vector_load %arg9[%swap3A_13] {strides = array<i32>} : memref<80xf32, #tpu.memory_space<vmem>>, vector<16xf32>,
    %swap3A_15 = vector.shape_cast %swap3A_14 : vector<16xf32> to vector<16xf32>
    %swap3A_16 = vector.shape_cast %broadcast_in_dim3A_3 : vector<16xf32> to vector<16xf32>
    tpu.vector_store %arg9[%swap3A_13], %swap3A_16 {strides = array<i32>} : memref<80xf32, #tpu.memory_space<vmem>>, vector<16xf32>,
    %swap3A_17 = arith.constant 32 : index
    %swap3A_18 = tpu.vector_load %arg9[%swap3A_17] {strides = array<i32>} : memref<80xf32, #tpu.memory_space<vmem>>, vector<16xf32>,
    %swap3A_19 = vector.shape_cast %swap3A_18 : vector<16xf32> to vector<16xf32>
    %swap3A_20 = vector.shape_cast %broadcast_in_dim3A_3 : vector<16xf32> to vector<16xf32>
    tpu.vector_store %arg9[%swap3A_17], %swap3A_20 {strides = array<i32>} : memref<80xf32, #tpu.memory_space<vmem>>, vector<16xf32>,
    %swap3A_21 = arith.constant 48 : index
    %swap3A_22 = tpu.vector_load %arg9[%swap3A_21] {strides = array<i32>} : memref<80xf32, #tpu.memory_space<vmem>>, vector<16xf32>,
    %swap3A_23 = vector.shape_cast %swap3A_22 : vector<16xf32> to vector<16xf32>
    %swap3A_24 = vector.shape_cast %broadcast_in_dim3A_3 : vector<16xf32> to vector<16xf32>
    tpu.vector_store %arg9[%swap3A_21], %swap3A_24 {strides = array<i32>} : memref<80xf32, #tpu.memory_space<vmem>>, vector<16xf32>,
    %swap3A_25 = arith.constant 64 : index
    %swap3A_26 = tpu.vector_load %arg9[%swap3A_25] {strides = array<i32>} : memref<80xf32, #tpu.memory_space<vmem>>, vector<16xf32>,
    %swap3A_27 = vector.shape_cast %swap3A_26 : vector<16xf32> to vector<16xf32>
    %swap3A_28 = vector.shape_cast %broadcast_in_dim3A_3 : vector<16xf32> to vector<16xf32>
    tpu.vector_store %arg9[%swap3A_25], %swap3A_28 {strides = array<i32>} : memref<80xf32, #tpu.memory_space<vmem>>, vector<16xf32>,
    %mul3A_29 = arith.constant 64 : i32
    %mul3A_30 = arith.muli %arg1, %mul3A_29 : i32
    "tpu.region"() ({
      %run_scoped3A = tpu.sem_alloc : memref<!tpu.dma_semaphore, #tpu.memory_space<semaphore_mem>>
      %dma_start3A_75 = arith.constant 0 : i32
      %dma_start3A_76 = arith.constant 0 : i32
      %dma_start3A_77 = tpu.memref_slice %arg7[%dma_start3A_75, %dma_start3A_76] : memref<80x128xf32, #tpu.memory_space<vmem>> -> memref<64x128xf32, #tpu.memory_space<vmem>>
      %dma_start3A_78 = arith.constant 0 : i32
      %dma_start3A_79 = tpu.memref_slice %arg13[%mul3A_30, %dma_start3A_78] : memref<1024x128xf32, #tpu.memory_space<vmem_shared>> -> memref<64x128xf32, #tpu.memory_space<vmem_shared>>
      %dma_start3A_80 = arith.constant 0 : i32
      %dma_start3A_81 = tpu.memref_slice %arg13[%mul3A_30, %dma_start3A_80] : memref<1024x128xf32, #tpu.memory_space<vmem_shared>> -> memref<64x128xf32, #tpu.memory_space<vmem_shared>>
      %dma_start3A_82 = arith.constant 0 : i32
      %dma_start3A_83 = arith.constant 0 : i32
      %dma_start3A_84 = tpu.memref_slice %arg7[%dma_start3A_82, %dma_start3A_83] : memref<80x128xf32, #tpu.memory_space<vmem>> -> memref<64x128xf32, #tpu.memory_space<vmem>>
      tpu.enqueue_dma source(%dma_start3A_84 : memref<64x128xf32, #tpu.memory_space<vmem>>) target(%dma_start3A_81 : memref<64x128xf32, #tpu.memory_space<vmem_shared>>) target_semaphore(%run_scoped3A : memref<!tpu.dma_semaphore, #tpu.memory_space<semaphore_mem>>)
      %dma_wait3A_85 = arith.constant 0 : i32
      %dma_wait3A_86 = arith.constant 0 : i32
      %dma_wait3A_87 = tpu.memref_slice %arg7[%dma_wait3A_85, %dma_wait3A_86] : memref<80x128xf32, #tpu.memory_space<vmem>> -> memref<64x128xf32, #tpu.memory_space<vmem>>
      %dma_wait3A_88 = arith.constant 0 : i32
      %dma_wait3A_89 = tpu.memref_slice %arg13[%mul3A_30, %dma_wait3A_88] : memref<1024x128xf32, #tpu.memory_space<vmem_shared>> -> memref<64x128xf32, #tpu.memory_space<vmem_shared>>
      %dma_wait3A_90 = arith.constant 0 : i32
      %dma_wait3A_91 = tpu.memref_slice %arg13[%mul3A_30, %dma_wait3A_90] : memref<1024x128xf32, #tpu.memory_space<vmem_shared>> -> memref<64x128xf32, #tpu.memory_space<vmem_shared>>
      %dma_wait3A_92 = arith.constant 0 : i32
      %dma_wait3A_93 = arith.constant 0 : i32
      %dma_wait3A_94 = tpu.memref_slice %arg7[%dma_wait3A_92, %dma_wait3A_93] : memref<80x128xf32, #tpu.memory_space<vmem>> -> memref<64x128xf32, #tpu.memory_space<vmem>>
      tpu.wait_dma2 semaphore(%run_scoped3A : memref<!tpu.dma_semaphore, #tpu.memory_space<semaphore_mem>>) src(%dma_wait3A_94 : memref<64x128xf32, #tpu.memory_space<vmem>>) dst(%dma_wait3A_91 : memref<64x128xf32, #tpu.memory_space<vmem_shared>>)
      tpu.yield
    }) : () -> ()
    %mul3A_31 = arith.constant 64 : i32
    %mul3A_32 = arith.muli %arg1, %mul3A_31 : i32
    "tpu.region"() ({
      %run_scoped3A = tpu.sem_alloc : memref<!tpu.dma_semaphore, #tpu.memory_space<semaphore_mem>>
      %dma_start3A_75 = arith.constant 0 : i32
      %dma_start3A_76 = tpu.memref_slice %arg9[%dma_start3A_75] : memref<80xf32, #tpu.memory_space<vmem>> -> memref<64xf32, #tpu.memory_space<vmem>>
      %dma_start3A_77 = tpu.memref_slice %arg14[%mul3A_32] : memref<1024xf32, #tpu.memory_space<vmem_shared>> -> memref<64xf32, #tpu.memory_space<vmem_shared>>
      %dma_start3A_78 = tpu.memref_slice %arg14[%mul3A_32] : memref<1024xf32, #tpu.memory_space<vmem_shared>> -> memref<64xf32, #tpu.memory_space<vmem_shared>>
      %dma_start3A_79 = arith.constant 0 : i32
      %dma_start3A_80 = tpu.memref_slice %arg9[%dma_start3A_79] : memref<80xf32, #tpu.memory_space<vmem>> -> memref<64xf32, #tpu.memory_space<vmem>>
      tpu.enqueue_dma source(%dma_start3A_80 : memref<64xf32, #tpu.memory_space<vmem>>) target(%dma_start3A_78 : memref<64xf32, #tpu.memory_space<vmem_shared>>) target_semaphore(%run_scoped3A : memref<!tpu.dma_semaphore, #tpu.memory_space<semaphore_mem>>)
      %dma_wait3A_81 = arith.constant 0 : i32
      %dma_wait3A_82 = tpu.memref_slice %arg9[%dma_wait3A_81] : memref<80xf32, #tpu.memory_space<vmem>> -> memref<64xf32, #tpu.memory_space<vmem>>
      %dma_wait3A_83 = tpu.memref_slice %arg14[%mul3A_32] : memref<1024xf32, #tpu.memory_space<vmem_shared>> -> memref<64xf32, #tpu.memory_space<vmem_shared>>
      %dma_wait3A_84 = tpu.memref_slice %arg14[%mul3A_32] : memref<1024xf32, #tpu.memory_space<vmem_shared>> -> memref<64xf32, #tpu.memory_space<vmem_shared>>
      %dma_wait3A_85 = arith.constant 0 : i32
      %dma_wait3A_86 = tpu.memref_slice %arg9[%dma_wait3A_85] : memref<80xf32, #tpu.memory_space<vmem>> -> memref<64xf32, #tpu.memory_space<vmem>>
      tpu.wait_dma2 semaphore(%run_scoped3A : memref<!tpu.dma_semaphore, #tpu.memory_space<semaphore_mem>>) src(%dma_wait3A_86 : memref<64xf32, #tpu.memory_space<vmem>>) dst(%dma_wait3A_84 : memref<64xf32, #tpu.memory_space<vmem_shared>>)
      tpu.yield
    }) : () -> ()
    %barrier3A = arith.constant 0 : index
    tpu.barrier barrier_id(%barrier3A)
    %add3A_33 = arith.constant 0 : i32
    %add3A_34 = arith.addi %mul3A_2, %add3A_33 : i32
    %dma_start3A = arith.constant 0 : i32
    %dma_start3A_35 = tpu.memref_slice %arg2[%add3A_34, %dma_start3A] : memref<115200x128xf32, #tpu.memory_space<hbm>> -> memref<80x128xf32, #tpu.memory_space<hbm>>
    %dma_start3A_36 = arith.constant 0 : i32
    %dma_start3A_37 = tpu.memref_slice %arg2[%add3A_34, %dma_start3A_36] : memref<115200x128xf32, #tpu.memory_space<hbm>> -> memref<80x128xf32, #tpu.memory_space<hbm>>
    tpu.enqueue_dma source(%dma_start3A_37 : memref<80x128xf32, #tpu.memory_space<hbm>>) target(%arg7 : memref<80x128xf32, #tpu.memory_space<vmem>>) target_semaphore(%arg15 : memref<!tpu.dma_semaphore, #tpu.memory_space<semaphore_mem>>)
    %dma_start3A_38 = tpu.memref_slice %arg3[%add3A_34] : memref<115200xf32, #tpu.memory_space<hbm>> -> memref<80xf32, #tpu.memory_space<hbm>>
    %dma_start3A_39 = tpu.memref_slice %arg3[%add3A_34] : memref<115200xf32, #tpu.memory_space<hbm>> -> memref<80xf32, #tpu.memory_space<hbm>>
    tpu.enqueue_dma source(%dma_start3A_39 : memref<80xf32, #tpu.memory_space<hbm>>) target(%arg9 : memref<80xf32, #tpu.memory_space<vmem>>) target_semaphore(%arg15 : memref<!tpu.dma_semaphore, #tpu.memory_space<semaphore_mem>>)
    %dma_start3A_40 = tpu.memref_slice %arg4[%add3A_34] : memref<115200xi32, #tpu.memory_space<hbm>> -> memref<80xi32, #tpu.memory_space<hbm>>
    %dma_start3A_41 = tpu.memref_slice %arg4[%add3A_34] : memref<115200xi32, #tpu.memory_space<hbm>> -> memref<80xi32, #tpu.memory_space<hbm>>
    tpu.enqueue_dma source(%dma_start3A_41 : memref<80xi32, #tpu.memory_space<hbm>>) target(%arg11 : memref<80xi32, #tpu.memory_space<vmem>>) target_semaphore(%arg15 : memref<!tpu.dma_semaphore, #tpu.memory_space<semaphore_mem>>)
    %scan3A_42 = arith.constant 0 : i32
    %scan3A_43 = arith.constant 0 : i32
    %scan3A_44 = arith.constant 22 : i32
    %scan3A_45 = arith.addi %scan3A_43, %scan3A_44 : i32
    %scan3A_46 = arith.constant 1 : i32
    %scan3A_47 = scf.for %scan3A_75 = %scan3A_43 to %scan3A_45 step %scan3A_46 iter_args(%scan3A_76 = %scan3A_42) -> (i32)  : i32 {
      %mul3A_77 = arith.constant 2 : i32
      %mul3A_78 = arith.muli %mul3A_77, %scan3A_75 : i32
      %add3A_79 = arith.constant 1 : i32
      %add3A_80 = arith.addi %mul3A_78, %add3A_79 : i32
      %mul3A_81 = arith.constant 80 : i32
      %mul3A_82 = arith.muli %add3A_80, %mul3A_81 : i32
      %add3A_83 = arith.addi %mul3A_2, %mul3A_82 : i32
      %dma_start3A_84 = arith.constant 0 : i32
      %dma_start3A_85 = tpu.memref_slice %arg2[%add3A_83, %dma_start3A_84] : memref<115200x128xf32, #tpu.memory_space<hbm>> -> memref<80x128xf32, #tpu.memory_space<hbm>>
      %dma_start3A_86 = arith.constant 0 : i32
      %dma_start3A_87 = tpu.memref_slice %arg2[%add3A_83, %dma_start3A_86] : memref<115200x128xf32, #tpu.memory_space<hbm>> -> memref<80x128xf32, #tpu.memory_space<hbm>>
      tpu.enqueue_dma source(%dma_start3A_87 : memref<80x128xf32, #tpu.memory_space<hbm>>) target(%arg8 : memref<80x128xf32, #tpu.memory_space<vmem>>) target_semaphore(%arg16 : memref<!tpu.dma_semaphore, #tpu.memory_space<semaphore_mem>>)
      %dma_start3A_88 = tpu.memref_slice %arg3[%add3A_83] : memref<115200xf32, #tpu.memory_space<hbm>> -> memref<80xf32, #tpu.memory_space<hbm>>
      %dma_start3A_89 = tpu.memref_slice %arg3[%add3A_83] : memref<115200xf32, #tpu.memory_space<hbm>> -> memref<80xf32, #tpu.memory_space<hbm>>
      tpu.enqueue_dma source(%dma_start3A_89 : memref<80xf32, #tpu.memory_space<hbm>>) target(%arg10 : memref<80xf32, #tpu.memory_space<vmem>>) target_semaphore(%arg16 : memref<!tpu.dma_semaphore, #tpu.memory_space<semaphore_mem>>)
      %dma_start3A_90 = tpu.memref_slice %arg4[%add3A_83] : memref<115200xi32, #tpu.memory_space<hbm>> -> memref<80xi32, #tpu.memory_space<hbm>>
      %dma_start3A_91 = tpu.memref_slice %arg4[%add3A_83] : memref<115200xi32, #tpu.memory_space<hbm>> -> memref<80xi32, #tpu.memory_space<hbm>>
      tpu.enqueue_dma source(%dma_start3A_91 : memref<80xi32, #tpu.memory_space<hbm>>) target(%arg12 : memref<80xi32, #tpu.memory_space<vmem>>) target_semaphore(%arg16 : memref<!tpu.dma_semaphore, #tpu.memory_space<semaphore_mem>>)
      %dma_wait3A_92 = arith.constant 0 : i32
      %dma_wait3A_93 = arith.constant 0 : i32
      %dma_wait3A_94 = tpu.memref_slice %arg2[%dma_wait3A_92, %dma_wait3A_93] : memref<115200x128xf32, #tpu.memory_space<hbm>> -> memref<80x128xf32, #tpu.memory_space<hbm>>
      %dma_wait3A_95 = arith.constant 0 : i32
      %dma_wait3A_96 = arith.constant 0 : i32
      %dma_wait3A_97 = tpu.memref_slice %arg2[%dma_wait3A_95, %dma_wait3A_96] : memref<115200x128xf32, #tpu.memory_space<hbm>> -> memref<80x128xf32, #tpu.memory_space<hbm>>
      tpu.wait_dma2 semaphore(%arg15 : memref<!tpu.dma_semaphore, #tpu.memory_space<semaphore_mem>>) src(%dma_wait3A_97 : memref<80x128xf32, #tpu.memory_space<hbm>>) dst(%arg7 : memref<80x128xf32, #tpu.memory_space<vmem>>)
      %dma_wait3A_98 = arith.constant 0 : i32
      %dma_wait3A_99 = tpu.memref_slice %arg3[%dma_wait3A_98] : memref<115200xf32, #tpu.memory_space<hbm>> -> memref<80xf32, #tpu.memory_space<hbm>>
      %dma_wait3A_100 = arith.constant 0 : i32
      %dma_wait3A_101 = tpu.memref_slice %arg3[%dma_wait3A_100] : memref<115200xf32, #tpu.memory_space<hbm>> -> memref<80xf32, #tpu.memory_space<hbm>>
      tpu.wait_dma2 semaphore(%arg15 : memref<!tpu.dma_semaphore, #tpu.memory_space<semaphore_mem>>) src(%dma_wait3A_101 : memref<80xf32, #tpu.memory_space<hbm>>) dst(%arg9 : memref<80xf32, #tpu.memory_space<vmem>>)
      %dma_wait3A_102 = arith.constant 0 : i32
      %dma_wait3A_103 = tpu.memref_slice %arg4[%dma_wait3A_102] : memref<115200xi32, #tpu.memory_space<hbm>> -> memref<80xi32, #tpu.memory_space<hbm>>
      %dma_wait3A_104 = arith.constant 0 : i32
      %dma_wait3A_105 = tpu.memref_slice %arg4[%dma_wait3A_104] : memref<115200xi32, #tpu.memory_space<hbm>> -> memref<80xi32, #tpu.memory_space<hbm>>
      tpu.wait_dma2 semaphore(%arg15 : memref<!tpu.dma_semaphore, #tpu.memory_space<semaphore_mem>>) src(%dma_wait3A_105 : memref<80xi32, #tpu.memory_space<hbm>>) dst(%arg11 : memref<80xi32, #tpu.memory_space<vmem>>)
      %dma_start3A_106 = arith.constant 0 : i32
      %dma_start3A_107 = tpu.memref_slice %arg14[%dma_start3A_106] : memref<1024xf32, #tpu.memory_space<vmem_shared>> -> memref<1024xf32, #tpu.memory_space<vmem_shared>>
      tpu.enqueue_indirect_dma source(%arg9 : memref<80xf32, #tpu.memory_space<vmem>>) target(%dma_start3A_107 : memref<1024xf32, #tpu.memory_space<vmem_shared>>) offsets(%arg11 : memref<80xi32, #tpu.memory_space<vmem>>) semaphore(%arg17 : memref<!tpu.dma_semaphore, #tpu.memory_space<semaphore_mem>>) {add = true}
      "tpu.region"() ({
        %run_scoped3A = tpu.sem_alloc : memref<!tpu.dma_semaphore, #tpu.memory_space<semaphore_mem>>
        %dma_start3A_144 = arith.constant 0 : i32
        %dma_start3A_145 = arith.constant 0 : i32
        %dma_start3A_146 = tpu.memref_slice %arg13[%dma_start3A_144, %dma_start3A_145] : memref<1024x128xf32, #tpu.memory_space<vmem_shared>> -> memref<1024x128xf32, #tpu.memory_space<vmem_shared>>
        tpu.enqueue_indirect_dma source(%arg7 : memref<80x128xf32, #tpu.memory_space<vmem>>) target(%dma_start3A_146 : memref<1024x128xf32, #tpu.memory_space<vmem_shared>>) offsets(%arg11 : memref<80xi32, #tpu.memory_space<vmem>>) semaphore(%run_scoped3A : memref<!tpu.dma_semaphore, #tpu.memory_space<semaphore_mem>>) {add = true}
        %dma_wait3A_147 = arith.constant 0 : i32
        %dma_wait3A_148 = arith.constant 0 : i32
        %dma_wait3A_149 = tpu.memref_slice %arg13[%dma_wait3A_147, %dma_wait3A_148] : memref<1024x128xf32, #tpu.memory_space<vmem_shared>> -> memref<1024x128xf32, #tpu.memory_space<vmem_shared>>
        tpu.wait_indirect_dma semaphore(%run_scoped3A : memref<!tpu.dma_semaphore, #tpu.memory_space<semaphore_mem>>) src(%arg7 : memref<80x128xf32, #tpu.memory_space<vmem>>) dst(%dma_wait3A_149 : memref<1024x128xf32, #tpu.memory_space<vmem_shared>>)
        tpu.yield
      }) : () -> ()
      %dma_wait3A_108 = arith.constant 0 : i32
      %dma_wait3A_109 = tpu.memref_slice %arg14[%dma_wait3A_108] : memref<1024xf32, #tpu.memory_space<vmem_shared>> -> memref<1024xf32, #tpu.memory_space<vmem_shared>>
      tpu.wait_indirect_dma semaphore(%arg17 : memref<!tpu.dma_semaphore, #tpu.memory_space<semaphore_mem>>) src(%arg9 : memref<80xf32, #tpu.memory_space<vmem>>) dst(%dma_wait3A_109 : memref<1024xf32, #tpu.memory_space<vmem_shared>>)
      %mul3A_110 = arith.constant 2 : i32
      %mul3A_111 = arith.muli %mul3A_110, %scan3A_75 : i32
      %add3A_112 = arith.constant 2 : i32
      %add3A_113 = arith.addi %mul3A_111, %add3A_112 : i32
      %mul3A_114 = arith.constant 80 : i32
      %mul3A_115 = arith.muli %add3A_113, %mul3A_114 : i32
      %add3A_116 = arith.addi %mul3A_2, %mul3A_115 : i32
      %dma_start3A_117 = arith.constant 0 : i32
      %dma_start3A_118 = tpu.memref_slice %arg2[%add3A_116, %dma_start3A_117] : memref<115200x128xf32, #tpu.memory_space<hbm>> -> memref<80x128xf32, #tpu.memory_space<hbm>>
      %dma_start3A_119 = arith.constant 0 : i32
      %dma_start3A_120 = tpu.memref_slice %arg2[%add3A_116, %dma_start3A_119] : memref<115200x128xf32, #tpu.memory_space<hbm>> -> memref<80x128xf32, #tpu.memory_space<hbm>>
      tpu.enqueue_dma source(%dma_start3A_120 : memref<80x128xf32, #tpu.memory_space<hbm>>) target(%arg7 : memref<80x128xf32, #tpu.memory_space<vmem>>) target_semaphore(%arg15 : memref<!tpu.dma_semaphore, #tpu.memory_space<semaphore_mem>>)
      %dma_start3A_121 = tpu.memref_slice %arg3[%add3A_116] : memref<115200xf32, #tpu.memory_space<hbm>> -> memref<80xf32, #tpu.memory_space<hbm>>
      %dma_start3A_122 = tpu.memref_slice %arg3[%add3A_116] : memref<115200xf32, #tpu.memory_space<hbm>> -> memref<80xf32, #tpu.memory_space<hbm>>
      tpu.enqueue_dma source(%dma_start3A_122 : memref<80xf32, #tpu.memory_space<hbm>>) target(%arg9 : memref<80xf32, #tpu.memory_space<vmem>>) target_semaphore(%arg15 : memref<!tpu.dma_semaphore, #tpu.memory_space<semaphore_mem>>)
      %dma_start3A_123 = tpu.memref_slice %arg4[%add3A_116] : memref<115200xi32, #tpu.memory_space<hbm>> -> memref<80xi32, #tpu.memory_space<hbm>>
      %dma_start3A_124 = tpu.memref_slice %arg4[%add3A_116] : memref<115200xi32, #tpu.memory_space<hbm>> -> memref<80xi32, #tpu.memory_space<hbm>>
      tpu.enqueue_dma source(%dma_start3A_124 : memref<80xi32, #tpu.memory_space<hbm>>) target(%arg11 : memref<80xi32, #tpu.memory_space<vmem>>) target_semaphore(%arg15 : memref<!tpu.dma_semaphore, #tpu.memory_space<semaphore_mem>>)
      %dma_wait3A_125 = arith.constant 0 : i32
      %dma_wait3A_126 = arith.constant 0 : i32
      %dma_wait3A_127 = tpu.memref_slice %arg2[%dma_wait3A_125, %dma_wait3A_126] : memref<115200x128xf32, #tpu.memory_space<hbm>> -> memref<80x128xf32, #tpu.memory_space<hbm>>
      %dma_wait3A_128 = arith.constant 0 : i32
      %dma_wait3A_129 = arith.constant 0 : i32
      %dma_wait3A_130 = tpu.memref_slice %arg2[%dma_wait3A_128, %dma_wait3A_129] : memref<115200x128xf32, #tpu.memory_space<hbm>> -> memref<80x128xf32, #tpu.memory_space<hbm>>
      tpu.wait_dma2 semaphore(%arg16 : memref<!tpu.dma_semaphore, #tpu.memory_space<semaphore_mem>>) src(%dma_wait3A_130 : memref<80x128xf32, #tpu.memory_space<hbm>>) dst(%arg8 : memref<80x128xf32, #tpu.memory_space<vmem>>)
      %dma_wait3A_131 = arith.constant 0 : i32
      %dma_wait3A_132 = tpu.memref_slice %arg3[%dma_wait3A_131] : memref<115200xf32, #tpu.memory_space<hbm>> -> memref<80xf32, #tpu.memory_space<hbm>>
      %dma_wait3A_133 = arith.constant 0 : i32
      %dma_wait3A_134 = tpu.memref_slice %arg3[%dma_wait3A_133] : memref<115200xf32, #tpu.memory_space<hbm>> -> memref<80xf32, #tpu.memory_space<hbm>>
      tpu.wait_dma2 semaphore(%arg16 : memref<!tpu.dma_semaphore, #tpu.memory_space<semaphore_mem>>) src(%dma_wait3A_134 : memref<80xf32, #tpu.memory_space<hbm>>) dst(%arg10 : memref<80xf32, #tpu.memory_space<vmem>>)
      %dma_wait3A_135 = arith.constant 0 : i32
      %dma_wait3A_136 = tpu.memref_slice %arg4[%dma_wait3A_135] : memref<115200xi32, #tpu.memory_space<hbm>> -> memref<80xi32, #tpu.memory_space<hbm>>
      %dma_wait3A_137 = arith.constant 0 : i32
      %dma_wait3A_138 = tpu.memref_slice %arg4[%dma_wait3A_137] : memref<115200xi32, #tpu.memory_space<hbm>> -> memref<80xi32, #tpu.memory_space<hbm>>
      tpu.wait_dma2 semaphore(%arg16 : memref<!tpu.dma_semaphore, #tpu.memory_space<semaphore_mem>>) src(%dma_wait3A_138 : memref<80xi32, #tpu.memory_space<hbm>>) dst(%arg12 : memref<80xi32, #tpu.memory_space<vmem>>)
      %dma_start3A_139 = arith.constant 0 : i32
      %dma_start3A_140 = tpu.memref_slice %arg14[%dma_start3A_139] : memref<1024xf32, #tpu.memory_space<vmem_shared>> -> memref<1024xf32, #tpu.memory_space<vmem_shared>>
      tpu.enqueue_indirect_dma source(%arg10 : memref<80xf32, #tpu.memory_space<vmem>>) target(%dma_start3A_140 : memref<1024xf32, #tpu.memory_space<vmem_shared>>) offsets(%arg12 : memref<80xi32, #tpu.memory_space<vmem>>) semaphore(%arg18 : memref<!tpu.dma_semaphore, #tpu.memory_space<semaphore_mem>>) {add = true}
      "tpu.region"() ({
        %run_scoped3A = tpu.sem_alloc : memref<!tpu.dma_semaphore, #tpu.memory_space<semaphore_mem>>
        %dma_start3A_144 = arith.constant 0 : i32
        %dma_start3A_145 = arith.constant 0 : i32
        %dma_start3A_146 = tpu.memref_slice %arg13[%dma_start3A_144, %dma_start3A_145] : memref<1024x128xf32, #tpu.memory_space<vmem_shared>> -> memref<1024x128xf32, #tpu.memory_space<vmem_shared>>
        tpu.enqueue_indirect_dma source(%arg8 : memref<80x128xf32, #tpu.memory_space<vmem>>) target(%dma_start3A_146 : memref<1024x128xf32, #tpu.memory_space<vmem_shared>>) offsets(%arg12 : memref<80xi32, #tpu.memory_space<vmem>>) semaphore(%run_scoped3A : memref<!tpu.dma_semaphore, #tpu.memory_space<semaphore_mem>>) {add = true}
        %dma_wait3A_147 = arith.constant 0 : i32
        %dma_wait3A_148 = arith.constant 0 : i32
        %dma_wait3A_149 = tpu.memref_slice %arg13[%dma_wait3A_147, %dma_wait3A_148] : memref<1024x128xf32, #tpu.memory_space<vmem_shared>> -> memref<1024x128xf32, #tpu.memory_space<vmem_shared>>
        tpu.wait_indirect_dma semaphore(%run_scoped3A : memref<!tpu.dma_semaphore, #tpu.memory_space<semaphore_mem>>) src(%arg8 : memref<80x128xf32, #tpu.memory_space<vmem>>) dst(%dma_wait3A_149 : memref<1024x128xf32, #tpu.memory_space<vmem_shared>>)
        tpu.yield
      }) : () -> ()
      %dma_wait3A_141 = arith.constant 0 : i32
      %dma_wait3A_142 = tpu.memref_slice %arg14[%dma_wait3A_141] : memref<1024xf32, #tpu.memory_space<vmem_shared>> -> memref<1024xf32, #tpu.memory_space<vmem_shared>>
      tpu.wait_indirect_dma semaphore(%arg18 : memref<!tpu.dma_semaphore, #tpu.memory_space<semaphore_mem>>) src(%arg10 : memref<80xf32, #tpu.memory_space<vmem>>) dst(%dma_wait3A_142 : memref<1024xf32, #tpu.memory_space<vmem_shared>>)
      %scan3A_143 = arith.constant 0 : i32
      scf.yield %scan3A_143 : i32
    }
    %scan3A_48 = arith.constant 22 : i32
    %dma_wait3A = arith.constant 0 : i32
    %dma_wait3A_49 = arith.constant 0 : i32
    %dma_wait3A_50 = tpu.memref_slice %arg2[%dma_wait3A, %dma_wait3A_49] : memref<115200x128xf32, #tpu.memory_space<hbm>> -> memref<80x128xf32, #tpu.memory_space<hbm>>
    %dma_wait3A_51 = arith.constant 0 : i32
    %dma_wait3A_52 = arith.constant 0 : i32
    %dma_wait3A_53 = tpu.memref_slice %arg2[%dma_wait3A_51, %dma_wait3A_52] : memref<115200x128xf32, #tpu.memory_space<hbm>> -> memref<80x128xf32, #tpu.memory_space<hbm>>
    tpu.wait_dma2 semaphore(%arg15 : memref<!tpu.dma_semaphore, #tpu.memory_space<semaphore_mem>>) src(%dma_wait3A_53 : memref<80x128xf32, #tpu.memory_space<hbm>>) dst(%arg7 : memref<80x128xf32, #tpu.memory_space<vmem>>)
    %dma_wait3A_54 = arith.constant 0 : i32
    %dma_wait3A_55 = tpu.memref_slice %arg3[%dma_wait3A_54] : memref<115200xf32, #tpu.memory_space<hbm>> -> memref<80xf32, #tpu.memory_space<hbm>>
    %dma_wait3A_56 = arith.constant 0 : i32
    %dma_wait3A_57 = tpu.memref_slice %arg3[%dma_wait3A_56] : memref<115200xf32, #tpu.memory_space<hbm>> -> memref<80xf32, #tpu.memory_space<hbm>>
    tpu.wait_dma2 semaphore(%arg15 : memref<!tpu.dma_semaphore, #tpu.memory_space<semaphore_mem>>) src(%dma_wait3A_57 : memref<80xf32, #tpu.memory_space<hbm>>) dst(%arg9 : memref<80xf32, #tpu.memory_space<vmem>>)
    %dma_wait3A_58 = arith.constant 0 : i32
    %dma_wait3A_59 = tpu.memref_slice %arg4[%dma_wait3A_58] : memref<115200xi32, #tpu.memory_space<hbm>> -> memref<80xi32, #tpu.memory_space<hbm>>
    %dma_wait3A_60 = arith.constant 0 : i32
    %dma_wait3A_61 = tpu.memref_slice %arg4[%dma_wait3A_60] : memref<115200xi32, #tpu.memory_space<hbm>> -> memref<80xi32, #tpu.memory_space<hbm>>
    tpu.wait_dma2 semaphore(%arg15 : memref<!tpu.dma_semaphore, #tpu.memory_space<semaphore_mem>>) src(%dma_wait3A_61 : memref<80xi32, #tpu.memory_space<hbm>>) dst(%arg11 : memref<80xi32, #tpu.memory_space<vmem>>)
    %dma_start3A_62 = arith.constant 0 : i32
    %dma_start3A_63 = tpu.memref_slice %arg14[%dma_start3A_62] : memref<1024xf32, #tpu.memory_space<vmem_shared>> -> memref<1024xf32, #tpu.memory_space<vmem_shared>>
    tpu.enqueue_indirect_dma source(%arg9 : memref<80xf32, #tpu.memory_space<vmem>>) target(%dma_start3A_63 : memref<1024xf32, #tpu.memory_space<vmem_shared>>) offsets(%arg11 : memref<80xi32, #tpu.memory_space<vmem>>) semaphore(%arg17 : memref<!tpu.dma_semaphore, #tpu.memory_space<semaphore_mem>>) {add = true}
    "tpu.region"() ({
      %run_scoped3A = tpu.sem_alloc : memref<!tpu.dma_semaphore, #tpu.memory_space<semaphore_mem>>
      %dma_start3A_75 = arith.constant 0 : i32
      %dma_start3A_76 = arith.constant 0 : i32
      %dma_start3A_77 = tpu.memref_slice %arg13[%dma_start3A_75, %dma_start3A_76] : memref<1024x128xf32, #tpu.memory_space<vmem_shared>> -> memref<1024x128xf32, #tpu.memory_space<vmem_shared>>
      tpu.enqueue_indirect_dma source(%arg7 : memref<80x128xf32, #tpu.memory_space<vmem>>) target(%dma_start3A_77 : memref<1024x128xf32, #tpu.memory_space<vmem_shared>>) offsets(%arg11 : memref<80xi32, #tpu.memory_space<vmem>>) semaphore(%run_scoped3A : memref<!tpu.dma_semaphore, #tpu.memory_space<semaphore_mem>>) {add = true}
      %dma_wait3A_78 = arith.constant 0 : i32
      %dma_wait3A_79 = arith.constant 0 : i32
      %dma_wait3A_80 = tpu.memref_slice %arg13[%dma_wait3A_78, %dma_wait3A_79] : memref<1024x128xf32, #tpu.memory_space<vmem_shared>> -> memref<1024x128xf32, #tpu.memory_space<vmem_shared>>
      tpu.wait_indirect_dma semaphore(%run_scoped3A : memref<!tpu.dma_semaphore, #tpu.memory_space<semaphore_mem>>) src(%arg7 : memref<80x128xf32, #tpu.memory_space<vmem>>) dst(%dma_wait3A_80 : memref<1024x128xf32, #tpu.memory_space<vmem_shared>>)
      tpu.yield
    }) : () -> ()
    %dma_wait3A_64 = arith.constant 0 : i32
    %dma_wait3A_65 = tpu.memref_slice %arg14[%dma_wait3A_64] : memref<1024xf32, #tpu.memory_space<vmem_shared>> -> memref<1024xf32, #tpu.memory_space<vmem_shared>>
    tpu.wait_indirect_dma semaphore(%arg17 : memref<!tpu.dma_semaphore, #tpu.memory_space<semaphore_mem>>) src(%arg9 : memref<80xf32, #tpu.memory_space<vmem>>) dst(%dma_wait3A_65 : memref<1024xf32, #tpu.memory_space<vmem_shared>>)
    %barrier3A_66 = arith.constant 0 : index
    tpu.barrier barrier_id(%barrier3A_66)
    %mul3A_67 = arith.constant 64 : i32
    %mul3A_68 = arith.muli %arg1, %mul3A_67 : i32
    %mul3A_69 = arith.constant 64 : i32
    %mul3A_70 = arith.muli %arg1, %mul3A_69 : i32
    "tpu.region"() ({
      %run_scoped3A = tpu.sem_alloc : memref<!tpu.dma_semaphore, #tpu.memory_space<semaphore_mem>>
      %dma_start3A_75 = arith.constant 0 : i32
      %dma_start3A_76 = tpu.memref_slice %arg5[%arg0, %mul3A_70, %dma_start3A_75] : memref<2x1024x128xf32, #tpu.memory_space<hbm>> -> memref<1x64x128xf32, #tpu.memory_space<hbm>>
      %dma_start3A_77 = tpu.memref_squeeze %dma_start3A_76 : memref<1x64x128xf32, #tpu.memory_space<hbm>> -> memref<64x128xf32, #tpu.memory_space<hbm>>
      %dma_start3A_78 = arith.constant 0 : i32
      %dma_start3A_79 = tpu.memref_slice %arg13[%mul3A_68, %dma_start3A_78] : memref<1024x128xf32, #tpu.memory_space<vmem_shared>> -> memref<64x128xf32, #tpu.memory_space<vmem_shared>>
      tpu.enqueue_dma source(%dma_start3A_79 : memref<64x128xf32, #tpu.memory_space<vmem_shared>>) target(%dma_start3A_77 : memref<64x128xf32, #tpu.memory_space<hbm>>) target_semaphore(%run_scoped3A : memref<!tpu.dma_semaphore, #tpu.memory_space<semaphore_mem>>)
      %dma_wait3A_80 = arith.constant 0 : i32
      %dma_wait3A_81 = tpu.memref_slice %arg5[%arg0, %mul3A_70, %dma_wait3A_80] : memref<2x1024x128xf32, #tpu.memory_space<hbm>> -> memref<1x64x128xf32, #tpu.memory_space<hbm>>
      %dma_wait3A_82 = tpu.memref_squeeze %dma_wait3A_81 : memref<1x64x128xf32, #tpu.memory_space<hbm>> -> memref<64x128xf32, #tpu.memory_space<hbm>>
      %dma_wait3A_83 = arith.constant 0 : i32
      %dma_wait3A_84 = tpu.memref_slice %arg13[%mul3A_68, %dma_wait3A_83] : memref<1024x128xf32, #tpu.memory_space<vmem_shared>> -> memref<64x128xf32, #tpu.memory_space<vmem_shared>>
      tpu.wait_dma2 semaphore(%run_scoped3A : memref<!tpu.dma_semaphore, #tpu.memory_space<semaphore_mem>>) src(%dma_wait3A_84 : memref<64x128xf32, #tpu.memory_space<vmem_shared>>) dst(%dma_wait3A_82 : memref<64x128xf32, #tpu.memory_space<hbm>>)
      tpu.yield
    }) : () -> ()
    %mul3A_71 = arith.constant 64 : i32
    %mul3A_72 = arith.muli %arg1, %mul3A_71 : i32
    "tpu.region"() ({
      %run_scoped3A = tpu.sem_alloc : memref<!tpu.dma_semaphore, #tpu.memory_space<semaphore_mem>>
      %dma_start3A_75 = arith.constant 0 : i32
      %dma_start3A_76 = tpu.memref_slice %arg9[%dma_start3A_75] : memref<80xf32, #tpu.memory_space<vmem>> -> memref<64xf32, #tpu.memory_space<vmem>>
      %dma_start3A_77 = tpu.memref_slice %arg14[%mul3A_72] : memref<1024xf32, #tpu.memory_space<vmem_shared>> -> memref<64xf32, #tpu.memory_space<vmem_shared>>
      %dma_start3A_78 = arith.constant 0 : i32
      %dma_start3A_79 = tpu.memref_slice %arg9[%dma_start3A_78] : memref<80xf32, #tpu.memory_space<vmem>> -> memref<64xf32, #tpu.memory_space<vmem>>
      %dma_start3A_80 = tpu.memref_slice %arg14[%mul3A_72] : memref<1024xf32, #tpu.memory_space<vmem_shared>> -> memref<64xf32, #tpu.memory_space<vmem_shared>>
      tpu.enqueue_dma source(%dma_start3A_80 : memref<64xf32, #tpu.memory_space<vmem_shared>>) target(%dma_start3A_79 : memref<64xf32, #tpu.memory_space<vmem>>) target_semaphore(%run_scoped3A : memref<!tpu.dma_semaphore, #tpu.memory_space<semaphore_mem>>)
      %dma_wait3A_81 = arith.constant 0 : i32
      %dma_wait3A_82 = tpu.memref_slice %arg9[%dma_wait3A_81] : memref<80xf32, #tpu.memory_space<vmem>> -> memref<64xf32, #tpu.memory_space<vmem>>
      %dma_wait3A_83 = tpu.memref_slice %arg14[%mul3A_72] : memref<1024xf32, #tpu.memory_space<vmem_shared>> -> memref<64xf32, #tpu.memory_space<vmem_shared>>
      %dma_wait3A_84 = arith.constant 0 : i32
      %dma_wait3A_85 = tpu.memref_slice %arg9[%dma_wait3A_84] : memref<80xf32, #tpu.memory_space<vmem>> -> memref<64xf32, #tpu.memory_space<vmem>>
      %dma_wait3A_86 = tpu.memref_slice %arg14[%mul3A_72] : memref<1024xf32, #tpu.memory_space<vmem_shared>> -> memref<64xf32, #tpu.memory_space<vmem_shared>>
      tpu.wait_dma2 semaphore(%run_scoped3A : memref<!tpu.dma_semaphore, #tpu.memory_space<semaphore_mem>>) src(%dma_wait3A_86 : memref<64xf32, #tpu.memory_space<vmem_shared>>) dst(%dma_wait3A_85 : memref<64xf32, #tpu.memory_space<vmem>>)
      tpu.yield
    }) : () -> ()
    %mul3A_73 = arith.constant 64 : i32
    %mul3A_74 = arith.muli %arg1, %mul3A_73 : i32
    "tpu.region"() ({
      %run_scoped3A = tpu.sem_alloc : memref<!tpu.dma_semaphore, #tpu.memory_space<semaphore_mem>>
      %dma_start3A_75 = arith.constant 0 : i32
      %dma_start3A_76 = tpu.memref_slice %arg9[%dma_start3A_75] : memref<80xf32, #tpu.memory_space<vmem>> -> memref<64xf32, #tpu.memory_space<vmem>>
      %dma_start3A_77 = tpu.memref_slice %arg6[%arg0, %mul3A_74] : memref<2x1024xf32, #tpu.memory_space<hbm>> -> memref<1x64xf32, #tpu.memory_space<hbm>>
      %dma_start3A_78 = tpu.memref_squeeze %dma_start3A_77 : memref<1x64xf32, #tpu.memory_space<hbm>> -> memref<64xf32, #tpu.memory_space<hbm>>
      %dma_start3A_79 = tpu.memref_slice %arg6[%arg0, %mul3A_74] : memref<2x1024xf32, #tpu.memory_space<hbm>> -> memref<1x64xf32, #tpu.memory_space<hbm>>
      %dma_start3A_80 = tpu.memref_squeeze %dma_start3A_79 : memref<1x64xf32, #tpu.memory_space<hbm>> -> memref<64xf32, #tpu.memory_space<hbm>>
      %dma_start3A_81 = arith.constant 0 : i32
      %dma_start3A_82 = tpu.memref_slice %arg9[%dma_start3A_81] : memref<80xf32, #tpu.memory_space<vmem>> -> memref<64xf32, #tpu.memory_space<vmem>>
      tpu.enqueue_dma source(%dma_start3A_82 : memref<64xf32, #tpu.memory_space<vmem>>) target(%dma_start3A_80 : memref<64xf32, #tpu.memory_space<hbm>>) target_semaphore(%run_scoped3A : memref<!tpu.dma_semaphore, #tpu.memory_space<semaphore_mem>>)
      %dma_wait3A_83 = arith.constant 0 : i32
      %dma_wait3A_84 = tpu.memref_slice %arg9[%dma_wait3A_83] : memref<80xf32, #tpu.memory_space<vmem>> -> memref<64xf32, #tpu.memory_space<vmem>>
      %dma_wait3A_85 = tpu.memref_slice %arg6[%arg0, %mul3A_74] : memref<2x1024xf32, #tpu.memory_space<hbm>> -> memref<1x64xf32, #tpu.memory_space<hbm>>
      %dma_wait3A_86 = tpu.memref_squeeze %dma_wait3A_85 : memref<1x64xf32, #tpu.memory_space<hbm>> -> memref<64xf32, #tpu.memory_space<hbm>>
      %dma_wait3A_87 = tpu.memref_slice %arg6[%arg0, %mul3A_74] : memref<2x1024xf32, #tpu.memory_space<hbm>> -> memref<1x64xf32, #tpu.memory_space<hbm>>
      %dma_wait3A_88 = tpu.memref_squeeze %dma_wait3A_87 : memref<1x64xf32, #tpu.memory_space<hbm>> -> memref<64xf32, #tpu.memory_space<hbm>>
      %dma_wait3A_89 = arith.constant 0 : i32
      %dma_wait3A_90 = tpu.memref_slice %arg9[%dma_wait3A_89] : memref<80xf32, #tpu.memory_space<vmem>> -> memref<64xf32, #tpu.memory_space<vmem>>
      tpu.wait_dma2 semaphore(%run_scoped3A : memref<!tpu.dma_semaphore, #tpu.memory_space<semaphore_mem>>) src(%dma_wait3A_90 : memref<64xf32, #tpu.memory_space<vmem>>) dst(%dma_wait3A_88 : memref<64xf32, #tpu.memory_space<hbm>>)
      tpu.yield
    }) : () -> ()
    return
  }
}

module attributes {stable_mosaic.version = 14 : i64} {
  func.func @_score_body(%arg0: i32, %arg1: memref<12800x128xf32, #tpu.memory_space<vmem>>, %arg2: memref<128x128xf32, #tpu.memory_space<vmem>>, %arg3: memref<1x128xf32, #tpu.memory_space<vmem>>, %arg4: memref<128x1xf32, #tpu.memory_space<vmem>>, %arg5: memref<1x128xf32, #tpu.memory_space<vmem>>, %arg6: memref<1x1xf32, #tpu.memory_space<vmem>>, %arg7: memref<12800x128xf32, #tpu.memory_space<vmem>>, %arg8: memref<1x1x12800xf32, #tpu.memory_space<vmem>>) attributes {dimension_semantics = [#tpu.dimension_semantics<arbitrary>], iteration_bounds = array<i64: 9>, scalar_prefetch = 0 : i64, scratch_operands = 0 : i64, tpu.core_type = #tpu.core_type<tc>, window_params = [{transform_indices = @transform_0, window_bounds = array<i64: 12800, 128>}, {pipeline_mode = #tpu.pipeline_mode<synchronous>, transform_indices = @transform_1, window_bounds = array<i64: 128, 128>}, {pipeline_mode = #tpu.pipeline_mode<synchronous>, transform_indices = @transform_2, window_bounds = array<i64: 1, 128>}, {pipeline_mode = #tpu.pipeline_mode<synchronous>, transform_indices = @transform_3, window_bounds = array<i64: 128, 1>}, {pipeline_mode = #tpu.pipeline_mode<synchronous>, transform_indices = @transform_4, window_bounds = array<i64: 1, 128>}, {pipeline_mode = #tpu.pipeline_mode<synchronous>, transform_indices = @transform_5, window_bounds = array<i64: 1, 1>}, {transform_indices = @transform_6, window_bounds = array<i64: 12800, 128>}, {transform_indices = @transform_7, window_bounds = array<i64: 1, 1, 12800>}]} {
    %get3A = arith.constant 0 : index
    %get3A_0 = arith.constant 0 : index
    %get3A_1 = vector.load %arg1[%get3A, %get3A_0] : memref<12800x128xf32, #tpu.memory_space<vmem>>, vector<12800x128xf32>
    %get3A_2 = arith.constant 0 : index
    %get3A_3 = arith.constant 0 : index
    %get3A_4 = vector.load %arg2[%get3A_2, %get3A_3] : memref<128x128xf32, #tpu.memory_space<vmem>>, vector<128x128xf32>
    %dot_general3A = arith.constant dense<0.000000e+00> : vector<12800x128xf32>
    %dot_general3A_5 = tpu.matmul %get3A_1, %get3A_4, %dot_general3A {dimension_numbers = #tpu.dot_dimension_numbers<[1], [0], [0], [1], [0, 0, 1, 1], [], []>, transpose_lhs_hint = false} : vector<12800x128xf32>, vector<128x128xf32>, vector<12800x128xf32> -> vector<12800x128xf32>
    %get3A_6 = arith.constant 0 : index
    %get3A_7 = arith.constant 0 : index
    %get3A_8 = vector.load %arg3[%get3A_6, %get3A_7] : memref<1x128xf32, #tpu.memory_space<vmem>>, vector<1x128xf32>
    %add3A = vector.broadcast %get3A_8 : vector<1x128xf32> to vector<12800x128xf32>
    %add3A_9 = arith.addf %dot_general3A_5, %add3A : vector<12800x128xf32>
    %tanh3A = math.tanh %add3A_9 : vector<12800x128xf32>
    %get3A_10 = arith.constant 0 : index
    %get3A_11 = arith.constant 0 : index
    %get3A_12 = vector.load %arg4[%get3A_10, %get3A_11] : memref<128x1xf32, #tpu.memory_space<vmem>>, vector<128x1xf32>
    %dot_general3A_13 = arith.constant dense<0.000000e+00> : vector<12800x1xf32>
    %dot_general3A_14 = tpu.matmul %tanh3A, %get3A_12, %dot_general3A_13 {dimension_numbers = #tpu.dot_dimension_numbers<[1], [0], [0], [1], [0, 0, 1, 1], [], []>, transpose_lhs_hint = false} : vector<12800x128xf32>, vector<128x1xf32>, vector<12800x1xf32> -> vector<12800x1xf32>
    %get3A_15 = arith.constant 0 : index
    %get3A_16 = arith.constant 0 : index
    %get3A_17 = vector.load %arg6[%get3A_15, %get3A_16] : memref<1x1xf32, #tpu.memory_space<vmem>>, vector<1x1xf32>
    %add3A_18 = vector.broadcast %get3A_17 : vector<1x1xf32> to vector<12800x1xf32>
    %add3A_19 = arith.addf %dot_general3A_14, %add3A_18 : vector<12800x1xf32>
    %exp3A = math.exp %add3A_19 : vector<12800x1xf32>
    %mul3A = vector.broadcast %exp3A : vector<12800x1xf32> to vector<12800x128xf32>
    %mul3A_20 = arith.mulf %get3A_1, %mul3A : vector<12800x128xf32>
    %swap3A = arith.constant 0 : index
    %swap3A_21 = arith.constant 0 : index
    %swap3A_22 = vector.load %arg7[%swap3A, %swap3A_21] : memref<12800x128xf32, #tpu.memory_space<vmem>>, vector<12800x128xf32>
    tpu.vector_store %arg7[%swap3A, %swap3A_21], %mul3A_20 {strides = array<i32>} : memref<12800x128xf32, #tpu.memory_space<vmem>>, vector<12800x128xf32>,
    %get3A_23 = arith.constant 0 : index
    %get3A_24 = arith.constant 0 : index
    %get3A_25 = vector.load %arg5[%get3A_23, %get3A_24] : memref<1x128xf32, #tpu.memory_space<vmem>>, vector<1x128xf32>
    %dot_general3A_26 = arith.constant dense<0.000000e+00> : vector<1x12800xf32>
    %dot_general3A_27 = tpu.matmul %get3A_25, %tanh3A, %dot_general3A_26 {dimension_numbers = #tpu.dot_dimension_numbers<[1], [1], [0], [0], [0, 0, 1, 0], [], []>, transpose_lhs_hint = false} : vector<1x128xf32>, vector<12800x128xf32>, vector<1x12800xf32> -> vector<1x12800xf32>
    %get3A_28 = arith.constant 0 : index
    %get3A_29 = arith.constant 0 : index
    %get3A_30 = vector.load %arg6[%get3A_28, %get3A_29] : memref<1x1xf32, #tpu.memory_space<vmem>>, vector<1x1xf32>
    %add3A_31 = vector.broadcast %get3A_30 : vector<1x1xf32> to vector<1x12800xf32>
    %add3A_32 = arith.addf %dot_general3A_27, %add3A_31 : vector<1x12800xf32>
    %exp3A_33 = math.exp %add3A_32 : vector<1x12800xf32>
    %broadcast_in_dim3A = vector.shape_cast %exp3A_33 : vector<1x12800xf32> to vector<1x1x12800xf32>
    %swap3A_34 = arith.constant 0 : index
    %swap3A_35 = arith.constant 0 : index
    %swap3A_36 = arith.constant 0 : index
    %swap3A_37 = vector.load %arg8[%swap3A_34, %swap3A_35, %swap3A_36] : memref<1x1x12800xf32, #tpu.memory_space<vmem>>, vector<1x1x12800xf32>
    tpu.vector_store %arg8[%swap3A_34, %swap3A_35, %swap3A_36], %broadcast_in_dim3A {strides = array<i32>} : memref<1x1x12800xf32, #tpu.memory_space<vmem>>, vector<1x1x12800xf32>,
    return
  }
  func.func @transform_0(%arg0: i32) -> (i32, i32) {
    %add3A = arith.constant 16 : i32
    %add3A_0 = arith.addi %arg0, %add3A : i32
    %c0_i32 = arith.constant 0 : i32
    %c0_i32_1 = arith.constant 0 : i32
    return %add3A_0, %c0_i32 : i32, i32
  }
  func.func @transform_1(%arg0: i32) -> (i32, i32) {
    %c0_i32 = arith.constant 0 : i32
    %c0_i32_0 = arith.constant 0 : i32
    %c0_i32_1 = arith.constant 0 : i32
    return %c0_i32, %c0_i32_0 : i32, i32
  }
  func.func @transform_2(%arg0: i32) -> (i32, i32) {
    %c0_i32 = arith.constant 0 : i32
    %c0_i32_0 = arith.constant 0 : i32
    %c0_i32_1 = arith.constant 0 : i32
    return %c0_i32, %c0_i32_0 : i32, i32
  }
  func.func @transform_3(%arg0: i32) -> (i32, i32) {
    %c0_i32 = arith.constant 0 : i32
    %c0_i32_0 = arith.constant 0 : i32
    %c0_i32_1 = arith.constant 0 : i32
    return %c0_i32, %c0_i32_0 : i32, i32
  }
  func.func @transform_4(%arg0: i32) -> (i32, i32) {
    %c0_i32 = arith.constant 0 : i32
    %c0_i32_0 = arith.constant 0 : i32
    %c0_i32_1 = arith.constant 0 : i32
    return %c0_i32, %c0_i32_0 : i32, i32
  }
  func.func @transform_5(%arg0: i32) -> (i32, i32) {
    %c0_i32 = arith.constant 0 : i32
    %c0_i32_0 = arith.constant 0 : i32
    %c0_i32_1 = arith.constant 0 : i32
    return %c0_i32, %c0_i32_0 : i32, i32
  }
  func.func @transform_6(%arg0: i32) -> (i32, i32) {
    %c0_i32 = arith.constant 0 : i32
    %c0_i32_0 = arith.constant 0 : i32
    return %arg0, %c0_i32 : i32, i32
  }
  func.func @transform_7(%arg0: i32) -> (i32, i32, i32) {
    %c0_i32 = arith.constant 0 : i32
    %c0_i32_0 = arith.constant 0 : i32
    %c0_i32_1 = arith.constant 0 : i32
    return %arg0, %c0_i32, %c0_i32_0 : i32, i32, i32
  }
}

module attributes {stable_mosaic.version = 14 : i64} {
  func.func @_score_body(%arg0: i32, %arg1: memref<12800x128xf32, #tpu.memory_space<vmem>>, %arg2: memref<128x128xf32, #tpu.memory_space<vmem>>, %arg3: memref<1x128xf32, #tpu.memory_space<vmem>>, %arg4: memref<128x1xf32, #tpu.memory_space<vmem>>, %arg5: memref<1x128xf32, #tpu.memory_space<vmem>>, %arg6: memref<1x1xf32, #tpu.memory_space<vmem>>, %arg7: memref<12800x128xf32, #tpu.memory_space<vmem>>, %arg8: memref<1x1x12800xf32, #tpu.memory_space<vmem>>) attributes {dimension_semantics = [#tpu.dimension_semantics<arbitrary>], iteration_bounds = array<i64: 8>, scalar_prefetch = 0 : i64, scratch_operands = 0 : i64, tpu.core_type = #tpu.core_type<tc>, window_params = [{transform_indices = @transform_0, window_bounds = array<i64: 12800, 128>}, {pipeline_mode = #tpu.pipeline_mode<synchronous>, transform_indices = @transform_1, window_bounds = array<i64: 128, 128>}, {pipeline_mode = #tpu.pipeline_mode<synchronous>, transform_indices = @transform_2, window_bounds = array<i64: 1, 128>}, {pipeline_mode = #tpu.pipeline_mode<synchronous>, transform_indices = @transform_3, window_bounds = array<i64: 128, 1>}, {pipeline_mode = #tpu.pipeline_mode<synchronous>, transform_indices = @transform_4, window_bounds = array<i64: 1, 128>}, {pipeline_mode = #tpu.pipeline_mode<synchronous>, transform_indices = @transform_5, window_bounds = array<i64: 1, 1>}, {transform_indices = @transform_6, window_bounds = array<i64: 12800, 128>}, {transform_indices = @transform_7, window_bounds = array<i64: 1, 1, 12800>}]} {
    %get3A = arith.constant 0 : index
    %get3A_0 = arith.constant 0 : index
    %get3A_1 = vector.load %arg1[%get3A, %get3A_0] : memref<12800x128xf32, #tpu.memory_space<vmem>>, vector<12800x128xf32>
    %get3A_2 = arith.constant 0 : index
    %get3A_3 = arith.constant 0 : index
    %get3A_4 = vector.load %arg2[%get3A_2, %get3A_3] : memref<128x128xf32, #tpu.memory_space<vmem>>, vector<128x128xf32>
    %dot_general3A = arith.constant dense<0.000000e+00> : vector<12800x128xf32>
    %dot_general3A_5 = tpu.matmul %get3A_1, %get3A_4, %dot_general3A {dimension_numbers = #tpu.dot_dimension_numbers<[1], [0], [0], [1], [0, 0, 1, 1], [], []>, transpose_lhs_hint = false} : vector<12800x128xf32>, vector<128x128xf32>, vector<12800x128xf32> -> vector<12800x128xf32>
    %get3A_6 = arith.constant 0 : index
    %get3A_7 = arith.constant 0 : index
    %get3A_8 = vector.load %arg3[%get3A_6, %get3A_7] : memref<1x128xf32, #tpu.memory_space<vmem>>, vector<1x128xf32>
    %add3A = vector.broadcast %get3A_8 : vector<1x128xf32> to vector<12800x128xf32>
    %add3A_9 = arith.addf %dot_general3A_5, %add3A : vector<12800x128xf32>
    %tanh3A = math.tanh %add3A_9 : vector<12800x128xf32>
    %get3A_10 = arith.constant 0 : index
    %get3A_11 = arith.constant 0 : index
    %get3A_12 = vector.load %arg4[%get3A_10, %get3A_11] : memref<128x1xf32, #tpu.memory_space<vmem>>, vector<128x1xf32>
    %dot_general3A_13 = arith.constant dense<0.000000e+00> : vector<12800x1xf32>
    %dot_general3A_14 = tpu.matmul %tanh3A, %get3A_12, %dot_general3A_13 {dimension_numbers = #tpu.dot_dimension_numbers<[1], [0], [0], [1], [0, 0, 1, 1], [], []>, transpose_lhs_hint = false} : vector<12800x128xf32>, vector<128x1xf32>, vector<12800x1xf32> -> vector<12800x1xf32>
    %get3A_15 = arith.constant 0 : index
    %get3A_16 = arith.constant 0 : index
    %get3A_17 = vector.load %arg6[%get3A_15, %get3A_16] : memref<1x1xf32, #tpu.memory_space<vmem>>, vector<1x1xf32>
    %add3A_18 = vector.broadcast %get3A_17 : vector<1x1xf32> to vector<12800x1xf32>
    %add3A_19 = arith.addf %dot_general3A_14, %add3A_18 : vector<12800x1xf32>
    %exp3A = math.exp %add3A_19 : vector<12800x1xf32>
    %mul3A = vector.broadcast %exp3A : vector<12800x1xf32> to vector<12800x128xf32>
    %mul3A_20 = arith.mulf %get3A_1, %mul3A : vector<12800x128xf32>
    %swap3A = arith.constant 0 : index
    %swap3A_21 = arith.constant 0 : index
    %swap3A_22 = vector.load %arg7[%swap3A, %swap3A_21] : memref<12800x128xf32, #tpu.memory_space<vmem>>, vector<12800x128xf32>
    tpu.vector_store %arg7[%swap3A, %swap3A_21], %mul3A_20 {strides = array<i32>} : memref<12800x128xf32, #tpu.memory_space<vmem>>, vector<12800x128xf32>,
    %get3A_23 = arith.constant 0 : index
    %get3A_24 = arith.constant 0 : index
    %get3A_25 = vector.load %arg5[%get3A_23, %get3A_24] : memref<1x128xf32, #tpu.memory_space<vmem>>, vector<1x128xf32>
    %dot_general3A_26 = arith.constant dense<0.000000e+00> : vector<1x12800xf32>
    %dot_general3A_27 = tpu.matmul %get3A_25, %tanh3A, %dot_general3A_26 {dimension_numbers = #tpu.dot_dimension_numbers<[1], [1], [0], [0], [0, 0, 1, 0], [], []>, transpose_lhs_hint = false} : vector<1x128xf32>, vector<12800x128xf32>, vector<1x12800xf32> -> vector<1x12800xf32>
    %get3A_28 = arith.constant 0 : index
    %get3A_29 = arith.constant 0 : index
    %get3A_30 = vector.load %arg6[%get3A_28, %get3A_29] : memref<1x1xf32, #tpu.memory_space<vmem>>, vector<1x1xf32>
    %add3A_31 = vector.broadcast %get3A_30 : vector<1x1xf32> to vector<1x12800xf32>
    %add3A_32 = arith.addf %dot_general3A_27, %add3A_31 : vector<1x12800xf32>
    %exp3A_33 = math.exp %add3A_32 : vector<1x12800xf32>
    %broadcast_in_dim3A = vector.shape_cast %exp3A_33 : vector<1x12800xf32> to vector<1x1x12800xf32>
    %swap3A_34 = arith.constant 0 : index
    %swap3A_35 = arith.constant 0 : index
    %swap3A_36 = arith.constant 0 : index
    %swap3A_37 = vector.load %arg8[%swap3A_34, %swap3A_35, %swap3A_36] : memref<1x1x12800xf32, #tpu.memory_space<vmem>>, vector<1x1x12800xf32>
    tpu.vector_store %arg8[%swap3A_34, %swap3A_35, %swap3A_36], %broadcast_in_dim3A {strides = array<i32>} : memref<1x1x12800xf32, #tpu.memory_space<vmem>>, vector<1x1x12800xf32>,
    return
  }
  func.func @transform_0(%arg0: i32) -> (i32, i32) {
    %add3A = arith.constant 8 : i32
    %add3A_0 = arith.addi %arg0, %add3A : i32
    %c0_i32 = arith.constant 0 : i32
    %c0_i32_1 = arith.constant 0 : i32
    return %add3A_0, %c0_i32 : i32, i32
  }
  func.func @transform_1(%arg0: i32) -> (i32, i32) {
    %c0_i32 = arith.constant 0 : i32
    %c0_i32_0 = arith.constant 0 : i32
    %c0_i32_1 = arith.constant 0 : i32
    return %c0_i32, %c0_i32_0 : i32, i32
  }
  func.func @transform_2(%arg0: i32) -> (i32, i32) {
    %c0_i32 = arith.constant 0 : i32
    %c0_i32_0 = arith.constant 0 : i32
    %c0_i32_1 = arith.constant 0 : i32
    return %c0_i32, %c0_i32_0 : i32, i32
  }
  func.func @transform_3(%arg0: i32) -> (i32, i32) {
    %c0_i32 = arith.constant 0 : i32
    %c0_i32_0 = arith.constant 0 : i32
    %c0_i32_1 = arith.constant 0 : i32
    return %c0_i32, %c0_i32_0 : i32, i32
  }
  func.func @transform_4(%arg0: i32) -> (i32, i32) {
    %c0_i32 = arith.constant 0 : i32
    %c0_i32_0 = arith.constant 0 : i32
    %c0_i32_1 = arith.constant 0 : i32
    return %c0_i32, %c0_i32_0 : i32, i32
  }
  func.func @transform_5(%arg0: i32) -> (i32, i32) {
    %c0_i32 = arith.constant 0 : i32
    %c0_i32_0 = arith.constant 0 : i32
    %c0_i32_1 = arith.constant 0 : i32
    return %c0_i32, %c0_i32_0 : i32, i32
  }
  func.func @transform_6(%arg0: i32) -> (i32, i32) {
    %c0_i32 = arith.constant 0 : i32
    %c0_i32_0 = arith.constant 0 : i32
    return %arg0, %c0_i32 : i32, i32
  }
  func.func @transform_7(%arg0: i32) -> (i32, i32, i32) {
    %c0_i32 = arith.constant 0 : i32
    %c0_i32_0 = arith.constant 0 : i32
    %c0_i32_1 = arith.constant 0 : i32
    return %arg0, %c0_i32, %c0_i32_0 : i32, i32, i32
  }
}

module attributes {stable_mosaic.version = 14 : i64} {
  func.func @_score_body(%arg0: i32, %arg1: memref<12800x128xf32, #tpu.memory_space<vmem>>, %arg2: memref<128x128xf32, #tpu.memory_space<vmem>>, %arg3: memref<1x128xf32, #tpu.memory_space<vmem>>, %arg4: memref<128x1xf32, #tpu.memory_space<vmem>>, %arg5: memref<1x128xf32, #tpu.memory_space<vmem>>, %arg6: memref<1x1xf32, #tpu.memory_space<vmem>>, %arg7: memref<12800x128xf32, #tpu.memory_space<vmem>>, %arg8: memref<1x1x12800xf32, #tpu.memory_space<vmem>>) attributes {dimension_semantics = [#tpu.dimension_semantics<arbitrary>], iteration_bounds = array<i64: 8>, scalar_prefetch = 0 : i64, scratch_operands = 0 : i64, tpu.core_type = #tpu.core_type<tc>, window_params = [{transform_indices = @transform_0, window_bounds = array<i64: 12800, 128>}, {pipeline_mode = #tpu.pipeline_mode<synchronous>, transform_indices = @transform_1, window_bounds = array<i64: 128, 128>}, {pipeline_mode = #tpu.pipeline_mode<synchronous>, transform_indices = @transform_2, window_bounds = array<i64: 1, 128>}, {pipeline_mode = #tpu.pipeline_mode<synchronous>, transform_indices = @transform_3, window_bounds = array<i64: 128, 1>}, {pipeline_mode = #tpu.pipeline_mode<synchronous>, transform_indices = @transform_4, window_bounds = array<i64: 1, 128>}, {pipeline_mode = #tpu.pipeline_mode<synchronous>, transform_indices = @transform_5, window_bounds = array<i64: 1, 1>}, {transform_indices = @transform_6, window_bounds = array<i64: 12800, 128>}, {transform_indices = @transform_7, window_bounds = array<i64: 1, 1, 12800>}]} {
    %get3A = arith.constant 0 : index
    %get3A_0 = arith.constant 0 : index
    %get3A_1 = vector.load %arg1[%get3A, %get3A_0] : memref<12800x128xf32, #tpu.memory_space<vmem>>, vector<12800x128xf32>
    %get3A_2 = arith.constant 0 : index
    %get3A_3 = arith.constant 0 : index
    %get3A_4 = vector.load %arg2[%get3A_2, %get3A_3] : memref<128x128xf32, #tpu.memory_space<vmem>>, vector<128x128xf32>
    %dot_general3A = arith.constant dense<0.000000e+00> : vector<12800x128xf32>
    %dot_general3A_5 = tpu.matmul %get3A_1, %get3A_4, %dot_general3A {dimension_numbers = #tpu.dot_dimension_numbers<[1], [0], [0], [1], [0, 0, 1, 1], [], []>, transpose_lhs_hint = false} : vector<12800x128xf32>, vector<128x128xf32>, vector<12800x128xf32> -> vector<12800x128xf32>
    %get3A_6 = arith.constant 0 : index
    %get3A_7 = arith.constant 0 : index
    %get3A_8 = vector.load %arg3[%get3A_6, %get3A_7] : memref<1x128xf32, #tpu.memory_space<vmem>>, vector<1x128xf32>
    %add3A = vector.broadcast %get3A_8 : vector<1x128xf32> to vector<12800x128xf32>
    %add3A_9 = arith.addf %dot_general3A_5, %add3A : vector<12800x128xf32>
    %tanh3A = math.tanh %add3A_9 : vector<12800x128xf32>
    %get3A_10 = arith.constant 0 : index
    %get3A_11 = arith.constant 0 : index
    %get3A_12 = vector.load %arg4[%get3A_10, %get3A_11] : memref<128x1xf32, #tpu.memory_space<vmem>>, vector<128x1xf32>
    %dot_general3A_13 = arith.constant dense<0.000000e+00> : vector<12800x1xf32>
    %dot_general3A_14 = tpu.matmul %tanh3A, %get3A_12, %dot_general3A_13 {dimension_numbers = #tpu.dot_dimension_numbers<[1], [0], [0], [1], [0, 0, 1, 1], [], []>, transpose_lhs_hint = false} : vector<12800x128xf32>, vector<128x1xf32>, vector<12800x1xf32> -> vector<12800x1xf32>
    %get3A_15 = arith.constant 0 : index
    %get3A_16 = arith.constant 0 : index
    %get3A_17 = vector.load %arg6[%get3A_15, %get3A_16] : memref<1x1xf32, #tpu.memory_space<vmem>>, vector<1x1xf32>
    %add3A_18 = vector.broadcast %get3A_17 : vector<1x1xf32> to vector<12800x1xf32>
    %add3A_19 = arith.addf %dot_general3A_14, %add3A_18 : vector<12800x1xf32>
    %exp3A = math.exp %add3A_19 : vector<12800x1xf32>
    %mul3A = vector.broadcast %exp3A : vector<12800x1xf32> to vector<12800x128xf32>
    %mul3A_20 = arith.mulf %get3A_1, %mul3A : vector<12800x128xf32>
    %swap3A = arith.constant 0 : index
    %swap3A_21 = arith.constant 0 : index
    %swap3A_22 = vector.load %arg7[%swap3A, %swap3A_21] : memref<12800x128xf32, #tpu.memory_space<vmem>>, vector<12800x128xf32>
    tpu.vector_store %arg7[%swap3A, %swap3A_21], %mul3A_20 {strides = array<i32>} : memref<12800x128xf32, #tpu.memory_space<vmem>>, vector<12800x128xf32>,
    %get3A_23 = arith.constant 0 : index
    %get3A_24 = arith.constant 0 : index
    %get3A_25 = vector.load %arg5[%get3A_23, %get3A_24] : memref<1x128xf32, #tpu.memory_space<vmem>>, vector<1x128xf32>
    %dot_general3A_26 = arith.constant dense<0.000000e+00> : vector<1x12800xf32>
    %dot_general3A_27 = tpu.matmul %get3A_25, %tanh3A, %dot_general3A_26 {dimension_numbers = #tpu.dot_dimension_numbers<[1], [1], [0], [0], [0, 0, 1, 0], [], []>, transpose_lhs_hint = false} : vector<1x128xf32>, vector<12800x128xf32>, vector<1x12800xf32> -> vector<1x12800xf32>
    %get3A_28 = arith.constant 0 : index
    %get3A_29 = arith.constant 0 : index
    %get3A_30 = vector.load %arg6[%get3A_28, %get3A_29] : memref<1x1xf32, #tpu.memory_space<vmem>>, vector<1x1xf32>
    %add3A_31 = vector.broadcast %get3A_30 : vector<1x1xf32> to vector<1x12800xf32>
    %add3A_32 = arith.addf %dot_general3A_27, %add3A_31 : vector<1x12800xf32>
    %exp3A_33 = math.exp %add3A_32 : vector<1x12800xf32>
    %broadcast_in_dim3A = vector.shape_cast %exp3A_33 : vector<1x12800xf32> to vector<1x1x12800xf32>
    %swap3A_34 = arith.constant 0 : index
    %swap3A_35 = arith.constant 0 : index
    %swap3A_36 = arith.constant 0 : index
    %swap3A_37 = vector.load %arg8[%swap3A_34, %swap3A_35, %swap3A_36] : memref<1x1x12800xf32, #tpu.memory_space<vmem>>, vector<1x1x12800xf32>
    tpu.vector_store %arg8[%swap3A_34, %swap3A_35, %swap3A_36], %broadcast_in_dim3A {strides = array<i32>} : memref<1x1x12800xf32, #tpu.memory_space<vmem>>, vector<1x1x12800xf32>,
    return
  }
  func.func @transform_0(%arg0: i32) -> (i32, i32) {
    %add3A = arith.constant 0 : i32
    %add3A_0 = arith.addi %arg0, %add3A : i32
    %c0_i32 = arith.constant 0 : i32
    %c0_i32_1 = arith.constant 0 : i32
    return %add3A_0, %c0_i32 : i32, i32
  }
  func.func @transform_1(%arg0: i32) -> (i32, i32) {
    %c0_i32 = arith.constant 0 : i32
    %c0_i32_0 = arith.constant 0 : i32
    %c0_i32_1 = arith.constant 0 : i32
    return %c0_i32, %c0_i32_0 : i32, i32
  }
  func.func @transform_2(%arg0: i32) -> (i32, i32) {
    %c0_i32 = arith.constant 0 : i32
    %c0_i32_0 = arith.constant 0 : i32
    %c0_i32_1 = arith.constant 0 : i32
    return %c0_i32, %c0_i32_0 : i32, i32
  }
  func.func @transform_3(%arg0: i32) -> (i32, i32) {
    %c0_i32 = arith.constant 0 : i32
    %c0_i32_0 = arith.constant 0 : i32
    %c0_i32_1 = arith.constant 0 : i32
    return %c0_i32, %c0_i32_0 : i32, i32
  }
  func.func @transform_4(%arg0: i32) -> (i32, i32) {
    %c0_i32 = arith.constant 0 : i32
    %c0_i32_0 = arith.constant 0 : i32
    %c0_i32_1 = arith.constant 0 : i32
    return %c0_i32, %c0_i32_0 : i32, i32
  }
  func.func @transform_5(%arg0: i32) -> (i32, i32) {
    %c0_i32 = arith.constant 0 : i32
    %c0_i32_0 = arith.constant 0 : i32
    %c0_i32_1 = arith.constant 0 : i32
    return %c0_i32, %c0_i32_0 : i32, i32
  }
  func.func @transform_6(%arg0: i32) -> (i32, i32) {
    %c0_i32 = arith.constant 0 : i32
    %c0_i32_0 = arith.constant 0 : i32
    return %arg0, %c0_i32 : i32, i32
  }
  func.func @transform_7(%arg0: i32) -> (i32, i32, i32) {
    %c0_i32 = arith.constant 0 : i32
    %c0_i32_0 = arith.constant 0 : i32
    %c0_i32_1 = arith.constant 0 : i32
    return %arg0, %c0_i32, %c0_i32_0 : i32, i32, i32
  }
}

module attributes {stable_mosaic.version = 14 : i64} {
  func.func @_norm_body(%arg0: memref<2x1024x128xf32, #tpu.memory_space<vmem>>, %arg1: memref<2x1024x128xf32, #tpu.memory_space<vmem>>, %arg2: memref<2x1024x128xf32, #tpu.memory_space<vmem>>, %arg3: memref<2x1024xf32, #tpu.memory_space<vmem>>, %arg4: memref<2x1024xf32, #tpu.memory_space<vmem>>, %arg5: memref<2x1024xf32, #tpu.memory_space<vmem>>, %arg6: memref<1024x128xf32, #tpu.memory_space<vmem>>) attributes {dimension_semantics = [], scalar_prefetch = 0 : i64, scratch_operands = 0 : i64, tpu.core_type = #tpu.core_type<tc>} {
    %get3A = arith.constant 0 : index
    %get3A_0 = arith.constant 0 : index
    %get3A_1 = arith.constant 0 : index
    %get3A_2 = vector.load %arg0[%get3A, %get3A_0, %get3A_1] : memref<2x1024x128xf32, #tpu.memory_space<vmem>>, vector<1x1024x128xf32>
    %get3A_3 = vector.shape_cast %get3A_2 : vector<1x1024x128xf32> to vector<1024x128xf32>
    %get3A_4 = arith.constant 1 : index
    %get3A_5 = arith.constant 0 : index
    %get3A_6 = arith.constant 0 : index
    %get3A_7 = vector.load %arg0[%get3A_4, %get3A_5, %get3A_6] : memref<2x1024x128xf32, #tpu.memory_space<vmem>>, vector<1x1024x128xf32>
    %get3A_8 = vector.shape_cast %get3A_7 : vector<1x1024x128xf32> to vector<1024x128xf32>
    %add3A = arith.addf %get3A_3, %get3A_8 : vector<1024x128xf32>
    %add3A_9 = arith.constant 0.000000e+00 : f32
    %add3A_10 = vector.broadcast %add3A_9 : f32 to vector<1024x128xf32>
    %add3A_11 = arith.addf %add3A_10, %add3A : vector<1024x128xf32>
    %get3A_12 = arith.constant 0 : index
    %get3A_13 = arith.constant 0 : index
    %get3A_14 = arith.constant 0 : index
    %get3A_15 = vector.load %arg1[%get3A_12, %get3A_13, %get3A_14] : memref<2x1024x128xf32, #tpu.memory_space<vmem>>, vector<1x1024x128xf32>
    %get3A_16 = vector.shape_cast %get3A_15 : vector<1x1024x128xf32> to vector<1024x128xf32>
    %get3A_17 = arith.constant 1 : index
    %get3A_18 = arith.constant 0 : index
    %get3A_19 = arith.constant 0 : index
    %get3A_20 = vector.load %arg1[%get3A_17, %get3A_18, %get3A_19] : memref<2x1024x128xf32, #tpu.memory_space<vmem>>, vector<1x1024x128xf32>
    %get3A_21 = vector.shape_cast %get3A_20 : vector<1x1024x128xf32> to vector<1024x128xf32>
    %add3A_22 = arith.addf %get3A_16, %get3A_21 : vector<1024x128xf32>
    %add3A_23 = arith.addf %add3A_11, %add3A_22 : vector<1024x128xf32>
    %get3A_24 = arith.constant 0 : index
    %get3A_25 = arith.constant 0 : index
    %get3A_26 = arith.constant 0 : index
    %get3A_27 = vector.load %arg2[%get3A_24, %get3A_25, %get3A_26] : memref<2x1024x128xf32, #tpu.memory_space<vmem>>, vector<1x1024x128xf32>
    %get3A_28 = vector.shape_cast %get3A_27 : vector<1x1024x128xf32> to vector<1024x128xf32>
    %get3A_29 = arith.constant 1 : index
    %get3A_30 = arith.constant 0 : index
    %get3A_31 = arith.constant 0 : index
    %get3A_32 = vector.load %arg2[%get3A_29, %get3A_30, %get3A_31] : memref<2x1024x128xf32, #tpu.memory_space<vmem>>, vector<1x1024x128xf32>
    %get3A_33 = vector.shape_cast %get3A_32 : vector<1x1024x128xf32> to vector<1024x128xf32>
    %add3A_34 = arith.addf %get3A_28, %get3A_33 : vector<1024x128xf32>
    %add3A_35 = arith.addf %add3A_23, %add3A_34 : vector<1024x128xf32>
    %get3A_36 = arith.constant 0 : index
    %get3A_37 = arith.constant 0 : index
    %get3A_38 = vector.load %arg3[%get3A_36, %get3A_37] : memref<2x1024xf32, #tpu.memory_space<vmem>>, vector<1x1024xf32>
    %get3A_39 = vector.shape_cast %get3A_38 : vector<1x1024xf32> to vector<1024xf32>
    %get3A_40 = arith.constant 1 : index
    %get3A_41 = arith.constant 0 : index
    %get3A_42 = vector.load %arg3[%get3A_40, %get3A_41] : memref<2x1024xf32, #tpu.memory_space<vmem>>, vector<1x1024xf32>
    %get3A_43 = vector.shape_cast %get3A_42 : vector<1x1024xf32> to vector<1024xf32>
    %add3A_44 = arith.addf %get3A_39, %get3A_43 : vector<1024xf32>
    %add3A_45 = arith.constant 0.000000e+00 : f32
    %add3A_46 = vector.broadcast %add3A_45 : f32 to vector<1024xf32>
    %add3A_47 = arith.addf %add3A_46, %add3A_44 : vector<1024xf32>
    %get3A_48 = arith.constant 0 : index
    %get3A_49 = arith.constant 0 : index
    %get3A_50 = vector.load %arg4[%get3A_48, %get3A_49] : memref<2x1024xf32, #tpu.memory_space<vmem>>, vector<1x1024xf32>
    %get3A_51 = vector.shape_cast %get3A_50 : vector<1x1024xf32> to vector<1024xf32>
    %get3A_52 = arith.constant 1 : index
    %get3A_53 = arith.constant 0 : index
    %get3A_54 = vector.load %arg4[%get3A_52, %get3A_53] : memref<2x1024xf32, #tpu.memory_space<vmem>>, vector<1x1024xf32>
    %get3A_55 = vector.shape_cast %get3A_54 : vector<1x1024xf32> to vector<1024xf32>
    %add3A_56 = arith.addf %get3A_51, %get3A_55 : vector<1024xf32>
    %add3A_57 = arith.addf %add3A_47, %add3A_56 : vector<1024xf32>
    %get3A_58 = arith.constant 0 : index
    %get3A_59 = arith.constant 0 : index
    %get3A_60 = vector.load %arg5[%get3A_58, %get3A_59] : memref<2x1024xf32, #tpu.memory_space<vmem>>, vector<1x1024xf32>
    %get3A_61 = vector.shape_cast %get3A_60 : vector<1x1024xf32> to vector<1024xf32>
    %get3A_62 = arith.constant 1 : index
    %get3A_63 = arith.constant 0 : index
    %get3A_64 = vector.load %arg5[%get3A_62, %get3A_63] : memref<2x1024xf32, #tpu.memory_space<vmem>>, vector<1x1024xf32>
    %get3A_65 = vector.shape_cast %get3A_64 : vector<1x1024xf32> to vector<1024xf32>
    %add3A_66 = arith.addf %get3A_61, %get3A_65 : vector<1024xf32>
    %add3A_67 = arith.addf %add3A_57, %add3A_66 : vector<1024xf32>
    %gt3A = arith.constant 0.000000e+00 : f32
    %gt3A_68 = vector.broadcast %gt3A : f32 to vector<1024xf32>
    %gt3A_69 = arith.cmpf ogt, %add3A_67, %gt3A_68 : vector<1024xf32>
    %jit3A = arith.constant 1.000000e+00 : f32
    %broadcast_in_dim3A = vector.broadcast %jit3A : f32 to vector<1024xf32>
    %select_n3A = arith.select %gt3A_69, %add3A_67, %broadcast_in_dim3A : vector<1024xi1>, vector<1024xf32>
    %broadcast_in_dim3A_70 = vector.shape_cast %select_n3A : vector<1024xf32> to vector<1024x1xf32>
    %div3A = vector.broadcast %broadcast_in_dim3A_70 : vector<1024x1xf32> to vector<1024x128xf32>
    %div3A_71 = arith.divf %add3A_35, %div3A : vector<1024x128xf32>
    %swap3A = arith.constant 0 : index
    %swap3A_72 = arith.constant 0 : index
    %swap3A_73 = vector.load %arg6[%swap3A, %swap3A_72] : memref<1024x128xf32, #tpu.memory_space<vmem>>, vector<1024x128xf32>
    tpu.vector_store %arg6[%swap3A, %swap3A_72], %div3A_71 {strides = array<i32>} : memref<1024x128xf32, #tpu.memory_space<vmem>>, vector<1024x128xf32>,
    return
  }
}

</mosaic_0001>

<sc_bundles>
// kernel: kernel.12.cloned.1.call-start
scs
__scs_entry_jumppad:
0x0: {  	(pc) =	sbr.rel $0x88, $3  }
0x1: {  	(tag) =	ssettag $0x0;
	lr =	simm.s32 $0x1  }
0x2: {  	[smem:$0x3F9B] =	sst lr;
	_ =	strace $0xD0000000  }
0x3: {  	_ = 	snop  }
0x4: {  	_ = 	snop  }
0x5: {  	_ = 	snop  }
0x6: {  	_ = 	snop  }
0x7: {  	_ = 	snop  }
__scs_overlays_trampoline_lowered:
0x8: {  	[smem:$0x3FAA] =	sst s0  }
0x9: {  	[smem:$0x3FAB] =	sst s1  }
0xa: {  	[smem:$0x3FAC] =	sst s2  }
0xb: {  	[smem:$0x3FAD] =	sst s3  }
0xc: {  	[smem:$0x3FAE] =	sst s4  }
0xd: {  	[smem:$0x3FAF] =	sst s5  }
0xe: {  	[smem:$0x3FB0] =	sst s6  }
0xf: {  	[smem:$0x3FB1] =	sst s7  }
0x10: {  	[smem:$0x3FB2] =	sst s8  }
0x11: {  	[smem:$0x3FB3] =	sst s9;
	s0 =	simm.s32 @!p0 $0x0  }
0x12: {  	s1 =	sld [smem:$0x3F99];
	s0 =	simm.s32 @p0 $0x1  }
0x13: {  	[smem:$0x3FB4] =	sst s0;
	s0 =	simm.s32 @!p1 $0x0  }
0x14: {  	s2 =	sld [smem:$0x3F98];
	s0 =	simm.s32 @p1 $0x1  }
0x15: {  	[smem:$0x3FB5] =	sst s0;
	s0 =	simm.s32 @!p2 $0x0  }
0x16: {  	s3 =	sld [smem:$0x3FDB];
	s0 =	simm.s32 @p2 $0x1  }
0x17: {  	s4 =	simm.s32 $0x1BF5;
	[smem:$0x3FB7] =	sst s0  }
0x18: {  	s0 =	sld [smem:$0x3F9A];
	_ =	swait.ge [sflag:s4], $0x0  }
0x19: {  	s7 =	sld [smem:$0x3F9B]  }
0x1a: {  	s8 =	sadd.s32 $0xFFFFE003, lr  }
0x1b: {  	s9 =	sadd.s32 $0xFFFFFEF7, lr;
	s5 =	simm.s32 $0xFFFFFFFF;
	p2 =	slt.u32 s8, $0xFFFFF086  }
0x1c: {  	p1 =	slt.u32 s9, $0xF7A;
	s5 =	simm.s32 @!p2 $0x0  }
0x1d: {  	s5 =	simm.s32 @p1 $0x1;
	p0 =	seq.s32 s7, s2  }
0x1e: {  	s7 =	smul.u32 @!p0 $0xF7A, s2;
	p2 =	seq.s32 @!p0 s5, $0x0  }
0x1f: {  	s9 =	smul.u32 $0xF7A, s1;
	s8 =	simm.s32 @!p0 $0x1BF5;
	p2 =	por !p2, p0  }
0x20: {  	[sflag:s8] =	ssyncset.s32 @!p0 $0xFFFFF086;
	s6 =	sadd.s32 @!p0 s3, s7;
	s7 =	simm.s32 @!p0 $0x108  }
0x21: {  	s3 =	sadd.s32 s3, s9;
	s6 =	sadd.s32 @!p0 $0x88, s6;
	s7 =	simm.s32 @p2 $0x1082  }
0x22: {  	[simem:s7], [sflag:s8] =	dma.local @!p0 [hbm:s6], $0xF7A  }
0x23: {  	s9 =	sor.u32 $0xD0000000, s2;
	s6 =	simm.s32 $0x108;
	_ =	swait.ge @!p0 [sflag:s8], $0x0  }
0x24: {  	s3 =	sadd.s32 $0x88, s3;
	s6 =	simm.s32 @!p1 $0x1082;
	[sflag:s4] =	ssyncset.s32 $0xFFFFF086  }
0x25: {  	[simem:s6], [sflag:s4] =	dma.local [hbm:s3], $0xF7A  }
0x26: {  	[smem:$0x3F9B] =	sst s1;
	(tag) =	ssettag s2;
	_ =	strace s9  }
0x27: {  	s1 =	sld [smem:$0x3FAB]  }
0x28: {  	s2 =	sld [smem:$0x3FAC]  }
0x29: {  	s4 =	sld [smem:$0x3FAE]  }
0x2a: {  	p0 =	seq.s32 s5, $0x0;
	s5 =	sld [smem:$0x3FAF]  }
0x2b: {  	s6 =	sld [smem:$0x3FB0]  }
0x2c: {  	s7 =	sld [smem:$0x3FB1]  }
0x2d: {  	s3 =	simm.s32 $0x108;
	s8 =	sld [smem:$0x3FB2]  }
0x2e: {  	s3 =	simm.s32 @!p0 $0x1082;
	s9 =	sld [smem:$0x3FB3]  }
0x2f: {  	lr =	sadd.s32 s0, s3;
	s0 =	sld [smem:$0x3FAA]  }
0x30: {  	s3 =	sld [smem:$0x3FAD]  }
0x31: {  	[smem:$0x3FB6] =	sst s10  }
0x32: {  	s10 =	sld [smem:$0x3FB4];
	_ =	sdelay $0x3  }
0x33: {  	p0 =	seq.s32 s10, $0x1;
	s10 =	sld [smem:$0x3FB6];
	_ =	sdelay $0x3  }
0x34: {  	[smem:$0x3FB6] =	sst s10  }
0x35: {  	s10 =	sld [smem:$0x3FB5];
	_ =	sdelay $0x3  }
0x36: {  	p1 =	seq.s32 s10, $0x1;
	s10 =	sld [smem:$0x3FB6];
	_ =	sdelay $0x3  }
0x37: {  	[smem:$0x3FB6] =	sst s10  }
0x38: {  	s10 =	sld [smem:$0x3FB7]  }
0x39: {  	_ = 	snop;
	(pc) =	sbr.ind lr, $3  }
0x3a: {  	_ = 	snop  }
0x3b: {  	_ = 	snop  }
0x3c: {  	p2 =	seq.s32 s10, $0x1;
	s10 =	sld [smem:$0x3FB6]  }
0x3d: {  	_ =	shalt  }
0x3e: {  	_ =	shalt  }
0x3f: {  	_ =	shalt  }
0x40: {  	_ =	shalt  }
0x41: {  	_ =	shalt  }
0x42: {  	_ =	shalt  }
0x43: {  	_ =	shalt  }
0x44: {  	_ =	shalt  }
0x45: {  	_ =	shalt  }
0x46: {  	_ =	shalt  }
0x47: {  	_ =	shalt  }
0x48: {  	_ =	shalt  }
0x49: {  	_ =	shalt  }
0x4a: {  	_ =	shalt  }
0x4b: {  	_ =	shalt  }
0x4c: {  	_ =	shalt  }
0x4d: {  	_ =	shalt  }
0x4e: {  	_ =	shalt  }
0x4f: {  	_ =	shalt  }
0x50: {  	_ =	shalt  }
0x51: {  	_ =	shalt  }
0x52: {  	_ =	shalt  }
0x53: {  	_ =	shalt  }
0x54: {  	_ =	shalt  }
0x55: {  	_ =	shalt  }
0x56: {  	_ =	shalt  }
0x57: {  	_ =	shalt  }
0x58: {  	_ =	shalt  }
0x59: {  	_ =	shalt  }
0x5a: {  	_ =	shalt  }
0x5b: {  	_ =	shalt  }
0x5c: {  	_ =	shalt  }
0x5d: {  	_ =	shalt  }
0x5e: {  	_ =	shalt  }
0x5f: {  	_ =	shalt  }
0x60: {  	_ =	shalt  }
0x61: {  	_ =	shalt  }
0x62: {  	_ =	shalt  }
0x63: {  	_ =	shalt  }
0x64: {  	_ =	shalt  }
0x65: {  	_ =	shalt  }
0x66: {  	_ =	shalt  }
0x67: {  	_ =	shalt  }
0x68: {  	_ =	shalt  }
0x69: {  	_ =	shalt  }
0x6a: {  	_ =	shalt  }
0x6b: {  	_ =	shalt  }
0x6c: {  	_ =	shalt  }
0x6d: {  	_ =	shalt  }
0x6e: {  	_ =	shalt  }
0x6f: {  	_ =	shalt  }
0x70: {  	_ =	shalt  }
0x71: {  	_ =	shalt  }
0x72: {  	_ =	shalt  }
0x73: {  	_ =	shalt  }
0x74: {  	_ =	shalt  }
0x75: {  	_ =	shalt  }
0x76: {  	_ =	shalt  }
0x77: {  	_ =	shalt  }
0x78: {  	_ =	shalt  }
0x79: {  	_ =	shalt  }
0x7a: {  	_ =	shalt  }
0x7b: {  	_ =	shalt  }
0x7c: {  	_ =	shalt  }
0x7d: {  	_ =	shalt  }
0x7e: {  	_ =	shalt  }
0x7f: {  	_ =	shalt  }
0x80: {  	_ =	shalt  }
0x81: {  	_ =	shalt  }
0x82: {  	_ =	shalt  }
0x83: {  	_ =	shalt  }
0x84: {  	_ =	shalt  }
0x85: {  	_ =	shalt  }
0x86: {  	_ =	shalt  }
0x87: {  	_ =	shalt  }
.Lfunc_end0:
.L_simem_size_0:
called_computation.1_lowered:
.L_overlay_start_0:
0x88: {  	s2 =	sld [smem:$0x3FD9]  }
0x89: {  	s3 =	sld [smem:$0x3FFE];
	_ =	sdelay $0x1  }
0x8a: {  	s1 =	srdreg.scid  }
0x8b: {  	s0 =	sand.u32 $0x1, s1  }
0x8c: {  	s16 =	sshll.u32 s0, $0xA;
	s2 =	sadd.s32 s3, s2  }
0x8d: {  	s2 =	sadd.s32 s2, s16  }
0x8e: {  	[smem:$0x3FC2] =	sst s2  }
0x8f: {  	_ = 	snop  }
0x90: {  	(tm) =	ssettm $0x1  }
0x91: {  	s17 =	sld [smem:$0x3FFB];
	_ =	sdelay $0x3  }
0x92: {  	_ =	strace s17  }
0x93: {  	s2 =	sld [smem:$0x3FFC];
	_ =	sdelay $0x3  }
0x94: {  	_ =	strace s2  }
0x95: {  	s2 =	sld [smem:$0x3FFD];
	_ =	sdelay $0x3  }
0x96: {  	_ =	strace s2  }
0x97: {  	_ =	strace $0x8FFFFFFF  }
0x98: {  	s18 =	sld [smem:$0x3FDB];
	_ =	sdelay $0x1  }
0x99: {  	s19 =	simm.s32 $_scs_section_size  }
0x9a: {  	s4 =	simm.s32 $_size__tile_overlayer_lowered;
	s5 =	simm.s32 $_tile_overlayer_lowered  }
0x9b: {  	s22 =	simm.s32 $0x1BFF;
	s21 =	sshll.u32 s5, $0x1;
	s2 =	sadd.s32 s19, s18  }
0x9c: {  	s6 =	simm.s32 $0x0;
	s20 =	sshll.u32 s4, $0x1;
	s4 =	sadd.s32 s21, s2  }
0x9d: {  	[timem:s6], [sflag:s22] =	dma.local [hbm:s4], s20  }
0x9e: {  	_ =	swait.ge [sflag:s22], s20  }
0x9f: {  	s3 =	ssub.s32 $0x0, s20;
	[sflag:s22] =	ssyncset.done $0x0  }
0xa0: {  	[sflag:s22] =	ssyncadd.s32 s3;
	_ =	sdelay $0x1  }
0xa1: {  	s23 =	simm.s32 $0x1B8B  }
0xa2: {  	_ =	swait.ge [sflag:s23], $0x1  }
0xa3: {  	[sflag:s23] =	ssyncset.done $0x0  }
0xa4: {  	s25 =	simm.s32 $0x1B8E;
	s24 =	sld [smem:$0x3FFE];
	[sflag:s23] =	ssyncadd.s32 $0xFFFFFFFF  }
0xa5: {  	s26 =	simm.s32 $execute0_lowered;
	[smem:$0x3FD2] =	sst s25  }
0xa6: {  	s4 =	sshll.u32 s26, $0x1;
	_ =	strace $0x80000046;
	[dreg:$0x1] =	wrdreg $0xFFFFFFFF  }
0xa7: {  	s28 =	simm.s32 $_size_execute0_lowered;
	s2 =	sadd.s32 s2, s4;
	[dreg:$0x0] =	wrdreg $0x0  }
0xa8: {  	s4 =	sshll.u32 s28, $0x1;
	[dreg:$0x2] =	wrdreg s2  }
0xa9: {  	[dreg:$0x3] =	wrdreg s4  }
0xaa: {  	[dreg:$0x4] =	wrdreg $0xC0  }
0xab: {  	_ =	task [dreg:s6], $0x5FFFF  }
0xac: {  	[dreg:$0x1] =	wrdreg $0xFFFFFFFF  }
0xad: {  	[dreg:$0x0] =	wrdreg $0x60  }
0xae: {  	[dreg:$0x2] =	wrdreg s24  }
0xaf: {  	[dreg:$0x3] =	wrdreg $0x82000  }
0xb0: {  	[dreg:$0x4] =	wrdreg $0xA2000  }
0xb1: {  	[dreg:$0x5] =	wrdreg $0xA  }
0xb2: {  	_ =	task.clear_ibuf [dreg:s6], $0x6FFFF;
	_ =	strace $0x90000046  }
0xb3: {  	s29 =	simm.s32 $0xA;
	_ =	strace $0x80000048  }
0xb4: {  	_ =	swait.ge [sflag:s29], $0x1  }
0xb5: {  	[sflag:s29] =	ssyncadd.s32 $0xFFFFFFFF  }
0xb6: {  	_ =	strace $0x90000048  }
0xb7: {  	_ =	sfence  }
0xb8: {  	s30 =	sld [smem:$0x0];
	_ =	sdelay $0x2  }
0xb9: {  	s31 =	sshll.u32 s1, $0xD;
	s1 =	sshrl.u32 s1, $0x2  }
0xba: {  	s3 =	sand.u32 $0x4000, s31;
	s1 =	sadd.s32 s1, s30  }
0xbb: {  	s0 =	sor.u32 s3, s0;
	s1 =	sshll.u32 s1, $0x11  }
0xbc: {  	s0 =	sor.u32 s1, s0  }
0xbd: {  	s0 =	sadd.s32 $0x8F2B, s0  }
0xbe: {  	[sflag:s0] =	ssyncadd.remote.s32 $0x1  }
0xbf: {  	_ =	sfence.sel $0xFFFF  }
0xc0: {  	[dreg:$0x0] =	wrdreg $0xFFFFFFFF;
	(pc) =	sbr.abs _section_cstart, $3  }
0xc1: {  	[dreg:$0x1] =	wrdreg $0xFFFFFFFF  }
0xc2: {  	_ =	task.clear_ibuf [dreg:s6], $0x2FFFF;
	_ =	strace $0x9FFFFFFF  }
0xc3: {  	(tm) =	ssettm $0x7FFFFFFF  }
tec
execute0_lowered:
.L_overlay_start_1:
0x0: {  	(tag) =	ssettag $0x1  }
0x1: {  	s0 =	rddreg [dreg:$0x0]  }
0x2: {  	s1 =	rddreg [dreg:$0x1]  }
0x3: {  	s2 =	rddreg [dreg:$0x2]  }
0x4: {  	s4 =	simm.s32 $0x0;
	s16 =	stileid.u32;
	s3 =	srdreg.scid  }
0x5: {  	s28 =	simm.s32 $0x80;
	s29 =	simm.s32 $0x3;
	s30 =	simm.s32 $0x2  }
0x6: {  	s31 =	simm.s32 $0x4;
	[smem:$0x7FF] =	sst s4;
	s6 =	sadd.s32 $0x9C00, s0  }
0x7: {  	s3 =	sand.u32 $0x1, s3;
	s7 =	sand.u32 $0xE, s16;
	s5 =	sadd.s32 $0x199C00, s0  }
0x8: {  	s15 =	sshll.u32 s16, $0x6;
	s10 =	sshll.u32 s16, $0xA;
	s20 =	smul.u32 $0xC80, s16  }
0x9: {  	s13 =	sshll.u32 s16, $0xD;
	s21 =	smul.u32 $0xC800, s16;
	_ =	strace $0x80000047  }
0xa: {  	s8 =	sor.u32 s3, s7;
	s7 =	sadd.s32 $0x3800, s0;
	s9 =	sand.u32 $0x40, s15  }
0xb: {  	s25 =	sshll.u32 s3, $0x4;
	s10 =	sadd.s32 s10, s0;
	s26 =	ssub.s32 $0x2, s3  }
0xc: {  	[dreg:$0x4] =	wrdreg s15;
	s17 =	smul.u32 $0xC800, s3;
	s19 =	sshll.u32 s3, $0xE  }
0xd: {  	s3 =	smul.u32 $0xC8000, s3;
	s8 =	sshll.u32 s8, $0x7;
	s12 =	sshrl.u32 s26, $0x1  }
0xe: {  	s10 =	sadd.s32 s19, s10;
	s8 =	sor.u32 s9, s8;
	s9 =	sor.u32 s16, s25  }
0xf: {  	s12 =	ssub.s32 s26, s12;
	s10 =	sadd.s32 $0x19CE00, s10;
	s22 =	sadd.s32 s20, s17  }
0x10: {  	s23 =	sadd.s32 s3, s6;
	s20 =	simm.s32 $0x5;
	s11 =	smul.u32 $0xC80, s9  }
0x11: {  	s8 =	sshrl.u32 s8, $0x3;
	s14 =	smul.u32 $0xC800, s9;
	s9 =	sadd.s32 s15, s2  }
0x12: {  	[dreg:$0x8] =	wrdreg s10;
	s24 =	sadd.s32 $0x80, s22;
	s25 =	smax.u32 s12, $0x1  }
0x13: {  	s16 =	sadd.s32 s21, s23;
	s17 =	sadd.s32 $0x100, s22;
	s21 =	simm.s32 $0x8000  }
0x14: {  	s22 =	simm.s32 $0x8100;
	s23 =	simm.s32 $0x4000;
	s0 =	sadd.s32 s8, s0  }
0x15: {  	s8 =	sadd.s32 s13, s1;
	[dreg:$0xa] =	wrdreg s25;
	s26 =	sshrl.u32 s24, $0x3  }
0x16: {  	s24 =	simm.s32 $0x8080;
	s25 =	simm.s32 $0x8180;
	s15 =	sadd.s32 s6, s14  }
0x17: {  	s11 =	sshrl.u32 s11, $0x3;
	s0 =	sadd.s32 $0x1A4E00, s0;
	[dreg:$0x5] =	wrdreg s15  }
0x18: {  	s19 =	sadd.s32 s26, s5;
	s18 =	sadd.s32 s5, s11;
	[dreg:$0x9] =	wrdreg s0  }
0x19: {  	s11 =	sadd.s32 s7, s11;
	s0 =	simm.s32 $0x0;
	[dreg:$0x6] =	wrdreg s18  }
0x1a: {  	v0 =	vimm.f32 $0.0e+00;
	[dreg:$0x7] =	wrdreg s11;
	s18 =	sadd.s32 s26, s7;
	s26 =	simm.s32 $0x1  }
.LBB2_1:
0x1b: {  	s3 =	simm.s32 $0x0;
	s6 =	simm.s32 $0x200  }
.LBB2_2:
0x1c: {  	p0 =	sne.s32 s6, $0xFE00;
	[tilespmem:s3+$0x70] =	vst v0  }
0x1d: {  	[tilespmem:s3+$0x0] =	vst v0  }
0x1e: {  	[tilespmem:s3+$0x10] =	vst v0  }
.Ltmp0:
0x1f: {  	[tilespmem:s3+$0x20] =	vst v0;
	(pc) =	sbr.rel @p0 .LBB2_2-.Ltmp0, $4  }
0x20: {  	[tilespmem:s3+$0x30] =	vst v0  }
0x21: {  	[tilespmem:s3+$0x40] =	vst v0  }
0x22: {  	[tilespmem:s3+$0x50] =	vst v0  }
0x23: {  	[tilespmem:s3+$0x60] =	vst v0;
	s3 =	sshra.s32 s6, $0x2;
	s6 =	sadd.s32 $0x200, s6  }
0x24: {  	[tilespmem:s3+$0x70] =	vst v0  }
0x25: {  	[tilespmem:s3+$0x0] =	vst v0  }
0x26: {  	[tilespmem:s3+$0x10] =	vst v0  }
0x27: {  	[tilespmem:s3+$0x20] =	vst v0  }
0x28: {  	[tilespmem:s3+$0x30] =	vst v0  }
0x29: {  	[tilespmem:s3+$0x40] =	vst v0  }
0x2a: {  	[tilespmem:s3+$0x50] =	vst v0  }
0x2b: {  	[tilespmem:s3+$0x60] =	vst v0  }
0x2c: {  	[tilespmem:$0x8000] =	vst v0  }
0x2d: {  	[tilespmem:$0x8010] =	vst v0  }
0x2e: {  	[tilespmem:$0x8020] =	vst v0  }
0x2f: {  	[tilespmem:$0x8030] =	vst v0  }
0x30: {  	[tilespmem:$0x8040] =	vst v0  }
0x31: {  	[tilespmem:$0x8050] =	vst v0  }
0x32: {  	[tilespmem:$0x8060] =	vst v0  }
0x33: {  	s14 =	simm.s32 $0x0;
	[tilespmem:$0x8070] =	vst v0  }
0x34: {  	[spmem:s8] =	stream.linear.scatter [tilespmem:s14], [sflag:$0x5], $0x2000, $0x38;
	[tilespmem:$0xA240] =	vst v63  }
0x35: {  	_ =	swait.ge [sflag:s20], $0x2000  }
0x36: {  	[sflag:s20] =	ssyncset.done $0x0  }
0x37: {  	[sflag:s20] =	ssyncadd.s32 $0xFFFFE000  }
0x38: {  	[spmem:s9] =	stream.linear.scatter [tilespmem:s21], [sflag:$0x5], $0x40, $0x38;
	[tilespmem:$0xA240] =	vst v63  }
0x39: {  	_ =	swait.ge [sflag:s20], $0x40  }
0x3a: {  	[sflag:s20] =	ssyncset.done $0x0  }
0x3b: {  	[sflag:s20] =	ssyncadd.s32 $0xFFFFFFC0  }
0x3c: {  	[bflag:$0x0] =	sbarrier.arrive $0xFFFF  }
0x3d: {  	s6 =	rddreg [dreg:$0x5]  }
0x3e: {  	[tilespmem:s14], [sflag:$0x1] =	stream.linear.gather [hbm4b:s6+s14], $0x4000, $0x38;
	[tilespmem:$0xA240] =	vst v63  }
0x3f: {  	s15 =	rddreg [dreg:$0x6]  }
0x40: {  	[tilespmem:s21], [sflag:$0x1] =	stream.linear.gather [hbm4b:s15+s14], $0x80, $0x38;
	[tilespmem:$0xA240] =	vst v63  }
0x41: {  	s11 =	sadd.s32 $0x0, s16;
	s10 =	rddreg [dreg:$0x7]  }
0x42: {  	[tilespmem:s22], [sflag:$0x1] =	stream.linear.gather [hbm4b:s10+s14], $0x80, $0x38;
	[tilespmem:$0xA240] =	vst v63  }
0x43: {  	s12 =	sadd.s32 $0x800, s11  }
0x44: {  	[tilespmem:s23], [sflag:$0x2] =	stream.linear.gather [hbm4b:s12+s4], $0x4000, $0x38;
	[tilespmem:$0xA240] =	vst v63  }
0x45: {  	_ = 	snop  }
0x46: {  	[tilespmem:s24], [sflag:$0x2] =	stream.linear.gather [hbm4b:s19+s4], $0x80, $0x38;
	[tilespmem:$0xA240] =	vst v63  }
0x47: {  	_ = 	snop  }
0x48: {  	[tilespmem:s25], [sflag:$0x2] =	stream.linear.gather [hbm4b:s18+s4], $0x80, $0x38;
	[tilespmem:$0xA240] =	vst v63  }
0x49: {  	_ =	swait.ge [sflag:s26], $0x4000  }
0x4a: {  	[sflag:s26] =	ssyncset.done $0x0  }
0x4b: {  	[sflag:s26] =	ssyncadd.s32 $0xFFFFC000  }
0x4c: {  	_ =	swait.ge [sflag:s26], $0x80  }
0x4d: {  	[sflag:s26] =	ssyncset.done $0x0  }
0x4e: {  	[sflag:s26] =	ssyncadd.s32 $0xFFFFFF80  }
0x4f: {  	_ =	swait.ge [sflag:s26], $0x80  }
0x50: {  	[sflag:s26] =	ssyncset.done $0x0  }
0x51: {  	[sflag:s26] =	ssyncadd.s32 $0xFFFFFF80  }
0x52: {  	[spmem:s2] =	stream.indirect.scatter.add.f32 [tilespmem:s21], [sflag:$0x3], $0x1, s22, s28, $0xb8;
	[tilespmem:$0xA240] =	vst v63  }
0x53: {  	_ = 	snop  }
0x54: {  	[spmem:s1] =	stream.indirect.scatter.add.f32 [tilespmem:s4], [sflag:$0x5], $0x80, s22, s28, $0xb8;
	[tilespmem:$0xA240] =	vst v63  }
0x55: {  	_ =	swait.ge [sflag:s20], $0x4000  }
0x56: {  	[sflag:s20] =	ssyncset.done $0x0  }
0x57: {  	[sflag:s20] =	ssyncadd.s32 $0xFFFFC000  }
0x58: {  	_ =	swait.ge [sflag:s29], $0x80  }
0x59: {  	[sflag:s29] =	ssyncset.done $0x0  }
0x5a: {  	s13 =	sshrl.u32 s17, $0x3;
	s3 =	sadd.s32 $0x1000, s11;
	[sflag:s29] =	ssyncadd.s32 $0xFFFFFF80  }
0x5b: {  	[tilespmem:s4], [sflag:$0x1] =	stream.linear.gather [hbm4b:s3+s4], $0x4000, $0x38;
	[tilespmem:$0xA240] =	vst v63  }
0x5c: {  	s14 =	sadd.s32 s5, s13  }
0x5d: {  	[tilespmem:s21], [sflag:$0x1] =	stream.linear.gather [hbm4b:s14+s4], $0x80, $0x38;
	[tilespmem:$0xA240] =	vst v63  }
0x5e: {  	s15 =	sadd.s32 s7, s13  }
0x5f: {  	[tilespmem:s22], [sflag:$0x1] =	stream.linear.gather [hbm4b:s15+s4], $0x80, $0x38;
	[tilespmem:$0xA240] =	vst v63  }
0x60: {  	_ =	swait.ge [sflag:s30], $0x4000  }
0x61: {  	[sflag:s30] =	ssyncset.done $0x0  }
0x62: {  	[sflag:s30] =	ssyncadd.s32 $0xFFFFC000  }
0x63: {  	_ =	swait.ge [sflag:s30], $0x80  }
0x64: {  	[sflag:s30] =	ssyncset.done $0x0  }
0x65: {  	[sflag:s30] =	ssyncadd.s32 $0xFFFFFF80  }
0x66: {  	_ =	swait.ge [sflag:s30], $0x80  }
0x67: {  	[sflag:s30] =	ssyncset.done $0x0  }
0x68: {  	[sflag:s30] =	ssyncadd.s32 $0xFFFFFF80  }
0x69: {  	[spmem:s2] =	stream.indirect.scatter.add.f32 [tilespmem:s24], [sflag:$0x4], $0x1, s25, s28, $0xb8;
	[tilespmem:$0xA240] =	vst v63  }
0x6a: {  	_ = 	snop  }
0x6b: {  	[spmem:s1] =	stream.indirect.scatter.add.f32 [tilespmem:s23], [sflag:$0x5], $0x80, s25, s28, $0xb8;
	[tilespmem:$0xA240] =	vst v63  }
0x6c: {  	_ =	swait.ge [sflag:s20], $0x4000  }
0x6d: {  	[sflag:s20] =	ssyncset.done $0x0  }
0x6e: {  	s11 =	simm.s32 $0x2000;
	[sflag:s20] =	ssyncadd.s32 $0xFFFFC000  }
0x6f: {  	s6 =	sadd.s32 $0x20, s19;
	s10 =	sadd.s32 $0x20, s18;
	_ =	swait.ge [sflag:s31], $0x80  }
0x70: {  	s13 =	sadd.s32 $0x1000, s16;
	s3 =	sadd.s32 $0x100, s17;
	[sflag:s31] =	ssyncset.done $0x0  }
.LBB2_4:
0x71: {  	s15 =	sadd.s32 $0x800, s13  }
0x72: {  	[sflag:s31] =	ssyncadd.s32 $0xFFFFFF80;
	s12 =	smov.u32 s11;
	s14 =	sadd.s32 $0x1000, s11  }
0x73: {  	[tilespmem:s23], [sflag:$0x2] =	stream.linear.gather [hbm4b:s15+s4], $0x4000, $0x38;
	[tilespmem:$0xA240] =	vst v63  }
0x74: {  	p0 =	sne.s32 s11, $0xB000  }
0x75: {  	[tilespmem:s24], [sflag:$0x2] =	stream.linear.gather [hbm4b:s6+s4], $0x80, $0x38;
	[tilespmem:$0xA240] =	vst v63  }
0x76: {  	_ = 	snop  }
0x77: {  	[tilespmem:s25], [sflag:$0x2] =	stream.linear.gather [hbm4b:s10+s4], $0x80, $0x38;
	[tilespmem:$0xA240] =	vst v63  }
0x78: {  	_ =	swait.ge [sflag:s26], $0x4000  }
0x79: {  	[sflag:s26] =	ssyncset.done $0x0  }
0x7a: {  	[sflag:s26] =	ssyncadd.s32 $0xFFFFC000  }
0x7b: {  	_ =	swait.ge [sflag:s26], $0x80  }
0x7c: {  	[sflag:s26] =	ssyncset.done $0x0  }
0x7d: {  	[sflag:s26] =	ssyncadd.s32 $0xFFFFFF80  }
0x7e: {  	_ =	swait.ge [sflag:s26], $0x80  }
0x7f: {  	[sflag:s26] =	ssyncset.done $0x0  }
0x80: {  	[sflag:s26] =	ssyncadd.s32 $0xFFFFFF80  }
0x81: {  	[spmem:s2] =	stream.indirect.scatter.add.f32 [tilespmem:s21], [sflag:$0x3], $0x1, s22, s28, $0xb8;
	[tilespmem:$0xA240] =	vst v63  }
0x82: {  	_ = 	snop  }
0x83: {  	[spmem:s1] =	stream.indirect.scatter.add.f32 [tilespmem:s4], [sflag:$0x5], $0x80, s22, s28, $0xb8;
	[tilespmem:$0xA240] =	vst v63  }
0x84: {  	_ =	swait.ge [sflag:s20], $0x4000  }
0x85: {  	[sflag:s20] =	ssyncset.done $0x0  }
0x86: {  	[sflag:s20] =	ssyncadd.s32 $0xFFFFC000  }
0x87: {  	_ =	swait.ge [sflag:s29], $0x80  }
0x88: {  	[sflag:s29] =	ssyncset.done $0x0  }
0x89: {  	s11 =	sadd.s32 $0x1000, s13;
	s13 =	sshrl.u32 s3, $0x3;
	[sflag:s29] =	ssyncadd.s32 $0xFFFFFF80  }
0x8a: {  	[tilespmem:s4], [sflag:$0x1] =	stream.linear.gather [hbm4b:s11+s4], $0x4000, $0x38;
	[tilespmem:$0xA240] =	vst v63  }
0x8b: {  	s11 =	sadd.s32 s5, s13  }
0x8c: {  	[tilespmem:s21], [sflag:$0x1] =	stream.linear.gather [hbm4b:s11+s4], $0x80, $0x38;
	[tilespmem:$0xA240] =	vst v63  }
0x8d: {  	s11 =	sadd.s32 s7, s13  }
0x8e: {  	[tilespmem:s22], [sflag:$0x1] =	stream.linear.gather [hbm4b:s11+s4], $0x80, $0x38;
	[tilespmem:$0xA240] =	vst v63  }
0x8f: {  	_ =	swait.ge [sflag:s30], $0x4000  }
0x90: {  	[sflag:s30] =	ssyncset.done $0x0  }
0x91: {  	[sflag:s30] =	ssyncadd.s32 $0xFFFFC000  }
0x92: {  	_ =	swait.ge [sflag:s30], $0x80  }
0x93: {  	[sflag:s30] =	ssyncset.done $0x0  }
0x94: {  	[sflag:s30] =	ssyncadd.s32 $0xFFFFFF80  }
0x95: {  	_ =	swait.ge [sflag:s30], $0x80  }
0x96: {  	[sflag:s30] =	ssyncset.done $0x0  }
0x97: {  	[sflag:s30] =	ssyncadd.s32 $0xFFFFFF80  }
0x98: {  	[spmem:s2] =	stream.indirect.scatter.add.f32 [tilespmem:s24], [sflag:$0x4], $0x1, s25, s28, $0xb8;
	[tilespmem:$0xA240] =	vst v63  }
0x99: {  	_ = 	snop  }
0x9a: {  	[spmem:s1] =	stream.indirect.scatter.add.f32 [tilespmem:s23], [sflag:$0x5], $0x80, s25, s28, $0xb8;
	[tilespmem:$0xA240] =	vst v63  }
.Ltmp1:
0x9b: {  	_ =	swait.ge [sflag:s20], $0x4000;
	(pc) =	sbr.rel @p0 .LBB2_4-.Ltmp1, $4  }
0x9c: {  	[sflag:s20] =	ssyncset.done $0x0  }
0x9d: {  	s3 =	sadd.s32 $0x100, s3;
	[sflag:s20] =	ssyncadd.s32 $0xFFFFC000  }
0x9e: {  	s6 =	sadd.s32 $0x20, s6;
	s10 =	sadd.s32 $0x20, s10;
	_ =	swait.ge [sflag:s31], $0x80  }
0x9f: {  	s13 =	sadd.s32 s12, s16;
	s11 =	smov.u32 s14;
	[sflag:s31] =	ssyncset.done $0x0  }
0xa0: {  	s11 =	sadd.s32 $0x800, s13;
	[sflag:s31] =	ssyncadd.s32 $0xFFFFFF80  }
0xa1: {  	[tilespmem:s23], [sflag:$0x2] =	stream.linear.gather [hbm4b:s11+s4], $0x4000, $0x38;
	[tilespmem:$0xA240] =	vst v63  }
0xa2: {  	_ = 	snop  }
0xa3: {  	[tilespmem:s24], [sflag:$0x2] =	stream.linear.gather [hbm4b:s6+s4], $0x80, $0x38;
	[tilespmem:$0xA240] =	vst v63  }
0xa4: {  	_ = 	snop  }
0xa5: {  	[tilespmem:s25], [sflag:$0x2] =	stream.linear.gather [hbm4b:s10+s4], $0x80, $0x38;
	[tilespmem:$0xA240] =	vst v63  }
0xa6: {  	_ =	swait.ge [sflag:s26], $0x4000  }
0xa7: {  	[sflag:s26] =	ssyncset.done $0x0  }
0xa8: {  	[sflag:s26] =	ssyncadd.s32 $0xFFFFC000  }
0xa9: {  	_ =	swait.ge [sflag:s26], $0x80  }
0xaa: {  	[sflag:s26] =	ssyncset.done $0x0  }
0xab: {  	[sflag:s26] =	ssyncadd.s32 $0xFFFFFF80  }
0xac: {  	_ =	swait.ge [sflag:s26], $0x80  }
0xad: {  	[sflag:s26] =	ssyncset.done $0x0  }
0xae: {  	[sflag:s26] =	ssyncadd.s32 $0xFFFFFF80  }
0xaf: {  	[spmem:s2] =	stream.indirect.scatter.add.f32 [tilespmem:s21], [sflag:$0x3], $0x1, s22, s28, $0xb8;
	[tilespmem:$0xA240] =	vst v63  }
0xb0: {  	_ = 	snop  }
0xb1: {  	[spmem:s1] =	stream.indirect.scatter.add.f32 [tilespmem:s4], [sflag:$0x5], $0x80, s22, s28, $0xb8;
	[tilespmem:$0xA240] =	vst v63  }
0xb2: {  	_ =	swait.ge [sflag:s20], $0x4000  }
0xb3: {  	[sflag:s20] =	ssyncset.done $0x0  }
0xb4: {  	[sflag:s20] =	ssyncadd.s32 $0xFFFFC000  }
0xb5: {  	_ =	swait.ge [sflag:s29], $0x80  }
0xb6: {  	[sflag:s29] =	ssyncset.done $0x0  }
0xb7: {  	s15 =	sadd.s32 $0x1000, s13;
	s3 =	sshrl.u32 s3, $0x3;
	[sflag:s29] =	ssyncadd.s32 $0xFFFFFF80  }
0xb8: {  	[tilespmem:s4], [sflag:$0x1] =	stream.linear.gather [hbm4b:s15+s4], $0x4000, $0x38;
	[tilespmem:$0xA240] =	vst v63  }
0xb9: {  	s10 =	sadd.s32 s5, s3  }
0xba: {  	[tilespmem:s21], [sflag:$0x1] =	stream.linear.gather [hbm4b:s10+s4], $0x80, $0x38;
	[tilespmem:$0xA240] =	vst v63  }
0xbb: {  	s3 =	sadd.s32 s7, s3  }
0xbc: {  	[tilespmem:s22], [sflag:$0x1] =	stream.linear.gather [hbm4b:s3+s4], $0x80, $0x38;
	[tilespmem:$0xA240] =	vst v63  }
0xbd: {  	_ =	swait.ge [sflag:s30], $0x4000  }
0xbe: {  	[sflag:s30] =	ssyncset.done $0x0  }
0xbf: {  	[sflag:s30] =	ssyncadd.s32 $0xFFFFC000  }
0xc0: {  	_ =	swait.ge [sflag:s30], $0x80  }
0xc1: {  	[sflag:s30] =	ssyncset.done $0x0  }
0xc2: {  	[sflag:s30] =	ssyncadd.s32 $0xFFFFFF80  }
0xc3: {  	_ =	swait.ge [sflag:s30], $0x80  }
0xc4: {  	[sflag:s30] =	ssyncset.done $0x0  }
0xc5: {  	[sflag:s30] =	ssyncadd.s32 $0xFFFFFF80  }
0xc6: {  	[spmem:s2] =	stream.indirect.scatter.add.f32 [tilespmem:s24], [sflag:$0x4], $0x1, s25, s28, $0xb8;
	[tilespmem:$0xA240] =	vst v63  }
0xc7: {  	_ = 	snop  }
0xc8: {  	[spmem:s1] =	stream.indirect.scatter.add.f32 [tilespmem:s23], [sflag:$0x5], $0x80, s25, s28, $0xb8;
	[tilespmem:$0xA240] =	vst v63  }
0xc9: {  	_ =	swait.ge [sflag:s20], $0x4000  }
0xca: {  	[sflag:s20] =	ssyncset.done $0x0  }
0xcb: {  	[sflag:s20] =	ssyncadd.s32 $0xFFFFC000  }
0xcc: {  	_ =	swait.ge [sflag:s31], $0x80  }
0xcd: {  	[sflag:s31] =	ssyncset.done $0x0  }
0xce: {  	[sflag:s31] =	ssyncadd.s32 $0xFFFFFF80  }
0xcf: {  	_ =	swait.ge [sflag:s26], $0x4000  }
0xd0: {  	[sflag:s26] =	ssyncset.done $0x0  }
0xd1: {  	[sflag:s26] =	ssyncadd.s32 $0xFFFFC000  }
0xd2: {  	_ =	swait.ge [sflag:s26], $0x80  }
0xd3: {  	[sflag:s26] =	ssyncset.done $0x0  }
0xd4: {  	[sflag:s26] =	ssyncadd.s32 $0xFFFFFF80  }
0xd5: {  	_ =	swait.ge [sflag:s26], $0x80  }
0xd6: {  	[sflag:s26] =	ssyncset.done $0x0  }
0xd7: {  	[sflag:s26] =	ssyncadd.s32 $0xFFFFFF80  }
0xd8: {  	[spmem:s2] =	stream.indirect.scatter.add.f32 [tilespmem:s21], [sflag:$0x3], $0x1, s22, s28, $0xb8;
	[tilespmem:$0xA240] =	vst v63  }
0xd9: {  	_ = 	snop  }
0xda: {  	[spmem:s1] =	stream.indirect.scatter.add.f32 [tilespmem:s4], [sflag:$0x5], $0x80, s22, s28, $0xb8;
	[tilespmem:$0xA240] =	vst v63  }
0xdb: {  	_ =	swait.ge [sflag:s20], $0x4000  }
0xdc: {  	[sflag:s20] =	ssyncset.done $0x0  }
0xdd: {  	[sflag:s20] =	ssyncadd.s32 $0xFFFFC000  }
0xde: {  	_ =	swait.ge [sflag:s29], $0x80  }
0xdf: {  	[sflag:s29] =	ssyncset.done $0x0  }
0xe0: {  	[sflag:s29] =	ssyncadd.s32 $0xFFFFFF80  }
0xe1: {  	[bflag:$0x0] =	sbarrier.arrive $0xFFFF  }
0xe2: {  	s11 =	rddreg [dreg:$0x4]  }
0xe3: {  	s12 =	sshrl.u32 s8, $0x3;
	s13 =	rddreg [dreg:$0x8];
	s3 =	sor.u32 $0x1C05, s11  }
0xe4: {  	[hbm:s13], [sflag:s3] =	dma.local [spmem:s12], $0x400  }
0xe5: {  	_ =	swait.ge [sflag:s20], $0x400  }
0xe6: {  	[sflag:s20] =	ssyncset.done $0x0  }
0xe7: {  	[sflag:s20] =	ssyncadd.s32 $0xFFFFFC00  }
0xe8: {  	[tilespmem:s21], [sflag:$0x5] =	stream.linear.gather [spmem:s9], $0x40, $0x38;
	[tilespmem:$0xA240] =	vst v63  }
0xe9: {  	_ =	swait.ge [sflag:s20], $0x40  }
0xea: {  	[sflag:s20] =	ssyncset.done $0x0  }
0xeb: {  	s14 =	rddreg [dreg:$0x9];
	[sflag:s20] =	ssyncadd.s32 $0xFFFFFFC0  }
0xec: {  	[hbm4b:s14+s4] =	stream.linear.scatter [tilespmem:s21], [sflag:$0x5], $0x40, $0x38;
	[tilespmem:$0xA240] =	vst v63  }
0xed: {  	_ =	swait.ge [sflag:s20], $0x40  }
0xee: {  	s0 =	sadd.s32 $0x1, s0;
	s15 =	rddreg [dreg:$0xa]  }
0xef: {  	p0 =	sne.s32 s0, s15  }
.Ltmp2:
0xf0: {  	_ = 	snop;
	(pc) =	sbr.rel @p0 .LBB2_1-.Ltmp2, $3  }
0xf1: {  	_ =	sdelay $0x1  }
0xf2: {  	[sflag:s20] =	ssyncset.done $0x0  }
0xf3: {  	[sflag:s20] =	ssyncadd.s32 $0xFFFFFFC0  }
0xf4: {  	_ =	sfence.sel $0x180000  }
0xf5: {  	[bflag:$0x0] =	sbarrier.arrive $0xFFFF  }
0xf6: {  	_ =	strace $0x90000047  }
0xf7: {  	s0 =	stileid.u32;
	[bflag:$0x2] =	sbarrier.arrive $0xFFFF  }
0xf8: {  	p0 =	sne.s32 s0, $0x0;
	s0 =	rddreg [dreg:$0x3]  }
0xf9: {  	s0 =	sadd.s32 @!p0 $0x100000, s0  }
0xfa: {  	[sflag:s0] =	ssyncadd.tile.s32 @!p0 $0x1;
	_ =	shalt  }
.Lfunc_end2:
_tile_overlayer_lowered:
.L_overlay_start_2:
0xfb: {  	(tag) =	ssettag $0x2  }
0xfc: {  	s0 =	rddreg [dreg:$0x0];
	s2 =	stileid.u32  }
0xfd: {  	s1 =	rddreg [dreg:$0x1];
	p0 =	sne.s32 s2, $0x0  }
0xfe: {  	s3 =	rddreg [dreg:$0x2];
	[bflag:$0x3] =	sbarrier.arrive $0xFFFF;
	s2 =	simm.s32 @!p0 $0x1C05  }
0xff: {  	[timem:s3], [sflag:s2] =	dma.local @!p0 [hbm:s0], s1  }
0x100: {  	s0 =	simm.s32 @!p0 $0x5  }
0x101: {  	_ =	swait.ge @!p0 [sflag:s0], s1  }
0x102: {  	s1 =	ssub.s32 @!p0 $0x0, s1;
	[sflag:s0] =	ssyncset.done @!p0 $0x0  }
0x103: {  	[sflag:s0] =	ssyncadd.s32 @!p0 s1  }
0x104: {  	[bflag:$0x3] =	sbarrier.arrive $0xFFFF  }
0x105: {  	_ =	shalt  }

// kernel: kernel.15.cloned.1.call-start
scs
__scs_entry_jumppad:
0x0: {  	(pc) =	sbr.rel $0x88, $3  }
0x1: {  	(tag) =	ssettag $0x0;
	lr =	simm.s32 $0x1  }
0x2: {  	[smem:$0x3F9B] =	sst lr;
	_ =	strace $0xD0000000  }
0x3: {  	_ = 	snop  }
0x4: {  	_ = 	snop  }
0x5: {  	_ = 	snop  }
0x6: {  	_ = 	snop  }
0x7: {  	_ = 	snop  }
__scs_overlays_trampoline_lowered:
0x8: {  	[smem:$0x3FAA] =	sst s0  }
0x9: {  	[smem:$0x3FAB] =	sst s1  }
0xa: {  	[smem:$0x3FAC] =	sst s2  }
0xb: {  	[smem:$0x3FAD] =	sst s3  }
0xc: {  	[smem:$0x3FAE] =	sst s4  }
0xd: {  	[smem:$0x3FAF] =	sst s5  }
0xe: {  	[smem:$0x3FB0] =	sst s6  }
0xf: {  	[smem:$0x3FB1] =	sst s7  }
0x10: {  	[smem:$0x3FB2] =	sst s8  }
0x11: {  	[smem:$0x3FB3] =	sst s9;
	s0 =	simm.s32 @!p0 $0x0  }
0x12: {  	s1 =	sld [smem:$0x3F99];
	s0 =	simm.s32 @p0 $0x1  }
0x13: {  	[smem:$0x3FB4] =	sst s0;
	s0 =	simm.s32 @!p1 $0x0  }
0x14: {  	s2 =	sld [smem:$0x3F98];
	s0 =	simm.s32 @p1 $0x1  }
0x15: {  	[smem:$0x3FB5] =	sst s0;
	s0 =	simm.s32 @!p2 $0x0  }
0x16: {  	s3 =	sld [smem:$0x3FDB];
	s0 =	simm.s32 @p2 $0x1  }
0x17: {  	s4 =	simm.s32 $0x1BF5;
	[smem:$0x3FB7] =	sst s0  }
0x18: {  	s0 =	sld [smem:$0x3F9A];
	_ =	swait.ge [sflag:s4], $0x0  }
0x19: {  	s7 =	sld [smem:$0x3F9B]  }
0x1a: {  	s8 =	sadd.s32 $0xFFFFE003, lr  }
0x1b: {  	s9 =	sadd.s32 $0xFFFFFEF7, lr;
	s5 =	simm.s32 $0xFFFFFFFF;
	p2 =	slt.u32 s8, $0xFFFFF086  }
0x1c: {  	p1 =	slt.u32 s9, $0xF7A;
	s5 =	simm.s32 @!p2 $0x0  }
0x1d: {  	s5 =	simm.s32 @p1 $0x1;
	p0 =	seq.s32 s7, s2  }
0x1e: {  	s7 =	smul.u32 @!p0 $0xF7A, s2;
	p2 =	seq.s32 @!p0 s5, $0x0  }
0x1f: {  	s9 =	smul.u32 $0xF7A, s1;
	s8 =	simm.s32 @!p0 $0x1BF5;
	p2 =	por !p2, p0  }
0x20: {  	[sflag:s8] =	ssyncset.s32 @!p0 $0xFFFFF086;
	s6 =	sadd.s32 @!p0 s3, s7;
	s7 =	simm.s32 @!p0 $0x108  }
0x21: {  	s3 =	sadd.s32 s3, s9;
	s6 =	sadd.s32 @!p0 $0x88, s6;
	s7 =	simm.s32 @p2 $0x1082  }
0x22: {  	[simem:s7], [sflag:s8] =	dma.local @!p0 [hbm:s6], $0xF7A  }
0x23: {  	s9 =	sor.u32 $0xD0000000, s2;
	s6 =	simm.s32 $0x108;
	_ =	swait.ge @!p0 [sflag:s8], $0x0  }
0x24: {  	s3 =	sadd.s32 $0x88, s3;
	s6 =	simm.s32 @!p1 $0x1082;
	[sflag:s4] =	ssyncset.s32 $0xFFFFF086  }
0x25: {  	[simem:s6], [sflag:s4] =	dma.local [hbm:s3], $0xF7A  }
0x26: {  	[smem:$0x3F9B] =	sst s1;
	(tag) =	ssettag s2;
	_ =	strace s9  }
0x27: {  	s1 =	sld [smem:$0x3FAB]  }
0x28: {  	s2 =	sld [smem:$0x3FAC]  }
0x29: {  	s4 =	sld [smem:$0x3FAE]  }
0x2a: {  	p0 =	seq.s32 s5, $0x0;
	s5 =	sld [smem:$0x3FAF]  }
0x2b: {  	s6 =	sld [smem:$0x3FB0]  }
0x2c: {  	s7 =	sld [smem:$0x3FB1]  }
0x2d: {  	s3 =	simm.s32 $0x108;
	s8 =	sld [smem:$0x3FB2]  }
0x2e: {  	s3 =	simm.s32 @!p0 $0x1082;
	s9 =	sld [smem:$0x3FB3]  }
0x2f: {  	lr =	sadd.s32 s0, s3;
	s0 =	sld [smem:$0x3FAA]  }
0x30: {  	s3 =	sld [smem:$0x3FAD]  }
0x31: {  	[smem:$0x3FB6] =	sst s10  }
0x32: {  	s10 =	sld [smem:$0x3FB4];
	_ =	sdelay $0x3  }
0x33: {  	p0 =	seq.s32 s10, $0x1;
	s10 =	sld [smem:$0x3FB6];
	_ =	sdelay $0x3  }
0x34: {  	[smem:$0x3FB6] =	sst s10  }
0x35: {  	s10 =	sld [smem:$0x3FB5];
	_ =	sdelay $0x3  }
0x36: {  	p1 =	seq.s32 s10, $0x1;
	s10 =	sld [smem:$0x3FB6];
	_ =	sdelay $0x3  }
0x37: {  	[smem:$0x3FB6] =	sst s10  }
0x38: {  	s10 =	sld [smem:$0x3FB7]  }
0x39: {  	_ = 	snop;
	(pc) =	sbr.ind lr, $3  }
0x3a: {  	_ = 	snop  }
0x3b: {  	_ = 	snop  }
0x3c: {  	p2 =	seq.s32 s10, $0x1;
	s10 =	sld [smem:$0x3FB6]  }
0x3d: {  	_ =	shalt  }
0x3e: {  	_ =	shalt  }
0x3f: {  	_ =	shalt  }
0x40: {  	_ =	shalt  }
0x41: {  	_ =	shalt  }
0x42: {  	_ =	shalt  }
0x43: {  	_ =	shalt  }
0x44: {  	_ =	shalt  }
0x45: {  	_ =	shalt  }
0x46: {  	_ =	shalt  }
0x47: {  	_ =	shalt  }
0x48: {  	_ =	shalt  }
0x49: {  	_ =	shalt  }
0x4a: {  	_ =	shalt  }
0x4b: {  	_ =	shalt  }
0x4c: {  	_ =	shalt  }
0x4d: {  	_ =	shalt  }
0x4e: {  	_ =	shalt  }
0x4f: {  	_ =	shalt  }
0x50: {  	_ =	shalt  }
0x51: {  	_ =	shalt  }
0x52: {  	_ =	shalt  }
0x53: {  	_ =	shalt  }
0x54: {  	_ =	shalt  }
0x55: {  	_ =	shalt  }
0x56: {  	_ =	shalt  }
0x57: {  	_ =	shalt  }
0x58: {  	_ =	shalt  }
0x59: {  	_ =	shalt  }
0x5a: {  	_ =	shalt  }
0x5b: {  	_ =	shalt  }
0x5c: {  	_ =	shalt  }
0x5d: {  	_ =	shalt  }
0x5e: {  	_ =	shalt  }
0x5f: {  	_ =	shalt  }
0x60: {  	_ =	shalt  }
0x61: {  	_ =	shalt  }
0x62: {  	_ =	shalt  }
0x63: {  	_ =	shalt  }
0x64: {  	_ =	shalt  }
0x65: {  	_ =	shalt  }
0x66: {  	_ =	shalt  }
0x67: {  	_ =	shalt  }
0x68: {  	_ =	shalt  }
0x69: {  	_ =	shalt  }
0x6a: {  	_ =	shalt  }
0x6b: {  	_ =	shalt  }
0x6c: {  	_ =	shalt  }
0x6d: {  	_ =	shalt  }
0x6e: {  	_ =	shalt  }
0x6f: {  	_ =	shalt  }
0x70: {  	_ =	shalt  }
0x71: {  	_ =	shalt  }
0x72: {  	_ =	shalt  }
0x73: {  	_ =	shalt  }
0x74: {  	_ =	shalt  }
0x75: {  	_ =	shalt  }
0x76: {  	_ =	shalt  }
0x77: {  	_ =	shalt  }
0x78: {  	_ =	shalt  }
0x79: {  	_ =	shalt  }
0x7a: {  	_ =	shalt  }
0x7b: {  	_ =	shalt  }
0x7c: {  	_ =	shalt  }
0x7d: {  	_ =	shalt  }
0x7e: {  	_ =	shalt  }
0x7f: {  	_ =	shalt  }
0x80: {  	_ =	shalt  }
0x81: {  	_ =	shalt  }
0x82: {  	_ =	shalt  }
0x83: {  	_ =	shalt  }
0x84: {  	_ =	shalt  }
0x85: {  	_ =	shalt  }
0x86: {  	_ =	shalt  }
0x87: {  	_ =	shalt  }
.Lfunc_end0:
.L_simem_size_0:
called_computation.2_lowered:
.L_overlay_start_0:
0x88: {  	s2 =	sld [smem:$0x3FD9]  }
0x89: {  	s3 =	sld [smem:$0x3FFE];
	_ =	sdelay $0x1  }
0x8a: {  	s1 =	srdreg.scid  }
0x8b: {  	s0 =	sand.u32 $0x1, s1  }
0x8c: {  	s17 =	sshll.u32 s0, $0xA;
	s2 =	sadd.s32 s3, s2  }
0x8d: {  	s2 =	sadd.s32 s2, s17  }
0x8e: {  	[smem:$0x3FC2] =	sst s2  }
0x8f: {  	_ = 	snop  }
0x90: {  	s18 =	sld [smem:$0x3FD0];
	(tm) =	ssettm $0x1  }
0x91: {  	s19 =	sld [smem:$0x3FFB];
	_ =	sdelay $0x3  }
0x92: {  	_ =	strace s19  }
0x93: {  	s2 =	sld [smem:$0x3FFC];
	_ =	sdelay $0x3  }
0x94: {  	_ =	strace s2  }
0x95: {  	s2 =	sld [smem:$0x3FFD];
	_ =	sdelay $0x3  }
0x96: {  	_ =	strace s2  }
0x97: {  	_ =	strace $0x8FFFFFFF  }
0x98: {  	s20 =	sld [smem:$0x3FDB];
	_ =	sdelay $0x1  }
0x99: {  	s4 =	simm.s32 $_scs_section_size  }
0x9a: {  	s5 =	simm.s32 $_size__tile_overlayer_lowered;
	s6 =	simm.s32 $_tile_overlayer_lowered  }
0x9b: {  	s7 =	simm.s32 $0x1BFF;
	s21 =	sshll.u32 s6, $0x1;
	s4 =	sadd.s32 s4, s20  }
0x9c: {  	s22 =	simm.s32 $0x0;
	s5 =	sshll.u32 s5, $0x1;
	s6 =	sadd.s32 s21, s4  }
0x9d: {  	[timem:s22], [sflag:s7] =	dma.local [hbm:s6], s5  }
0x9e: {  	_ =	swait.ge [sflag:s7], s5  }
0x9f: {  	s5 =	ssub.s32 $0x0, s5;
	[sflag:s7] =	ssyncset.done $0x0  }
0xa0: {  	[sflag:s7] =	ssyncadd.s32 s5;
	_ =	sdelay $0x1  }
0xa1: {  	s23 =	simm.s32 $0x1B8B  }
0xa2: {  	_ =	swait.ge [sflag:s23], $0x1  }
0xa3: {  	[sflag:s23] =	ssyncset.done $0x0  }
0xa4: {  	[sflag:s23] =	ssyncadd.s32 $0xFFFFFFFF  }
0xa5: {  	s5 =	sld [smem:$0x0]  }
0xa6: {  	s6 =	sand.u32 $0xFFFFFFFE, s1  }
0xa7: {  	p0 =	sne.s32 s1, s6  }
0xa8: {  	s6 =	sshll.u32 @p0 s6, $0xE  }
0xa9: {  	s6 =	sadd.s32 @p0 $0x11B8D, s6;
	s7 =	sshll.u32 @p0 s5, $0x11  }
0xaa: {  	s6 =	sor.u32 @p0 s7, s6  }
0xab: {  	[sflag:s6] =	ssyncadd.remote.s32 @p0 $0x1;
	_ =	sdelay $0x1  }
0xac: {  	s6 =	simm.s32 @p0 $0x1B8D  }
0xad: {  	_ =	swait.eq @p0 [sflag:s6], $0x1  }
0xae: {  	[sflag:s6] =	ssyncadd.s32 @p0 $0xFFFFFFFF  }
0xaf: {  	s7 =	sshll.u32 @!p0 s1, $0xE  }
0xb0: {  	s7 =	sor.u32 @!p0 $0x4000, s7;
	s6 =	simm.s32 @!p0 $0x1B8D  }
0xb1: {  	s5 =	sshll.u32 @!p0 s5, $0x11;
	s7 =	sadd.s32 @!p0 $0x11B8D, s7;
	_ =	swait.eq @!p0 [sflag:s6], $0x1  }
0xb2: {  	s5 =	sor.u32 @!p0 s5, s7;
	[sflag:s6] =	ssyncadd.s32 @!p0 $0xFFFFFFFF  }
0xb3: {  	s25 =	simm.s32 $0x1B8E;
	s24 =	sld [smem:$0x3FFE];
	[sflag:s5] =	ssyncadd.remote.s32 @!p0 $0x1  }
0xb4: {  	s26 =	simm.s32 $execute0_lowered;
	[smem:$0x3FD2] =	sst s25  }
0xb5: {  	s6 =	sshll.u32 s26, $0x1;
	_ =	strace $0x8000004C;
	[dreg:$0x1] =	wrdreg $0xFFFFFFFF  }
0xb6: {  	s28 =	simm.s32 $_size_execute0_lowered;
	s4 =	sadd.s32 s4, s6;
	[dreg:$0x0] =	wrdreg $0x0  }
0xb7: {  	s6 =	sshll.u32 s28, $0x1;
	[dreg:$0x2] =	wrdreg s4  }
0xb8: {  	[dreg:$0x3] =	wrdreg s6  }
0xb9: {  	[dreg:$0x4] =	wrdreg $0xC0  }
0xba: {  	_ =	task [dreg:s22], $0x5FFFF  }
0xbb: {  	[dreg:$0x1] =	wrdreg $0xFFFFFFFF  }
0xbc: {  	[dreg:$0x0] =	wrdreg $0x60  }
0xbd: {  	[dreg:$0x2] =	wrdreg s24  }
0xbe: {  	[dreg:$0x3] =	wrdreg s18  }
0xbf: {  	[dreg:$0x4] =	wrdreg $0x52000  }
0xc0: {  	[dreg:$0x5] =	wrdreg $0x72000  }
0xc1: {  	[dreg:$0x6] =	wrdreg $0xB  }
0xc2: {  	_ =	task.clear_ibuf [dreg:s22], $0x7FFFF;
	_ =	strace $0x9000004C  }
0xc3: {  	s29 =	simm.s32 $0xB;
	_ =	strace $0x8000004E  }
0xc4: {  	_ =	swait.ge [sflag:s29], $0x1  }
0xc5: {  	[sflag:s29] =	ssyncadd.s32 $0xFFFFFFFF  }
0xc6: {  	_ =	strace $0x9000004E  }
0xc7: {  	_ =	sfence  }
0xc8: {  	s30 =	sld [smem:$0x0];
	_ =	sdelay $0x2  }
0xc9: {  	s31 =	sshll.u32 s1, $0xD;
	s1 =	sshrl.u32 s1, $0x2  }
0xca: {  	s4 =	sand.u32 $0x4000, s31;
	s1 =	sadd.s32 s1, s30  }
0xcb: {  	s0 =	sor.u32 s4, s0;
	s1 =	sshll.u32 s1, $0x11  }
0xcc: {  	s0 =	sor.u32 s1, s0  }
0xcd: {  	s0 =	sadd.s32 $0x8F2B, s0  }
0xce: {  	[sflag:s0] =	ssyncadd.remote.s32 $0x1  }
0xcf: {  	_ =	sfence.sel $0xFFFF  }
0xd0: {  	[dreg:$0x0] =	wrdreg $0xFFFFFFFF;
	(pc) =	sbr.abs _section_cstart, $3  }
0xd1: {  	[dreg:$0x1] =	wrdreg $0xFFFFFFFF  }
0xd2: {  	_ =	task.clear_ibuf [dreg:s22], $0x2FFFF;
	_ =	strace $0x9FFFFFFF  }
0xd3: {  	(tm) =	ssettm $0x7FFFFFFF  }
tec
execute0_lowered:
.L_overlay_start_1:
0x0: {  	(tag) =	ssettag $0x1  }
0x1: {  	s0 =	rddreg [dreg:$0x0]  }
0x2: {  	s1 =	rddreg [dreg:$0x1]  }
0x3: {  	s2 =	rddreg [dreg:$0x2]  }
0x4: {  	s4 =	rddreg [dreg:$0x3];
	s5 =	simm.s32 $0x0;
	s16 =	stileid.u32  }
0x5: {  	s3 =	srdreg.scid;
	s28 =	simm.s32 $0x50;
	s29 =	simm.s32 $0x3  }
0x6: {  	s30 =	simm.s32 $0x2;
	s31 =	simm.s32 $0x4;
	[smem:$0x7FF] =	sst s5  }
0x7: {  	s3 =	sand.u32 $0x1, s3;
	s6 =	sand.u32 $0xE, s16;
	s10 =	sadd.s32 $0x343E00, s0  }
0x8: {  	s15 =	sshll.u32 s16, $0x6;
	s7 =	sadd.s32 $0x340400, s0;
	s21 =	smul.u32 $0xE10, s16  }
0x9: {  	s9 =	sshll.u32 s16, $0xA;
	s13 =	sshll.u32 s16, $0xD;
	s22 =	smul.u32 $0xE100, s16  }
0xa: {  	_ =	strace $0x8000004D;
	s6 =	sor.u32 s3, s6;
	s8 =	sand.u32 $0x40, s15  }
0xb: {  	s24 =	sshll.u32 s3, $0x4;
	s11 =	sadd.s32 s9, s0;
	s25 =	ssub.s32 $0x2, s3  }
0xc: {  	[dreg:$0x5] =	wrdreg s15;
	s9 =	sadd.s32 s15, s4;
	s18 =	smul.u32 $0xE100, s3  }
0xd: {  	s20 =	sshll.u32 s3, $0xE;
	s3 =	smul.u32 $0xE1000, s3;
	s6 =	sshll.u32 s6, $0x7  }
0xe: {  	s26 =	sshrl.u32 s25, $0x1;
	s11 =	sadd.s32 s20, s11;
	s20 =	simm.s32 $0x5  }
0xf: {  	s6 =	sor.u32 s8, s6;
	s8 =	sor.u32 s16, s24;
	s11 =	sadd.s32 $0x505E00, s11  }
0x10: {  	s23 =	sadd.s32 s21, s18;
	s24 =	sadd.s32 s3, s10;
	s12 =	smul.u32 $0xE10, s8  }
0x11: {  	s21 =	simm.s32 $0x5000;
	s6 =	sshrl.u32 s6, $0x3;
	s14 =	smul.u32 $0xE100, s8  }
0x12: {  	s8 =	sadd.s32 s13, s2;
	[dreg:$0x9] =	wrdreg s11;
	s16 =	sadd.s32 s22, s24  }
0x13: {  	s22 =	simm.s32 $0x5100;
	s24 =	simm.s32 $0x5080;
	s0 =	sadd.s32 s6, s0  }
0x14: {  	s6 =	ssub.s32 s25, s26;
	s25 =	sadd.s32 $0x50, s23;
	s17 =	sadd.s32 s10, s14  }
0x15: {  	s12 =	sshrl.u32 s12, $0x3;
	s0 =	sadd.s32 $0x50DE00, s0;
	s6 =	smax.u32 s6, $0x1  }
0x16: {  	s26 =	sshrl.u32 s25, $0x3;
	s25 =	simm.s32 $0x5180;
	[dreg:$0x6] =	wrdreg s17  }
0x17: {  	s19 =	sadd.s32 s1, s12;
	s12 =	sadd.s32 s7, s12;
	[dreg:$0xa] =	wrdreg s0  }
0x18: {  	[dreg:$0xb] =	wrdreg s6;
	s17 =	sadd.s32 $0xA0, s23;
	s18 =	sadd.s32 s26, s7  }
0x19: {  	s23 =	simm.s32 $0x2800;
	s0 =	simm.s32 $0x0;
	[dreg:$0x7] =	wrdreg s19  }
0x1a: {  	v0 =	vimm.f32 $0.0e+00;
	[dreg:$0x8] =	wrdreg s12;
	s19 =	sadd.s32 s26, s1;
	s26 =	simm.s32 $0x1  }
.LBB2_1:
0x1b: {  	s3 =	simm.s32 $0x0;
	s6 =	simm.s32 $0x200  }
.LBB2_2:
0x1c: {  	p0 =	sne.s32 s6, $0x9E00;
	[tilespmem:s3+$0x70] =	vst v0  }
0x1d: {  	[tilespmem:s3+$0x0] =	vst v0  }
0x1e: {  	[tilespmem:s3+$0x10] =	vst v0  }
.Ltmp0:
0x1f: {  	[tilespmem:s3+$0x20] =	vst v0;
	(pc) =	sbr.rel @p0 .LBB2_2-.Ltmp0, $4  }
0x20: {  	[tilespmem:s3+$0x30] =	vst v0  }
0x21: {  	[tilespmem:s3+$0x40] =	vst v0  }
0x22: {  	[tilespmem:s3+$0x50] =	vst v0  }
0x23: {  	[tilespmem:s3+$0x60] =	vst v0;
	s3 =	sshra.s32 s6, $0x2;
	s6 =	sadd.s32 $0x200, s6  }
0x24: {  	[tilespmem:s3+$0x70] =	vst v0  }
0x25: {  	[tilespmem:s3+$0x0] =	vst v0  }
0x26: {  	[tilespmem:s3+$0x10] =	vst v0  }
0x27: {  	[tilespmem:s3+$0x20] =	vst v0  }
0x28: {  	[tilespmem:s3+$0x30] =	vst v0  }
0x29: {  	[tilespmem:s3+$0x40] =	vst v0  }
0x2a: {  	[tilespmem:s3+$0x50] =	vst v0  }
0x2b: {  	[tilespmem:s3+$0x60] =	vst v0  }
0x2c: {  	[tilespmem:$0x5000] =	vst v0  }
0x2d: {  	[tilespmem:$0x5010] =	vst v0  }
0x2e: {  	[tilespmem:$0x5020] =	vst v0  }
0x2f: {  	[tilespmem:$0x5030] =	vst v0  }
0x30: {  	s14 =	simm.s32 $0x0;
	[tilespmem:$0x5040] =	vst v0  }
0x31: {  	[spmem:s8] =	stream.linear.scatter [tilespmem:s14], [sflag:$0x5], $0x2000, $0x38;
	[tilespmem:$0x7240] =	vst v63  }
0x32: {  	_ =	swait.ge [sflag:s20], $0x2000  }
0x33: {  	[sflag:s20] =	ssyncset.done $0x0  }
0x34: {  	[sflag:s20] =	ssyncadd.s32 $0xFFFFE000  }
0x35: {  	[spmem:s9] =	stream.linear.scatter [tilespmem:s21], [sflag:$0x5], $0x40, $0x38;
	[tilespmem:$0x7240] =	vst v63  }
0x36: {  	_ =	swait.ge [sflag:s20], $0x40  }
0x37: {  	[sflag:s20] =	ssyncset.done $0x0  }
0x38: {  	[sflag:s20] =	ssyncadd.s32 $0xFFFFFFC0  }
0x39: {  	[bflag:$0x0] =	sbarrier.arrive $0xFFFF  }
0x3a: {  	s6 =	rddreg [dreg:$0x6]  }
0x3b: {  	[tilespmem:s14], [sflag:$0x1] =	stream.linear.gather [hbm4b:s6+s14], $0x2800, $0x38;
	[tilespmem:$0x7240] =	vst v63  }
0x3c: {  	s15 =	rddreg [dreg:$0x7]  }
0x3d: {  	[tilespmem:s21], [sflag:$0x1] =	stream.linear.gather [hbm4b:s15+s14], $0x50, $0x38;
	[tilespmem:$0x7240] =	vst v63  }
0x3e: {  	s11 =	sadd.s32 $0x0, s16;
	s10 =	rddreg [dreg:$0x8]  }
0x3f: {  	[tilespmem:s22], [sflag:$0x1] =	stream.linear.gather [hbm4b:s10+s14], $0x50, $0x38;
	[tilespmem:$0x7240] =	vst v63  }
0x40: {  	s12 =	sadd.s32 $0x500, s11  }
0x41: {  	[tilespmem:s23], [sflag:$0x2] =	stream.linear.gather [hbm4b:s12+s5], $0x2800, $0x38;
	[tilespmem:$0x7240] =	vst v63  }
0x42: {  	_ = 	snop  }
0x43: {  	[tilespmem:s24], [sflag:$0x2] =	stream.linear.gather [hbm4b:s19+s5], $0x50, $0x38;
	[tilespmem:$0x7240] =	vst v63  }
0x44: {  	_ = 	snop  }
0x45: {  	[tilespmem:s25], [sflag:$0x2] =	stream.linear.gather [hbm4b:s18+s5], $0x50, $0x38;
	[tilespmem:$0x7240] =	vst v63  }
0x46: {  	_ =	swait.ge [sflag:s26], $0x2800  }
0x47: {  	[sflag:s26] =	ssyncset.done $0x0  }
0x48: {  	[sflag:s26] =	ssyncadd.s32 $0xFFFFD800  }
0x49: {  	_ =	swait.ge [sflag:s26], $0x50  }
0x4a: {  	[sflag:s26] =	ssyncset.done $0x0  }
0x4b: {  	[sflag:s26] =	ssyncadd.s32 $0xFFFFFFB0  }
0x4c: {  	_ =	swait.ge [sflag:s26], $0x50  }
0x4d: {  	[sflag:s26] =	ssyncset.done $0x0  }
0x4e: {  	[sflag:s26] =	ssyncadd.s32 $0xFFFFFFB0  }
0x4f: {  	[spmem:s4] =	stream.indirect.scatter.add.f32 [tilespmem:s21], [sflag:$0x3], $0x1, s22, s28, $0xb8;
	[tilespmem:$0x7240] =	vst v63  }
0x50: {  	_ = 	snop  }
0x51: {  	[spmem:s2] =	stream.indirect.scatter.add.f32 [tilespmem:s5], [sflag:$0x5], $0x80, s22, s28, $0xb8;
	[tilespmem:$0x7240] =	vst v63  }
0x52: {  	_ =	swait.ge [sflag:s20], $0x2800  }
0x53: {  	[sflag:s20] =	ssyncset.done $0x0  }
0x54: {  	[sflag:s20] =	ssyncadd.s32 $0xFFFFD800  }
0x55: {  	_ =	swait.ge [sflag:s29], $0x50  }
0x56: {  	[sflag:s29] =	ssyncset.done $0x0  }
0x57: {  	s13 =	sshrl.u32 s17, $0x3;
	s3 =	sadd.s32 $0xA00, s11;
	[sflag:s29] =	ssyncadd.s32 $0xFFFFFFB0  }
0x58: {  	[tilespmem:s5], [sflag:$0x1] =	stream.linear.gather [hbm4b:s3+s5], $0x2800, $0x38;
	[tilespmem:$0x7240] =	vst v63  }
0x59: {  	s14 =	sadd.s32 s1, s13  }
0x5a: {  	[tilespmem:s21], [sflag:$0x1] =	stream.linear.gather [hbm4b:s14+s5], $0x50, $0x38;
	[tilespmem:$0x7240] =	vst v63  }
0x5b: {  	s15 =	sadd.s32 s7, s13  }
0x5c: {  	[tilespmem:s22], [sflag:$0x1] =	stream.linear.gather [hbm4b:s15+s5], $0x50, $0x38;
	[tilespmem:$0x7240] =	vst v63  }
0x5d: {  	_ =	swait.ge [sflag:s30], $0x2800  }
0x5e: {  	[sflag:s30] =	ssyncset.done $0x0  }
0x5f: {  	[sflag:s30] =	ssyncadd.s32 $0xFFFFD800  }
0x60: {  	_ =	swait.ge [sflag:s30], $0x50  }
0x61: {  	[sflag:s30] =	ssyncset.done $0x0  }
0x62: {  	[sflag:s30] =	ssyncadd.s32 $0xFFFFFFB0  }
0x63: {  	_ =	swait.ge [sflag:s30], $0x50  }
0x64: {  	[sflag:s30] =	ssyncset.done $0x0  }
0x65: {  	[sflag:s30] =	ssyncadd.s32 $0xFFFFFFB0  }
0x66: {  	[spmem:s4] =	stream.indirect.scatter.add.f32 [tilespmem:s24], [sflag:$0x4], $0x1, s25, s28, $0xb8;
	[tilespmem:$0x7240] =	vst v63  }
0x67: {  	_ = 	snop  }
0x68: {  	[spmem:s2] =	stream.indirect.scatter.add.f32 [tilespmem:s23], [sflag:$0x5], $0x80, s25, s28, $0xb8;
	[tilespmem:$0x7240] =	vst v63  }
0x69: {  	_ =	swait.ge [sflag:s20], $0x2800  }
0x6a: {  	[sflag:s20] =	ssyncset.done $0x0  }
0x6b: {  	s11 =	simm.s32 $0x1400;
	[sflag:s20] =	ssyncadd.s32 $0xFFFFD800  }
0x6c: {  	s6 =	sadd.s32 $0x14, s19;
	s10 =	sadd.s32 $0x14, s18;
	_ =	swait.ge [sflag:s31], $0x50  }
0x6d: {  	s13 =	sadd.s32 $0xA00, s16;
	s3 =	sadd.s32 $0xA0, s17;
	[sflag:s31] =	ssyncset.done $0x0  }
.LBB2_4:
0x6e: {  	s15 =	sadd.s32 $0x500, s13  }
0x6f: {  	[sflag:s31] =	ssyncadd.s32 $0xFFFFFFB0;
	s12 =	smov.u32 s11;
	s14 =	sadd.s32 $0xA00, s11  }
0x70: {  	[tilespmem:s23], [sflag:$0x2] =	stream.linear.gather [hbm4b:s15+s5], $0x2800, $0x38;
	[tilespmem:$0x7240] =	vst v63  }
0x71: {  	p0 =	sne.s32 s11, $0xD200  }
0x72: {  	[tilespmem:s24], [sflag:$0x2] =	stream.linear.gather [hbm4b:s6+s5], $0x50, $0x38;
	[tilespmem:$0x7240] =	vst v63  }
0x73: {  	_ = 	snop  }
0x74: {  	[tilespmem:s25], [sflag:$0x2] =	stream.linear.gather [hbm4b:s10+s5], $0x50, $0x38;
	[tilespmem:$0x7240] =	vst v63  }
0x75: {  	_ =	swait.ge [sflag:s26], $0x2800  }
0x76: {  	[sflag:s26] =	ssyncset.done $0x0  }
0x77: {  	[sflag:s26] =	ssyncadd.s32 $0xFFFFD800  }
0x78: {  	_ =	swait.ge [sflag:s26], $0x50  }
0x79: {  	[sflag:s26] =	ssyncset.done $0x0  }
0x7a: {  	[sflag:s26] =	ssyncadd.s32 $0xFFFFFFB0  }
0x7b: {  	_ =	swait.ge [sflag:s26], $0x50  }
0x7c: {  	[sflag:s26] =	ssyncset.done $0x0  }
0x7d: {  	[sflag:s26] =	ssyncadd.s32 $0xFFFFFFB0  }
0x7e: {  	[spmem:s4] =	stream.indirect.scatter.add.f32 [tilespmem:s21], [sflag:$0x3], $0x1, s22, s28, $0xb8;
	[tilespmem:$0x7240] =	vst v63  }
0x7f: {  	_ = 	snop  }
0x80: {  	[spmem:s2] =	stream.indirect.scatter.add.f32 [tilespmem:s5], [sflag:$0x5], $0x80, s22, s28, $0xb8;
	[tilespmem:$0x7240] =	vst v63  }
0x81: {  	_ =	swait.ge [sflag:s20], $0x2800  }
0x82: {  	[sflag:s20] =	ssyncset.done $0x0  }
0x83: {  	[sflag:s20] =	ssyncadd.s32 $0xFFFFD800  }
0x84: {  	_ =	swait.ge [sflag:s29], $0x50  }
0x85: {  	[sflag:s29] =	ssyncset.done $0x0  }
0x86: {  	s11 =	sadd.s32 $0xA00, s13;
	s13 =	sshrl.u32 s3, $0x3;
	[sflag:s29] =	ssyncadd.s32 $0xFFFFFFB0  }
0x87: {  	[tilespmem:s5], [sflag:$0x1] =	stream.linear.gather [hbm4b:s11+s5], $0x2800, $0x38;
	[tilespmem:$0x7240] =	vst v63  }
0x88: {  	s11 =	sadd.s32 s1, s13  }
0x89: {  	[tilespmem:s21], [sflag:$0x1] =	stream.linear.gather [hbm4b:s11+s5], $0x50, $0x38;
	[tilespmem:$0x7240] =	vst v63  }
0x8a: {  	s11 =	sadd.s32 s7, s13  }
0x8b: {  	[tilespmem:s22], [sflag:$0x1] =	stream.linear.gather [hbm4b:s11+s5], $0x50, $0x38;
	[tilespmem:$0x7240] =	vst v63  }
0x8c: {  	_ =	swait.ge [sflag:s30], $0x2800  }
0x8d: {  	[sflag:s30] =	ssyncset.done $0x0  }
0x8e: {  	[sflag:s30] =	ssyncadd.s32 $0xFFFFD800  }
0x8f: {  	_ =	swait.ge [sflag:s30], $0x50  }
0x90: {  	[sflag:s30] =	ssyncset.done $0x0  }
0x91: {  	[sflag:s30] =	ssyncadd.s32 $0xFFFFFFB0  }
0x92: {  	_ =	swait.ge [sflag:s30], $0x50  }
0x93: {  	[sflag:s30] =	ssyncset.done $0x0  }
0x94: {  	[sflag:s30] =	ssyncadd.s32 $0xFFFFFFB0  }
0x95: {  	[spmem:s4] =	stream.indirect.scatter.add.f32 [tilespmem:s24], [sflag:$0x4], $0x1, s25, s28, $0xb8;
	[tilespmem:$0x7240] =	vst v63  }
0x96: {  	_ = 	snop  }
0x97: {  	[spmem:s2] =	stream.indirect.scatter.add.f32 [tilespmem:s23], [sflag:$0x5], $0x80, s25, s28, $0xb8;
	[tilespmem:$0x7240] =	vst v63  }
.Ltmp1:
0x98: {  	_ =	swait.ge [sflag:s20], $0x2800;
	(pc) =	sbr.rel @p0 .LBB2_4-.Ltmp1, $4  }
0x99: {  	[sflag:s20] =	ssyncset.done $0x0  }
0x9a: {  	s3 =	sadd.s32 $0xA0, s3;
	[sflag:s20] =	ssyncadd.s32 $0xFFFFD800  }
0x9b: {  	s6 =	sadd.s32 $0x14, s6;
	s10 =	sadd.s32 $0x14, s10;
	_ =	swait.ge [sflag:s31], $0x50  }
0x9c: {  	s13 =	sadd.s32 s12, s16;
	s11 =	smov.u32 s14;
	[sflag:s31] =	ssyncset.done $0x0  }
0x9d: {  	s11 =	sadd.s32 $0x500, s13;
	[sflag:s31] =	ssyncadd.s32 $0xFFFFFFB0  }
0x9e: {  	[tilespmem:s23], [sflag:$0x2] =	stream.linear.gather [hbm4b:s11+s5], $0x2800, $0x38;
	[tilespmem:$0x7240] =	vst v63  }
0x9f: {  	_ = 	snop  }
0xa0: {  	[tilespmem:s24], [sflag:$0x2] =	stream.linear.gather [hbm4b:s6+s5], $0x50, $0x38;
	[tilespmem:$0x7240] =	vst v63  }
0xa1: {  	_ = 	snop  }
0xa2: {  	[tilespmem:s25], [sflag:$0x2] =	stream.linear.gather [hbm4b:s10+s5], $0x50, $0x38;
	[tilespmem:$0x7240] =	vst v63  }
0xa3: {  	_ =	swait.ge [sflag:s26], $0x2800  }
0xa4: {  	[sflag:s26] =	ssyncset.done $0x0  }
0xa5: {  	[sflag:s26] =	ssyncadd.s32 $0xFFFFD800  }
0xa6: {  	_ =	swait.ge [sflag:s26], $0x50  }
0xa7: {  	[sflag:s26] =	ssyncset.done $0x0  }
0xa8: {  	[sflag:s26] =	ssyncadd.s32 $0xFFFFFFB0  }
0xa9: {  	_ =	swait.ge [sflag:s26], $0x50  }
0xaa: {  	[sflag:s26] =	ssyncset.done $0x0  }
0xab: {  	[sflag:s26] =	ssyncadd.s32 $0xFFFFFFB0  }
0xac: {  	[spmem:s4] =	stream.indirect.scatter.add.f32 [tilespmem:s21], [sflag:$0x3], $0x1, s22, s28, $0xb8;
	[tilespmem:$0x7240] =	vst v63  }
0xad: {  	_ = 	snop  }
0xae: {  	[spmem:s2] =	stream.indirect.scatter.add.f32 [tilespmem:s5], [sflag:$0x5], $0x80, s22, s28, $0xb8;
	[tilespmem:$0x7240] =	vst v63  }
0xaf: {  	_ =	swait.ge [sflag:s20], $0x2800  }
0xb0: {  	[sflag:s20] =	ssyncset.done $0x0  }
0xb1: {  	[sflag:s20] =	ssyncadd.s32 $0xFFFFD800  }
0xb2: {  	_ =	swait.ge [sflag:s29], $0x50  }
0xb3: {  	[sflag:s29] =	ssyncset.done $0x0  }
0xb4: {  	s15 =	sadd.s32 $0xA00, s13;
	s3 =	sshrl.u32 s3, $0x3;
	[sflag:s29] =	ssyncadd.s32 $0xFFFFFFB0  }
0xb5: {  	[tilespmem:s5], [sflag:$0x1] =	stream.linear.gather [hbm4b:s15+s5], $0x2800, $0x38;
	[tilespmem:$0x7240] =	vst v63  }
0xb6: {  	s10 =	sadd.s32 s1, s3  }
0xb7: {  	[tilespmem:s21], [sflag:$0x1] =	stream.linear.gather [hbm4b:s10+s5], $0x50, $0x38;
	[tilespmem:$0x7240] =	vst v63  }
0xb8: {  	s3 =	sadd.s32 s7, s3  }
0xb9: {  	[tilespmem:s22], [sflag:$0x1] =	stream.linear.gather [hbm4b:s3+s5], $0x50, $0x38;
	[tilespmem:$0x7240] =	vst v63  }
0xba: {  	_ =	swait.ge [sflag:s30], $0x2800  }
0xbb: {  	[sflag:s30] =	ssyncset.done $0x0  }
0xbc: {  	[sflag:s30] =	ssyncadd.s32 $0xFFFFD800  }
0xbd: {  	_ =	swait.ge [sflag:s30], $0x50  }
0xbe: {  	[sflag:s30] =	ssyncset.done $0x0  }
0xbf: {  	[sflag:s30] =	ssyncadd.s32 $0xFFFFFFB0  }
0xc0: {  	_ =	swait.ge [sflag:s30], $0x50  }
0xc1: {  	[sflag:s30] =	ssyncset.done $0x0  }
0xc2: {  	[sflag:s30] =	ssyncadd.s32 $0xFFFFFFB0  }
0xc3: {  	[spmem:s4] =	stream.indirect.scatter.add.f32 [tilespmem:s24], [sflag:$0x4], $0x1, s25, s28, $0xb8;
	[tilespmem:$0x7240] =	vst v63  }
0xc4: {  	_ = 	snop  }
0xc5: {  	[spmem:s2] =	stream.indirect.scatter.add.f32 [tilespmem:s23], [sflag:$0x5], $0x80, s25, s28, $0xb8;
	[tilespmem:$0x7240] =	vst v63  }
0xc6: {  	_ =	swait.ge [sflag:s20], $0x2800  }
0xc7: {  	[sflag:s20] =	ssyncset.done $0x0  }
0xc8: {  	[sflag:s20] =	ssyncadd.s32 $0xFFFFD800  }
0xc9: {  	_ =	swait.ge [sflag:s31], $0x50  }
0xca: {  	[sflag:s31] =	ssyncset.done $0x0  }
0xcb: {  	[sflag:s31] =	ssyncadd.s32 $0xFFFFFFB0  }
0xcc: {  	_ =	swait.ge [sflag:s26], $0x2800  }
0xcd: {  	[sflag:s26] =	ssyncset.done $0x0  }
0xce: {  	[sflag:s26] =	ssyncadd.s32 $0xFFFFD800  }
0xcf: {  	_ =	swait.ge [sflag:s26], $0x50  }
0xd0: {  	[sflag:s26] =	ssyncset.done $0x0  }
0xd1: {  	[sflag:s26] =	ssyncadd.s32 $0xFFFFFFB0  }
0xd2: {  	_ =	swait.ge [sflag:s26], $0x50  }
0xd3: {  	[sflag:s26] =	ssyncset.done $0x0  }
0xd4: {  	[sflag:s26] =	ssyncadd.s32 $0xFFFFFFB0  }
0xd5: {  	[spmem:s4] =	stream.indirect.scatter.add.f32 [tilespmem:s21], [sflag:$0x3], $0x1, s22, s28, $0xb8;
	[tilespmem:$0x7240] =	vst v63  }
0xd6: {  	_ = 	snop  }
0xd7: {  	[spmem:s2] =	stream.indirect.scatter.add.f32 [tilespmem:s5], [sflag:$0x5], $0x80, s22, s28, $0xb8;
	[tilespmem:$0x7240] =	vst v63  }
0xd8: {  	_ =	swait.ge [sflag:s20], $0x2800  }
0xd9: {  	[sflag:s20] =	ssyncset.done $0x0  }
0xda: {  	[sflag:s20] =	ssyncadd.s32 $0xFFFFD800  }
0xdb: {  	_ =	swait.ge [sflag:s29], $0x50  }
0xdc: {  	[sflag:s29] =	ssyncset.done $0x0  }
0xdd: {  	[sflag:s29] =	ssyncadd.s32 $0xFFFFFFB0  }
0xde: {  	[bflag:$0x0] =	sbarrier.arrive $0xFFFF  }
0xdf: {  	s11 =	rddreg [dreg:$0x5]  }
0xe0: {  	s12 =	sshrl.u32 s8, $0x3;
	s13 =	rddreg [dreg:$0x9];
	s3 =	sor.u32 $0x1C05, s11  }
0xe1: {  	[hbm:s13], [sflag:s3] =	dma.local [spmem:s12], $0x400  }
0xe2: {  	_ =	swait.ge [sflag:s20], $0x400  }
0xe3: {  	[sflag:s20] =	ssyncset.done $0x0  }
0xe4: {  	[sflag:s20] =	ssyncadd.s32 $0xFFFFFC00  }
0xe5: {  	[tilespmem:s21], [sflag:$0x5] =	stream.linear.gather [spmem:s9], $0x40, $0x38;
	[tilespmem:$0x7240] =	vst v63  }
0xe6: {  	_ =	swait.ge [sflag:s20], $0x40  }
0xe7: {  	[sflag:s20] =	ssyncset.done $0x0  }
0xe8: {  	s14 =	rddreg [dreg:$0xa];
	[sflag:s20] =	ssyncadd.s32 $0xFFFFFFC0  }
0xe9: {  	[hbm4b:s14+s5] =	stream.linear.scatter [tilespmem:s21], [sflag:$0x5], $0x40, $0x38;
	[tilespmem:$0x7240] =	vst v63  }
0xea: {  	_ =	swait.ge [sflag:s20], $0x40  }
0xeb: {  	s0 =	sadd.s32 $0x1, s0;
	s15 =	rddreg [dreg:$0xb]  }
0xec: {  	p0 =	sne.s32 s0, s15  }
.Ltmp2:
0xed: {  	_ = 	snop;
	(pc) =	sbr.rel @p0 .LBB2_1-.Ltmp2, $3  }
0xee: {  	_ =	sdelay $0x1  }
0xef: {  	[sflag:s20] =	ssyncset.done $0x0  }
0xf0: {  	[sflag:s20] =	ssyncadd.s32 $0xFFFFFFC0  }
0xf1: {  	_ =	sfence.sel $0x180000  }
0xf2: {  	[bflag:$0x0] =	sbarrier.arrive $0xFFFF  }
0xf3: {  	_ =	strace $0x9000004D  }
0xf4: {  	s0 =	stileid.u32;
	[bflag:$0x2] =	sbarrier.arrive $0xFFFF  }
0xf5: {  	p0 =	sne.s32 s0, $0x0;
	s0 =	rddreg [dreg:$0x4]  }
0xf6: {  	s0 =	sadd.s32 @!p0 $0x100000, s0  }
0xf7: {  	[sflag:s0] =	ssyncadd.tile.s32 @!p0 $0x1;
	_ =	shalt  }
.Lfunc_end2:
_tile_overlayer_lowered:
.L_overlay_start_2:
0xf8: {  	(tag) =	ssettag $0x2  }
0xf9: {  	s0 =	rddreg [dreg:$0x0];
	s2 =	stileid.u32  }
0xfa: {  	s1 =	rddreg [dreg:$0x1];
	p0 =	sne.s32 s2, $0x0  }
0xfb: {  	s3 =	rddreg [dreg:$0x2];
	[bflag:$0x3] =	sbarrier.arrive $0xFFFF;
	s2 =	simm.s32 @!p0 $0x1C05  }
0xfc: {  	[timem:s3], [sflag:s2] =	dma.local @!p0 [hbm:s0], s1  }
0xfd: {  	s0 =	simm.s32 @!p0 $0x5  }
0xfe: {  	_ =	swait.ge @!p0 [sflag:s0], s1  }
0xff: {  	s1 =	ssub.s32 @!p0 $0x0, s1;
	[sflag:s0] =	ssyncset.done @!p0 $0x0  }
0x100: {  	[sflag:s0] =	ssyncadd.s32 @!p0 s1  }
0x101: {  	[bflag:$0x3] =	sbarrier.arrive $0xFFFF  }
0x102: {  	_ =	shalt  }

// kernel: kernel.9.cloned.1.call-start
scs
__scs_entry_jumppad:
0x0: {  	(pc) =	sbr.rel $0x88, $3  }
0x1: {  	(tag) =	ssettag $0x0;
	lr =	simm.s32 $0x1  }
0x2: {  	[smem:$0x3F9B] =	sst lr;
	_ =	strace $0xD0000000  }
0x3: {  	_ = 	snop  }
0x4: {  	_ = 	snop  }
0x5: {  	_ = 	snop  }
0x6: {  	_ = 	snop  }
0x7: {  	_ = 	snop  }
__scs_overlays_trampoline_lowered:
0x8: {  	[smem:$0x3FAA] =	sst s0  }
0x9: {  	[smem:$0x3FAB] =	sst s1  }
0xa: {  	[smem:$0x3FAC] =	sst s2  }
0xb: {  	[smem:$0x3FAD] =	sst s3  }
0xc: {  	[smem:$0x3FAE] =	sst s4  }
0xd: {  	[smem:$0x3FAF] =	sst s5  }
0xe: {  	[smem:$0x3FB0] =	sst s6  }
0xf: {  	[smem:$0x3FB1] =	sst s7  }
0x10: {  	[smem:$0x3FB2] =	sst s8  }
0x11: {  	[smem:$0x3FB3] =	sst s9;
	s0 =	simm.s32 @!p0 $0x0  }
0x12: {  	s1 =	sld [smem:$0x3F99];
	s0 =	simm.s32 @p0 $0x1  }
0x13: {  	[smem:$0x3FB4] =	sst s0;
	s0 =	simm.s32 @!p1 $0x0  }
0x14: {  	s2 =	sld [smem:$0x3F98];
	s0 =	simm.s32 @p1 $0x1  }
0x15: {  	[smem:$0x3FB5] =	sst s0;
	s0 =	simm.s32 @!p2 $0x0  }
0x16: {  	s3 =	sld [smem:$0x3FDB];
	s0 =	simm.s32 @p2 $0x1  }
0x17: {  	s4 =	simm.s32 $0x1BF5;
	[smem:$0x3FB7] =	sst s0  }
0x18: {  	s0 =	sld [smem:$0x3F9A];
	_ =	swait.ge [sflag:s4], $0x0  }
0x19: {  	s7 =	sld [smem:$0x3F9B]  }
0x1a: {  	s8 =	sadd.s32 $0xFFFFE003, lr  }
0x1b: {  	s9 =	sadd.s32 $0xFFFFFEF7, lr;
	s5 =	simm.s32 $0xFFFFFFFF;
	p2 =	slt.u32 s8, $0xFFFFF086  }
0x1c: {  	p1 =	slt.u32 s9, $0xF7A;
	s5 =	simm.s32 @!p2 $0x0  }
0x1d: {  	s5 =	simm.s32 @p1 $0x1;
	p0 =	seq.s32 s7, s2  }
0x1e: {  	s7 =	smul.u32 @!p0 $0xF7A, s2;
	p2 =	seq.s32 @!p0 s5, $0x0  }
0x1f: {  	s9 =	smul.u32 $0xF7A, s1;
	s8 =	simm.s32 @!p0 $0x1BF5;
	p2 =	por !p2, p0  }
0x20: {  	[sflag:s8] =	ssyncset.s32 @!p0 $0xFFFFF086;
	s6 =	sadd.s32 @!p0 s3, s7;
	s7 =	simm.s32 @!p0 $0x108  }
0x21: {  	s3 =	sadd.s32 s3, s9;
	s6 =	sadd.s32 @!p0 $0x88, s6;
	s7 =	simm.s32 @p2 $0x1082  }
0x22: {  	[simem:s7], [sflag:s8] =	dma.local @!p0 [hbm:s6], $0xF7A  }
0x23: {  	s9 =	sor.u32 $0xD0000000, s2;
	s6 =	simm.s32 $0x108;
	_ =	swait.ge @!p0 [sflag:s8], $0x0  }
0x24: {  	s3 =	sadd.s32 $0x88, s3;
	s6 =	simm.s32 @!p1 $0x1082;
	[sflag:s4] =	ssyncset.s32 $0xFFFFF086  }
0x25: {  	[simem:s6], [sflag:s4] =	dma.local [hbm:s3], $0xF7A  }
0x26: {  	[smem:$0x3F9B] =	sst s1;
	(tag) =	ssettag s2;
	_ =	strace s9  }
0x27: {  	s1 =	sld [smem:$0x3FAB]  }
0x28: {  	s2 =	sld [smem:$0x3FAC]  }
0x29: {  	s4 =	sld [smem:$0x3FAE]  }
0x2a: {  	p0 =	seq.s32 s5, $0x0;
	s5 =	sld [smem:$0x3FAF]  }
0x2b: {  	s6 =	sld [smem:$0x3FB0]  }
0x2c: {  	s7 =	sld [smem:$0x3FB1]  }
0x2d: {  	s3 =	simm.s32 $0x108;
	s8 =	sld [smem:$0x3FB2]  }
0x2e: {  	s3 =	simm.s32 @!p0 $0x1082;
	s9 =	sld [smem:$0x3FB3]  }
0x2f: {  	lr =	sadd.s32 s0, s3;
	s0 =	sld [smem:$0x3FAA]  }
0x30: {  	s3 =	sld [smem:$0x3FAD]  }
0x31: {  	[smem:$0x3FB6] =	sst s10  }
0x32: {  	s10 =	sld [smem:$0x3FB4];
	_ =	sdelay $0x3  }
0x33: {  	p0 =	seq.s32 s10, $0x1;
	s10 =	sld [smem:$0x3FB6];
	_ =	sdelay $0x3  }
0x34: {  	[smem:$0x3FB6] =	sst s10  }
0x35: {  	s10 =	sld [smem:$0x3FB5];
	_ =	sdelay $0x3  }
0x36: {  	p1 =	seq.s32 s10, $0x1;
	s10 =	sld [smem:$0x3FB6];
	_ =	sdelay $0x3  }
0x37: {  	[smem:$0x3FB6] =	sst s10  }
0x38: {  	s10 =	sld [smem:$0x3FB7]  }
0x39: {  	_ = 	snop;
	(pc) =	sbr.ind lr, $3  }
0x3a: {  	_ = 	snop  }
0x3b: {  	_ = 	snop  }
0x3c: {  	p2 =	seq.s32 s10, $0x1;
	s10 =	sld [smem:$0x3FB6]  }
0x3d: {  	_ =	shalt  }
0x3e: {  	_ =	shalt  }
0x3f: {  	_ =	shalt  }
0x40: {  	_ =	shalt  }
0x41: {  	_ =	shalt  }
0x42: {  	_ =	shalt  }
0x43: {  	_ =	shalt  }
0x44: {  	_ =	shalt  }
0x45: {  	_ =	shalt  }
0x46: {  	_ =	shalt  }
0x47: {  	_ =	shalt  }
0x48: {  	_ =	shalt  }
0x49: {  	_ =	shalt  }
0x4a: {  	_ =	shalt  }
0x4b: {  	_ =	shalt  }
0x4c: {  	_ =	shalt  }
0x4d: {  	_ =	shalt  }
0x4e: {  	_ =	shalt  }
0x4f: {  	_ =	shalt  }
0x50: {  	_ =	shalt  }
0x51: {  	_ =	shalt  }
0x52: {  	_ =	shalt  }
0x53: {  	_ =	shalt  }
0x54: {  	_ =	shalt  }
0x55: {  	_ =	shalt  }
0x56: {  	_ =	shalt  }
0x57: {  	_ =	shalt  }
0x58: {  	_ =	shalt  }
0x59: {  	_ =	shalt  }
0x5a: {  	_ =	shalt  }
0x5b: {  	_ =	shalt  }
0x5c: {  	_ =	shalt  }
0x5d: {  	_ =	shalt  }
0x5e: {  	_ =	shalt  }
0x5f: {  	_ =	shalt  }
0x60: {  	_ =	shalt  }
0x61: {  	_ =	shalt  }
0x62: {  	_ =	shalt  }
0x63: {  	_ =	shalt  }
0x64: {  	_ =	shalt  }
0x65: {  	_ =	shalt  }
0x66: {  	_ =	shalt  }
0x67: {  	_ =	shalt  }
0x68: {  	_ =	shalt  }
0x69: {  	_ =	shalt  }
0x6a: {  	_ =	shalt  }
0x6b: {  	_ =	shalt  }
0x6c: {  	_ =	shalt  }
0x6d: {  	_ =	shalt  }
0x6e: {  	_ =	shalt  }
0x6f: {  	_ =	shalt  }
0x70: {  	_ =	shalt  }
0x71: {  	_ =	shalt  }
0x72: {  	_ =	shalt  }
0x73: {  	_ =	shalt  }
0x74: {  	_ =	shalt  }
0x75: {  	_ =	shalt  }
0x76: {  	_ =	shalt  }
0x77: {  	_ =	shalt  }
0x78: {  	_ =	shalt  }
0x79: {  	_ =	shalt  }
0x7a: {  	_ =	shalt  }
0x7b: {  	_ =	shalt  }
0x7c: {  	_ =	shalt  }
0x7d: {  	_ =	shalt  }
0x7e: {  	_ =	shalt  }
0x7f: {  	_ =	shalt  }
0x80: {  	_ =	shalt  }
0x81: {  	_ =	shalt  }
0x82: {  	_ =	shalt  }
0x83: {  	_ =	shalt  }
0x84: {  	_ =	shalt  }
0x85: {  	_ =	shalt  }
0x86: {  	_ =	shalt  }
0x87: {  	_ =	shalt  }
.Lfunc_end0:
.L_simem_size_0:
called_computation_lowered:
.L_overlay_start_0:
0x88: {  	s2 =	sld [smem:$0x3FD9]  }
0x89: {  	s3 =	sld [smem:$0x3FFE];
	_ =	sdelay $0x1  }
0x8a: {  	s1 =	srdreg.scid  }
0x8b: {  	s0 =	sand.u32 $0x1, s1  }
0x8c: {  	s17 =	sshll.u32 s0, $0xA;
	s2 =	sadd.s32 s3, s2  }
0x8d: {  	s2 =	sadd.s32 s2, s17  }
0x8e: {  	[smem:$0x3FC2] =	sst s2  }
0x8f: {  	_ = 	snop  }
0x90: {  	(tm) =	ssettm $0x1  }
0x91: {  	s18 =	sld [smem:$0x3FFB];
	_ =	sdelay $0x3  }
0x92: {  	_ =	strace s18  }
0x93: {  	s2 =	sld [smem:$0x3FFC];
	_ =	sdelay $0x3  }
0x94: {  	_ =	strace s2  }
0x95: {  	s2 =	sld [smem:$0x3FFD];
	_ =	sdelay $0x3  }
0x96: {  	_ =	strace s2  }
0x97: {  	_ =	strace $0x8FFFFFFF  }
0x98: {  	s19 =	sld [smem:$0x3FDB];
	_ =	sdelay $0x1  }
0x99: {  	s20 =	simm.s32 $_scs_section_size  }
0x9a: {  	s4 =	simm.s32 $_size__tile_overlayer_lowered;
	s5 =	simm.s32 $_tile_overlayer_lowered  }
0x9b: {  	s6 =	simm.s32 $0x1BFF;
	s21 =	sshll.u32 s5, $0x1;
	s3 =	sadd.s32 s20, s19  }
0x9c: {  	s22 =	simm.s32 $0x0;
	s4 =	sshll.u32 s4, $0x1;
	s5 =	sadd.s32 s21, s3  }
0x9d: {  	[timem:s22], [sflag:s6] =	dma.local [hbm:s5], s4  }
0x9e: {  	_ =	swait.ge [sflag:s6], s4  }
0x9f: {  	s4 =	ssub.s32 $0x0, s4;
	[sflag:s6] =	ssyncset.done $0x0  }
0xa0: {  	[sflag:s6] =	ssyncadd.s32 s4;
	_ =	sdelay $0x1  }
0xa1: {  	s23 =	simm.s32 $0x1B8B  }
0xa2: {  	_ =	swait.ge [sflag:s23], $0x1  }
0xa3: {  	[sflag:s23] =	ssyncset.done $0x0  }
0xa4: {  	[sflag:s23] =	ssyncadd.s32 $0xFFFFFFFF  }
0xa5: {  	s4 =	sld [smem:$0x0]  }
0xa6: {  	s5 =	sand.u32 $0xFFFFFFFE, s1  }
0xa7: {  	p0 =	sne.s32 s1, s5  }
0xa8: {  	s5 =	sshll.u32 @p0 s5, $0xE  }
0xa9: {  	s5 =	sadd.s32 @p0 $0x11B8D, s5;
	s6 =	sshll.u32 @p0 s4, $0x11  }
0xaa: {  	s5 =	sor.u32 @p0 s6, s5  }
0xab: {  	[sflag:s5] =	ssyncadd.remote.s32 @p0 $0x1;
	_ =	sdelay $0x1  }
0xac: {  	s5 =	simm.s32 @p0 $0x1B8D  }
0xad: {  	_ =	swait.eq @p0 [sflag:s5], $0x1  }
0xae: {  	[sflag:s5] =	ssyncadd.s32 @p0 $0xFFFFFFFF  }
0xaf: {  	s6 =	sshll.u32 @!p0 s1, $0xE  }
0xb0: {  	s6 =	sor.u32 @!p0 $0x4000, s6;
	s5 =	simm.s32 @!p0 $0x1B8D  }
0xb1: {  	s4 =	sshll.u32 @!p0 s4, $0x11;
	s6 =	sadd.s32 @!p0 $0x11B8D, s6;
	_ =	swait.eq @!p0 [sflag:s5], $0x1  }
0xb2: {  	s4 =	sor.u32 @!p0 s4, s6;
	[sflag:s5] =	ssyncadd.s32 @!p0 $0xFFFFFFFF  }
0xb3: {  	s25 =	simm.s32 $0x1B8E;
	s24 =	sld [smem:$0x3FFE];
	[sflag:s4] =	ssyncadd.remote.s32 @!p0 $0x1  }
0xb4: {  	s26 =	simm.s32 $execute0_lowered;
	[smem:$0x3FD2] =	sst s25  }
0xb5: {  	s5 =	sshll.u32 s26, $0x1;
	_ =	strace $0x80000049;
	[dreg:$0x1] =	wrdreg $0xFFFFFFFF  }
0xb6: {  	s28 =	simm.s32 $_size_execute0_lowered;
	s3 =	sadd.s32 s3, s5;
	[dreg:$0x0] =	wrdreg $0x0  }
0xb7: {  	s5 =	sshll.u32 s28, $0x1;
	[dreg:$0x2] =	wrdreg s3  }
0xb8: {  	[dreg:$0x3] =	wrdreg s5  }
0xb9: {  	[dreg:$0x4] =	wrdreg $0xC0  }
0xba: {  	_ =	task [dreg:s22], $0x5FFFF  }
0xbb: {  	[dreg:$0x1] =	wrdreg $0xFFFFFFFF  }
0xbc: {  	[dreg:$0x0] =	wrdreg $0x60  }
0xbd: {  	[dreg:$0x2] =	wrdreg s24  }
0xbe: {  	[dreg:$0x3] =	wrdreg $0x82000  }
0xbf: {  	[dreg:$0x4] =	wrdreg $0xA2000  }
0xc0: {  	[dreg:$0x5] =	wrdreg $0x9  }
0xc1: {  	_ =	task.clear_ibuf [dreg:s22], $0x6FFFF;
	_ =	strace $0x90000049  }
0xc2: {  	s29 =	simm.s32 $0x9;
	_ =	strace $0x8000004B  }
0xc3: {  	_ =	swait.ge [sflag:s29], $0x1  }
0xc4: {  	[sflag:s29] =	ssyncadd.s32 $0xFFFFFFFF  }
0xc5: {  	_ =	strace $0x9000004B  }
0xc6: {  	_ =	sfence  }
0xc7: {  	s30 =	sld [smem:$0x0];
	_ =	sdelay $0x2  }
0xc8: {  	s31 =	sshll.u32 s1, $0xD;
	s1 =	sshrl.u32 s1, $0x2  }
0xc9: {  	s4 =	sand.u32 $0x4000, s31;
	s1 =	sadd.s32 s1, s30  }
0xca: {  	s0 =	sor.u32 s4, s0;
	s1 =	sshll.u32 s1, $0x11  }
0xcb: {  	s0 =	sor.u32 s1, s0  }
0xcc: {  	s0 =	sadd.s32 $0x8F2B, s0  }
0xcd: {  	[sflag:s0] =	ssyncadd.remote.s32 $0x1  }
0xce: {  	_ =	sfence.sel $0xFFFF  }
0xcf: {  	[dreg:$0x0] =	wrdreg $0xFFFFFFFF;
	(pc) =	sbr.abs _section_cstart, $3  }
0xd0: {  	[dreg:$0x1] =	wrdreg $0xFFFFFFFF  }
0xd1: {  	_ =	task.clear_ibuf [dreg:s22], $0x2FFFF;
	_ =	strace $0x9FFFFFFF  }
0xd2: {  	(tm) =	ssettm $0x7FFFFFFF  }
0xd3: {  	_ =	shalt  }
tec
execute0_lowered:
.L_overlay_start_1:
0x0: {  	(tag) =	ssettag $0x1  }
0x1: {  	s0 =	rddreg [dreg:$0x0]  }
0x2: {  	s1 =	rddreg [dreg:$0x1]  }
0x3: {  	s2 =	rddreg [dreg:$0x2]  }
0x4: {  	s4 =	simm.s32 $0x0;
	s16 =	stileid.u32;
	s3 =	srdreg.scid  }
0x5: {  	s28 =	simm.s32 $0x80;
	s29 =	simm.s32 $0x3;
	s30 =	simm.s32 $0x2  }
0x6: {  	s31 =	simm.s32 $0x4;
	[smem:$0x7FF] =	sst s4;
	s6 =	sadd.s32 $0x1A5000, s0  }
0x7: {  	s3 =	sand.u32 $0x1, s3;
	s7 =	sand.u32 $0xE, s16;
	s5 =	sadd.s32 $0x335000, s0  }
0x8: {  	s15 =	sshll.u32 s16, $0x6;
	s10 =	sshll.u32 s16, $0xA;
	s20 =	smul.u32 $0xC80, s16  }
0x9: {  	s13 =	sshll.u32 s16, $0xD;
	s21 =	smul.u32 $0xC800, s16;
	_ =	strace $0x8000004A  }
0xa: {  	s8 =	sor.u32 s3, s7;
	s7 =	sadd.s32 $0x6A00, s0;
	s9 =	sand.u32 $0x40, s15  }
0xb: {  	s25 =	sshll.u32 s3, $0x4;
	s10 =	sadd.s32 s10, s0;
	s26 =	ssub.s32 $0x2, s3  }
0xc: {  	[dreg:$0x4] =	wrdreg s15;
	s17 =	smul.u32 $0xC800, s3;
	s19 =	sshll.u32 s3, $0xE  }
0xd: {  	s3 =	smul.u32 $0xC8000, s3;
	s8 =	sshll.u32 s8, $0x7;
	s12 =	sshrl.u32 s26, $0x1  }
0xe: {  	s10 =	sadd.s32 s19, s10;
	s8 =	sor.u32 s9, s8;
	s9 =	sor.u32 s16, s25  }
0xf: {  	s12 =	ssub.s32 s26, s12;
	s10 =	sadd.s32 $0x338200, s10;
	s22 =	sadd.s32 s20, s17  }
0x10: {  	s23 =	sadd.s32 s3, s6;
	s20 =	simm.s32 $0x5;
	s11 =	smul.u32 $0xC80, s9  }
0x11: {  	s8 =	sshrl.u32 s8, $0x3;
	s14 =	smul.u32 $0xC800, s9;
	s9 =	sadd.s32 s15, s2  }
0x12: {  	[dreg:$0x8] =	wrdreg s10;
	s24 =	sadd.s32 $0x80, s22;
	s25 =	smax.u32 s12, $0x1  }
0x13: {  	s16 =	sadd.s32 s21, s23;
	s17 =	sadd.s32 $0x100, s22;
	s21 =	simm.s32 $0x8000  }
0x14: {  	s22 =	simm.s32 $0x8100;
	s23 =	simm.s32 $0x4000;
	s0 =	sadd.s32 s8, s0  }
0x15: {  	s8 =	sadd.s32 s13, s1;
	[dreg:$0xa] =	wrdreg s25;
	s26 =	sshrl.u32 s24, $0x3  }
0x16: {  	s24 =	simm.s32 $0x8080;
	s25 =	simm.s32 $0x8180;
	s15 =	sadd.s32 s6, s14  }
0x17: {  	s11 =	sshrl.u32 s11, $0x3;
	s0 =	sadd.s32 $0x340200, s0;
	[dreg:$0x5] =	wrdreg s15  }
0x18: {  	s19 =	sadd.s32 s26, s5;
	s18 =	sadd.s32 s5, s11;
	[dreg:$0x9] =	wrdreg s0  }
0x19: {  	s11 =	sadd.s32 s7, s11;
	s0 =	simm.s32 $0x0;
	[dreg:$0x6] =	wrdreg s18  }
0x1a: {  	v0 =	vimm.f32 $0.0e+00;
	[dreg:$0x7] =	wrdreg s11;
	s18 =	sadd.s32 s26, s7;
	s26 =	simm.s32 $0x1  }
.LBB2_1:
0x1b: {  	s3 =	simm.s32 $0x0;
	s6 =	simm.s32 $0x200  }
.LBB2_2:
0x1c: {  	p0 =	sne.s32 s6, $0xFE00;
	[tilespmem:s3+$0x70] =	vst v0  }
0x1d: {  	[tilespmem:s3+$0x0] =	vst v0  }
0x1e: {  	[tilespmem:s3+$0x10] =	vst v0  }
.Ltmp0:
0x1f: {  	[tilespmem:s3+$0x20] =	vst v0;
	(pc) =	sbr.rel @p0 .LBB2_2-.Ltmp0, $4  }
0x20: {  	[tilespmem:s3+$0x30] =	vst v0  }
0x21: {  	[tilespmem:s3+$0x40] =	vst v0  }
0x22: {  	[tilespmem:s3+$0x50] =	vst v0  }
0x23: {  	[tilespmem:s3+$0x60] =	vst v0;
	s3 =	sshra.s32 s6, $0x2;
	s6 =	sadd.s32 $0x200, s6  }
0x24: {  	[tilespmem:s3+$0x70] =	vst v0  }
0x25: {  	[tilespmem:s3+$0x0] =	vst v0  }
0x26: {  	[tilespmem:s3+$0x10] =	vst v0  }
0x27: {  	[tilespmem:s3+$0x20] =	vst v0  }
0x28: {  	[tilespmem:s3+$0x30] =	vst v0  }
0x29: {  	[tilespmem:s3+$0x40] =	vst v0  }
0x2a: {  	[tilespmem:s3+$0x50] =	vst v0  }
0x2b: {  	[tilespmem:s3+$0x60] =	vst v0  }
0x2c: {  	[tilespmem:$0x8000] =	vst v0  }
0x2d: {  	[tilespmem:$0x8010] =	vst v0  }
0x2e: {  	[tilespmem:$0x8020] =	vst v0  }
0x2f: {  	[tilespmem:$0x8030] =	vst v0  }
0x30: {  	[tilespmem:$0x8040] =	vst v0  }
0x31: {  	[tilespmem:$0x8050] =	vst v0  }
0x32: {  	[tilespmem:$0x8060] =	vst v0  }
0x33: {  	s14 =	simm.s32 $0x0;
	[tilespmem:$0x8070] =	vst v0  }
0x34: {  	[spmem:s8] =	stream.linear.scatter [tilespmem:s14], [sflag:$0x5], $0x2000, $0x38;
	[tilespmem:$0xA240] =	vst v63  }
0x35: {  	_ =	swait.ge [sflag:s20], $0x2000  }
0x36: {  	[sflag:s20] =	ssyncset.done $0x0  }
0x37: {  	[sflag:s20] =	ssyncadd.s32 $0xFFFFE000  }
0x38: {  	[spmem:s9] =	stream.linear.scatter [tilespmem:s21], [sflag:$0x5], $0x40, $0x38;
	[tilespmem:$0xA240] =	vst v63  }
0x39: {  	_ =	swait.ge [sflag:s20], $0x40  }
0x3a: {  	[sflag:s20] =	ssyncset.done $0x0  }
0x3b: {  	[sflag:s20] =	ssyncadd.s32 $0xFFFFFFC0  }
0x3c: {  	[bflag:$0x0] =	sbarrier.arrive $0xFFFF  }
0x3d: {  	s6 =	rddreg [dreg:$0x5]  }
0x3e: {  	[tilespmem:s14], [sflag:$0x1] =	stream.linear.gather [hbm4b:s6+s14], $0x4000, $0x38;
	[tilespmem:$0xA240] =	vst v63  }
0x3f: {  	s15 =	rddreg [dreg:$0x6]  }
0x40: {  	[tilespmem:s21], [sflag:$0x1] =	stream.linear.gather [hbm4b:s15+s14], $0x80, $0x38;
	[tilespmem:$0xA240] =	vst v63  }
0x41: {  	s11 =	sadd.s32 $0x0, s16;
	s10 =	rddreg [dreg:$0x7]  }
0x42: {  	[tilespmem:s22], [sflag:$0x1] =	stream.linear.gather [hbm4b:s10+s14], $0x80, $0x38;
	[tilespmem:$0xA240] =	vst v63  }
0x43: {  	s12 =	sadd.s32 $0x800, s11  }
0x44: {  	[tilespmem:s23], [sflag:$0x2] =	stream.linear.gather [hbm4b:s12+s4], $0x4000, $0x38;
	[tilespmem:$0xA240] =	vst v63  }
0x45: {  	_ = 	snop  }
0x46: {  	[tilespmem:s24], [sflag:$0x2] =	stream.linear.gather [hbm4b:s19+s4], $0x80, $0x38;
	[tilespmem:$0xA240] =	vst v63  }
0x47: {  	_ = 	snop  }
0x48: {  	[tilespmem:s25], [sflag:$0x2] =	stream.linear.gather [hbm4b:s18+s4], $0x80, $0x38;
	[tilespmem:$0xA240] =	vst v63  }
0x49: {  	_ =	swait.ge [sflag:s26], $0x4000  }
0x4a: {  	[sflag:s26] =	ssyncset.done $0x0  }
0x4b: {  	[sflag:s26] =	ssyncadd.s32 $0xFFFFC000  }
0x4c: {  	_ =	swait.ge [sflag:s26], $0x80  }
0x4d: {  	[sflag:s26] =	ssyncset.done $0x0  }
0x4e: {  	[sflag:s26] =	ssyncadd.s32 $0xFFFFFF80  }
0x4f: {  	_ =	swait.ge [sflag:s26], $0x80  }
0x50: {  	[sflag:s26] =	ssyncset.done $0x0  }
0x51: {  	[sflag:s26] =	ssyncadd.s32 $0xFFFFFF80  }
0x52: {  	[spmem:s2] =	stream.indirect.scatter.add.f32 [tilespmem:s21], [sflag:$0x3], $0x1, s22, s28, $0xb8;
	[tilespmem:$0xA240] =	vst v63  }
0x53: {  	_ = 	snop  }
0x54: {  	[spmem:s1] =	stream.indirect.scatter.add.f32 [tilespmem:s4], [sflag:$0x5], $0x80, s22, s28, $0xb8;
	[tilespmem:$0xA240] =	vst v63  }
0x55: {  	_ =	swait.ge [sflag:s20], $0x4000  }
0x56: {  	[sflag:s20] =	ssyncset.done $0x0  }
0x57: {  	[sflag:s20] =	ssyncadd.s32 $0xFFFFC000  }
0x58: {  	_ =	swait.ge [sflag:s29], $0x80  }
0x59: {  	[sflag:s29] =	ssyncset.done $0x0  }
0x5a: {  	s13 =	sshrl.u32 s17, $0x3;
	s3 =	sadd.s32 $0x1000, s11;
	[sflag:s29] =	ssyncadd.s32 $0xFFFFFF80  }
0x5b: {  	[tilespmem:s4], [sflag:$0x1] =	stream.linear.gather [hbm4b:s3+s4], $0x4000, $0x38;
	[tilespmem:$0xA240] =	vst v63  }
0x5c: {  	s14 =	sadd.s32 s5, s13  }
0x5d: {  	[tilespmem:s21], [sflag:$0x1] =	stream.linear.gather [hbm4b:s14+s4], $0x80, $0x38;
	[tilespmem:$0xA240] =	vst v63  }
0x5e: {  	s15 =	sadd.s32 s7, s13  }
0x5f: {  	[tilespmem:s22], [sflag:$0x1] =	stream.linear.gather [hbm4b:s15+s4], $0x80, $0x38;
	[tilespmem:$0xA240] =	vst v63  }
0x60: {  	_ =	swait.ge [sflag:s30], $0x4000  }
0x61: {  	[sflag:s30] =	ssyncset.done $0x0  }
0x62: {  	[sflag:s30] =	ssyncadd.s32 $0xFFFFC000  }
0x63: {  	_ =	swait.ge [sflag:s30], $0x80  }
0x64: {  	[sflag:s30] =	ssyncset.done $0x0  }
0x65: {  	[sflag:s30] =	ssyncadd.s32 $0xFFFFFF80  }
0x66: {  	_ =	swait.ge [sflag:s30], $0x80  }
0x67: {  	[sflag:s30] =	ssyncset.done $0x0  }
0x68: {  	[sflag:s30] =	ssyncadd.s32 $0xFFFFFF80  }
0x69: {  	[spmem:s2] =	stream.indirect.scatter.add.f32 [tilespmem:s24], [sflag:$0x4], $0x1, s25, s28, $0xb8;
	[tilespmem:$0xA240] =	vst v63  }
0x6a: {  	_ = 	snop  }
0x6b: {  	[spmem:s1] =	stream.indirect.scatter.add.f32 [tilespmem:s23], [sflag:$0x5], $0x80, s25, s28, $0xb8;
	[tilespmem:$0xA240] =	vst v63  }
0x6c: {  	_ =	swait.ge [sflag:s20], $0x4000  }
0x6d: {  	[sflag:s20] =	ssyncset.done $0x0  }
0x6e: {  	s11 =	simm.s32 $0x2000;
	[sflag:s20] =	ssyncadd.s32 $0xFFFFC000  }
0x6f: {  	s6 =	sadd.s32 $0x20, s19;
	s10 =	sadd.s32 $0x20, s18;
	_ =	swait.ge [sflag:s31], $0x80  }
0x70: {  	s13 =	sadd.s32 $0x1000, s16;
	s3 =	sadd.s32 $0x100, s17;
	[sflag:s31] =	ssyncset.done $0x0  }
.LBB2_4:
0x71: {  	s15 =	sadd.s32 $0x800, s13  }
0x72: {  	[sflag:s31] =	ssyncadd.s32 $0xFFFFFF80;
	s12 =	smov.u32 s11;
	s14 =	sadd.s32 $0x1000, s11  }
0x73: {  	[tilespmem:s23], [sflag:$0x2] =	stream.linear.gather [hbm4b:s15+s4], $0x4000, $0x38;
	[tilespmem:$0xA240] =	vst v63  }
0x74: {  	p0 =	sne.s32 s11, $0xB000  }
0x75: {  	[tilespmem:s24], [sflag:$0x2] =	stream.linear.gather [hbm4b:s6+s4], $0x80, $0x38;
	[tilespmem:$0xA240] =	vst v63  }
0x76: {  	_ = 	snop  }
0x77: {  	[tilespmem:s25], [sflag:$0x2] =	stream.linear.gather [hbm4b:s10+s4], $0x80, $0x38;
	[tilespmem:$0xA240] =	vst v63  }
0x78: {  	_ =	swait.ge [sflag:s26], $0x4000  }
0x79: {  	[sflag:s26] =	ssyncset.done $0x0  }
0x7a: {  	[sflag:s26] =	ssyncadd.s32 $0xFFFFC000  }
0x7b: {  	_ =	swait.ge [sflag:s26], $0x80  }
0x7c: {  	[sflag:s26] =	ssyncset.done $0x0  }
0x7d: {  	[sflag:s26] =	ssyncadd.s32 $0xFFFFFF80  }
0x7e: {  	_ =	swait.ge [sflag:s26], $0x80  }
0x7f: {  	[sflag:s26] =	ssyncset.done $0x0  }
0x80: {  	[sflag:s26] =	ssyncadd.s32 $0xFFFFFF80  }
0x81: {  	[spmem:s2] =	stream.indirect.scatter.add.f32 [tilespmem:s21], [sflag:$0x3], $0x1, s22, s28, $0xb8;
	[tilespmem:$0xA240] =	vst v63  }
0x82: {  	_ = 	snop  }
0x83: {  	[spmem:s1] =	stream.indirect.scatter.add.f32 [tilespmem:s4], [sflag:$0x5], $0x80, s22, s28, $0xb8;
	[tilespmem:$0xA240] =	vst v63  }
0x84: {  	_ =	swait.ge [sflag:s20], $0x4000  }
0x85: {  	[sflag:s20] =	ssyncset.done $0x0  }
0x86: {  	[sflag:s20] =	ssyncadd.s32 $0xFFFFC000  }
0x87: {  	_ =	swait.ge [sflag:s29], $0x80  }
0x88: {  	[sflag:s29] =	ssyncset.done $0x0  }
0x89: {  	s11 =	sadd.s32 $0x1000, s13;
	s13 =	sshrl.u32 s3, $0x3;
	[sflag:s29] =	ssyncadd.s32 $0xFFFFFF80  }
0x8a: {  	[tilespmem:s4], [sflag:$0x1] =	stream.linear.gather [hbm4b:s11+s4], $0x4000, $0x38;
	[tilespmem:$0xA240] =	vst v63  }
0x8b: {  	s11 =	sadd.s32 s5, s13  }
0x8c: {  	[tilespmem:s21], [sflag:$0x1] =	stream.linear.gather [hbm4b:s11+s4], $0x80, $0x38;
	[tilespmem:$0xA240] =	vst v63  }
0x8d: {  	s11 =	sadd.s32 s7, s13  }
0x8e: {  	[tilespmem:s22], [sflag:$0x1] =	stream.linear.gather [hbm4b:s11+s4], $0x80, $0x38;
	[tilespmem:$0xA240] =	vst v63  }
0x8f: {  	_ =	swait.ge [sflag:s30], $0x4000  }
0x90: {  	[sflag:s30] =	ssyncset.done $0x0  }
0x91: {  	[sflag:s30] =	ssyncadd.s32 $0xFFFFC000  }
0x92: {  	_ =	swait.ge [sflag:s30], $0x80  }
0x93: {  	[sflag:s30] =	ssyncset.done $0x0  }
0x94: {  	[sflag:s30] =	ssyncadd.s32 $0xFFFFFF80  }
0x95: {  	_ =	swait.ge [sflag:s30], $0x80  }
0x96: {  	[sflag:s30] =	ssyncset.done $0x0  }
0x97: {  	[sflag:s30] =	ssyncadd.s32 $0xFFFFFF80  }
0x98: {  	[spmem:s2] =	stream.indirect.scatter.add.f32 [tilespmem:s24], [sflag:$0x4], $0x1, s25, s28, $0xb8;
	[tilespmem:$0xA240] =	vst v63  }
0x99: {  	_ = 	snop  }
0x9a: {  	[spmem:s1] =	stream.indirect.scatter.add.f32 [tilespmem:s23], [sflag:$0x5], $0x80, s25, s28, $0xb8;
	[tilespmem:$0xA240] =	vst v63  }
.Ltmp1:
0x9b: {  	_ =	swait.ge [sflag:s20], $0x4000;
	(pc) =	sbr.rel @p0 .LBB2_4-.Ltmp1, $4  }
0x9c: {  	[sflag:s20] =	ssyncset.done $0x0  }
0x9d: {  	s3 =	sadd.s32 $0x100, s3;
	[sflag:s20] =	ssyncadd.s32 $0xFFFFC000  }
0x9e: {  	s6 =	sadd.s32 $0x20, s6;
	s10 =	sadd.s32 $0x20, s10;
	_ =	swait.ge [sflag:s31], $0x80  }
0x9f: {  	s13 =	sadd.s32 s12, s16;
	s11 =	smov.u32 s14;
	[sflag:s31] =	ssyncset.done $0x0  }
0xa0: {  	s11 =	sadd.s32 $0x800, s13;
	[sflag:s31] =	ssyncadd.s32 $0xFFFFFF80  }
0xa1: {  	[tilespmem:s23], [sflag:$0x2] =	stream.linear.gather [hbm4b:s11+s4], $0x4000, $0x38;
	[tilespmem:$0xA240] =	vst v63  }
0xa2: {  	_ = 	snop  }
0xa3: {  	[tilespmem:s24], [sflag:$0x2] =	stream.linear.gather [hbm4b:s6+s4], $0x80, $0x38;
	[tilespmem:$0xA240] =	vst v63  }
0xa4: {  	_ = 	snop  }
0xa5: {  	[tilespmem:s25], [sflag:$0x2] =	stream.linear.gather [hbm4b:s10+s4], $0x80, $0x38;
	[tilespmem:$0xA240] =	vst v63  }
0xa6: {  	_ =	swait.ge [sflag:s26], $0x4000  }
0xa7: {  	[sflag:s26] =	ssyncset.done $0x0  }
0xa8: {  	[sflag:s26] =	ssyncadd.s32 $0xFFFFC000  }
0xa9: {  	_ =	swait.ge [sflag:s26], $0x80  }
0xaa: {  	[sflag:s26] =	ssyncset.done $0x0  }
0xab: {  	[sflag:s26] =	ssyncadd.s32 $0xFFFFFF80  }
0xac: {  	_ =	swait.ge [sflag:s26], $0x80  }
0xad: {  	[sflag:s26] =	ssyncset.done $0x0  }
0xae: {  	[sflag:s26] =	ssyncadd.s32 $0xFFFFFF80  }
0xaf: {  	[spmem:s2] =	stream.indirect.scatter.add.f32 [tilespmem:s21], [sflag:$0x3], $0x1, s22, s28, $0xb8;
	[tilespmem:$0xA240] =	vst v63  }
0xb0: {  	_ = 	snop  }
0xb1: {  	[spmem:s1] =	stream.indirect.scatter.add.f32 [tilespmem:s4], [sflag:$0x5], $0x80, s22, s28, $0xb8;
	[tilespmem:$0xA240] =	vst v63  }
0xb2: {  	_ =	swait.ge [sflag:s20], $0x4000  }
0xb3: {  	[sflag:s20] =	ssyncset.done $0x0  }
0xb4: {  	[sflag:s20] =	ssyncadd.s32 $0xFFFFC000  }
0xb5: {  	_ =	swait.ge [sflag:s29], $0x80  }
0xb6: {  	[sflag:s29] =	ssyncset.done $0x0  }
0xb7: {  	s15 =	sadd.s32 $0x1000, s13;
	s3 =	sshrl.u32 s3, $0x3;
	[sflag:s29] =	ssyncadd.s32 $0xFFFFFF80  }
0xb8: {  	[tilespmem:s4], [sflag:$0x1] =	stream.linear.gather [hbm4b:s15+s4], $0x4000, $0x38;
	[tilespmem:$0xA240] =	vst v63  }
0xb9: {  	s10 =	sadd.s32 s5, s3  }
0xba: {  	[tilespmem:s21], [sflag:$0x1] =	stream.linear.gather [hbm4b:s10+s4], $0x80, $0x38;
	[tilespmem:$0xA240] =	vst v63  }
0xbb: {  	s3 =	sadd.s32 s7, s3  }
0xbc: {  	[tilespmem:s22], [sflag:$0x1] =	stream.linear.gather [hbm4b:s3+s4], $0x80, $0x38;
	[tilespmem:$0xA240] =	vst v63  }
0xbd: {  	_ =	swait.ge [sflag:s30], $0x4000  }
0xbe: {  	[sflag:s30] =	ssyncset.done $0x0  }
0xbf: {  	[sflag:s30] =	ssyncadd.s32 $0xFFFFC000  }
0xc0: {  	_ =	swait.ge [sflag:s30], $0x80  }
0xc1: {  	[sflag:s30] =	ssyncset.done $0x0  }
0xc2: {  	[sflag:s30] =	ssyncadd.s32 $0xFFFFFF80  }
0xc3: {  	_ =	swait.ge [sflag:s30], $0x80  }
0xc4: {  	[sflag:s30] =	ssyncset.done $0x0  }
0xc5: {  	[sflag:s30] =	ssyncadd.s32 $0xFFFFFF80  }
0xc6: {  	[spmem:s2] =	stream.indirect.scatter.add.f32 [tilespmem:s24], [sflag:$0x4], $0x1, s25, s28, $0xb8;
	[tilespmem:$0xA240] =	vst v63  }
0xc7: {  	_ = 	snop  }
0xc8: {  	[spmem:s1] =	stream.indirect.scatter.add.f32 [tilespmem:s23], [sflag:$0x5], $0x80, s25, s28, $0xb8;
	[tilespmem:$0xA240] =	vst v63  }
0xc9: {  	_ =	swait.ge [sflag:s20], $0x4000  }
0xca: {  	[sflag:s20] =	ssyncset.done $0x0  }
0xcb: {  	[sflag:s20] =	ssyncadd.s32 $0xFFFFC000  }
0xcc: {  	_ =	swait.ge [sflag:s31], $0x80  }
0xcd: {  	[sflag:s31] =	ssyncset.done $0x0  }
0xce: {  	[sflag:s31] =	ssyncadd.s32 $0xFFFFFF80  }
0xcf: {  	_ =	swait.ge [sflag:s26], $0x4000  }
0xd0: {  	[sflag:s26] =	ssyncset.done $0x0  }
0xd1: {  	[sflag:s26] =	ssyncadd.s32 $0xFFFFC000  }
0xd2: {  	_ =	swait.ge [sflag:s26], $0x80  }
0xd3: {  	[sflag:s26] =	ssyncset.done $0x0  }
0xd4: {  	[sflag:s26] =	ssyncadd.s32 $0xFFFFFF80  }
0xd5: {  	_ =	swait.ge [sflag:s26], $0x80  }
0xd6: {  	[sflag:s26] =	ssyncset.done $0x0  }
0xd7: {  	[sflag:s26] =	ssyncadd.s32 $0xFFFFFF80  }
0xd8: {  	[spmem:s2] =	stream.indirect.scatter.add.f32 [tilespmem:s21], [sflag:$0x3], $0x1, s22, s28, $0xb8;
	[tilespmem:$0xA240] =	vst v63  }
0xd9: {  	_ = 	snop  }
0xda: {  	[spmem:s1] =	stream.indirect.scatter.add.f32 [tilespmem:s4], [sflag:$0x5], $0x80, s22, s28, $0xb8;
	[tilespmem:$0xA240] =	vst v63  }
0xdb: {  	_ =	swait.ge [sflag:s20], $0x4000  }
0xdc: {  	[sflag:s20] =	ssyncset.done $0x0  }
0xdd: {  	[sflag:s20] =	ssyncadd.s32 $0xFFFFC000  }
0xde: {  	_ =	swait.ge [sflag:s29], $0x80  }
0xdf: {  	[sflag:s29] =	ssyncset.done $0x0  }
0xe0: {  	[sflag:s29] =	ssyncadd.s32 $0xFFFFFF80  }
0xe1: {  	[bflag:$0x0] =	sbarrier.arrive $0xFFFF  }
0xe2: {  	s11 =	rddreg [dreg:$0x4]  }
0xe3: {  	s12 =	sshrl.u32 s8, $0x3;
	s13 =	rddreg [dreg:$0x8];
	s3 =	sor.u32 $0x1C05, s11  }
0xe4: {  	[hbm:s13], [sflag:s3] =	dma.local [spmem:s12], $0x400  }
0xe5: {  	_ =	swait.ge [sflag:s20], $0x400  }
0xe6: {  	[sflag:s20] =	ssyncset.done $0x0  }
0xe7: {  	[sflag:s20] =	ssyncadd.s32 $0xFFFFFC00  }
0xe8: {  	[tilespmem:s21], [sflag:$0x5] =	stream.linear.gather [spmem:s9], $0x40, $0x38;
	[tilespmem:$0xA240] =	vst v63  }
0xe9: {  	_ =	swait.ge [sflag:s20], $0x40  }
0xea: {  	[sflag:s20] =	ssyncset.done $0x0  }
0xeb: {  	s14 =	rddreg [dreg:$0x9];
	[sflag:s20] =	ssyncadd.s32 $0xFFFFFFC0  }
0xec: {  	[hbm4b:s14+s4] =	stream.linear.scatter [tilespmem:s21], [sflag:$0x5], $0x40, $0x38;
	[tilespmem:$0xA240] =	vst v63  }
0xed: {  	_ =	swait.ge [sflag:s20], $0x40  }
0xee: {  	s0 =	sadd.s32 $0x1, s0;
	s15 =	rddreg [dreg:$0xa]  }
0xef: {  	p0 =	sne.s32 s0, s15  }
.Ltmp2:
0xf0: {  	_ = 	snop;
	(pc) =	sbr.rel @p0 .LBB2_1-.Ltmp2, $3  }
0xf1: {  	_ =	sdelay $0x1  }
0xf2: {  	[sflag:s20] =	ssyncset.done $0x0  }
0xf3: {  	[sflag:s20] =	ssyncadd.s32 $0xFFFFFFC0  }
0xf4: {  	_ =	sfence.sel $0x180000  }
0xf5: {  	[bflag:$0x0] =	sbarrier.arrive $0xFFFF  }
0xf6: {  	_ =	strace $0x9000004A  }
0xf7: {  	s0 =	stileid.u32;
	[bflag:$0x2] =	sbarrier.arrive $0xFFFF  }
0xf8: {  	p0 =	sne.s32 s0, $0x0;
	s0 =	rddreg [dreg:$0x3]  }
0xf9: {  	s0 =	sadd.s32 @!p0 $0x100000, s0  }
0xfa: {  	[sflag:s0] =	ssyncadd.tile.s32 @!p0 $0x1;
	_ =	shalt  }
.Lfunc_end2:
_tile_overlayer_lowered:
.L_overlay_start_2:
0xfb: {  	(tag) =	ssettag $0x2  }
0xfc: {  	s0 =	rddreg [dreg:$0x0];
	s2 =	stileid.u32  }
0xfd: {  	s1 =	rddreg [dreg:$0x1];
	p0 =	sne.s32 s2, $0x0  }
0xfe: {  	s3 =	rddreg [dreg:$0x2];
	[bflag:$0x3] =	sbarrier.arrive $0xFFFF;
	s2 =	simm.s32 @!p0 $0x1C05  }
0xff: {  	[timem:s3], [sflag:s2] =	dma.local @!p0 [hbm:s0], s1  }
0x100: {  	s0 =	simm.s32 @!p0 $0x5  }
0x101: {  	_ =	swait.ge @!p0 [sflag:s0], s1  }
0x102: {  	s1 =	ssub.s32 @!p0 $0x0, s1;
	[sflag:s0] =	ssyncset.done @!p0 $0x0  }
0x103: {  	[sflag:s0] =	ssyncadd.s32 @!p0 s1  }
0x104: {  	[bflag:$0x3] =	sbarrier.arrive $0xFFFF  }
0x105: {  	_ =	shalt  }

</sc_bundles>
